<compile_context>
chip_gen: v7x
topology: tpu7x:2x2x1
jax: 0.10.2.dev20260603
libtpu: 0.0.44.dev20260713+nightly
codegen_flags: <defaults>
</compile_context>

<pallas_src>
import functools

import jax
import jax.numpy as jnp
from jax import lax
from jax.experimental import pallas as pl
from jax.experimental.pallas import tpu as pltpu
from jax.experimental.pallas import tpu_sc as plsc

_MAX_REL_POS = 128
_DIM = 64
_ROWS = 2 * _MAX_REL_POS + 1
_LANES = 16
_JB = 512
_NBUF = 3


def _build_block(buf, tblw, k):

    def dbody(d, carry):
        v = plsc.load_gather(tblw, [jnp.full((_LANES,), k, jnp.int32),
                                    jnp.full((_LANES,), d, jnp.int32)])
        for c in range(_JB // _LANES):
            buf[d, pl.ds(c * _LANES, _LANES)] = v
        return carry

    lax.fori_loop(0, _DIM, dbody, 0)


def _build_small(buf, tblw, k, width):
    def dbody(d, carry):
        v = plsc.load_gather(tblw, [jnp.full((_LANES,), k, jnp.int32),
                                    jnp.full((_LANES,), d, jnp.int32)])
        for c in range(width // _LANES):
            buf[d, pl.ds(c * _LANES, _LANES)] = v
        return carry

    lax.fori_loop(0, _DIM, dbody, 0)


def _sc_body(seq_len, n_workers, rows_per_worker, tbl_hbm, out_hbm,
             tblw, tbll, buf0, buf1, buf2, lbuf,
             sem0, sem1, sem2, lsem):
    wid = lax.axis_index("s") * 2 + lax.axis_index("c")
    bufs = (buf0, buf1, buf2)
    sems = (sem0, sem1, sem2)
    n_chunks = seq_len // _JB
    base = wid * rows_per_worker

    pltpu.sync_copy(tbl_hbm.at[pl.ds(base, rows_per_worker)], tblw)

    first_left = n_workers * rows_per_worker
    jb = 128
    n_sl = seq_len // jb

    @pl.when(wid < n_sl)
    def _():
        pltpu.sync_copy(tbl_hbm.at[pl.ds(first_left, 8)], tbll)
        _build_small(lbuf, tbll, 0, jb)
        pltpu.async_copy(lbuf,
                         out_hbm.at[first_left, :, pl.ds(wid * jb, jb)],
                         lsem)

    handles = [[], [], []]

    for k in range(rows_per_worker):
        p = k % _NBUF
        for h in handles[p]:
            h.wait()
        handles[p] = []
        _build_block(bufs[p], tblw, k)
        for c in range(n_chunks):
            handles[p].append(
                pltpu.async_copy(bufs[p],
                                 out_hbm.at[base + k, :,
                                            pl.ds(c * _JB, _JB)],
                                 sems[p]))

    for p in range(_NBUF):
        for h in handles[p]:
            h.wait()

    @pl.when(wid < n_sl)
    def _():
        pltpu.make_async_copy(
            lbuf, out_hbm.at[first_left, :, pl.ds(wid * jb, jb)],
            lsem).wait()


def kernel(time, table):
    _, seq_len = time.shape
    n_workers = 32
    rows_per_worker = _ROWS // n_workers
    assert seq_len % _JB == 0 and seq_len % 128 == 0

    te = jnp.pad(table, ((0, (-_ROWS) % 8), (0, 0)))

    mesh = plsc.VectorSubcoreMesh(core_axis_name="c", subcore_axis_name="s")
    body = functools.partial(_sc_body, seq_len, n_workers, rows_per_worker)
    f = pl.kernel(
        body,
        out_type=jax.ShapeDtypeStruct((_ROWS, _DIM, seq_len), jnp.float32),
        mesh=mesh,
        scratch_types=[
            pltpu.VMEM((rows_per_worker, _DIM), jnp.float32),
            pltpu.VMEM((8, _DIM), jnp.float32),
            pltpu.VMEM((_DIM, _JB), jnp.float32),
            pltpu.VMEM((_DIM, _JB), jnp.float32),
            pltpu.VMEM((_DIM, _JB), jnp.float32),
            pltpu.VMEM((_DIM, 128), jnp.float32),
            pltpu.SemaphoreType.DMA,
            pltpu.SemaphoreType.DMA,
            pltpu.SemaphoreType.DMA,
            pltpu.SemaphoreType.DMA,
        ],
        compiler_params=pltpu.CompilerParams(use_tc_tiling_on_sc=True,
                                             needs_layout_passes=False),
    )
    out = f(te)
    return jnp.swapaxes(out, 1, 2)

# --- scband reference (transcript-rebuilt; emitter-appended) ---
"""Pipeline reference for scband-relative-position-embeddings-47485158425192 (READ-ONLY COPY).

The authoritative reference and input builder live on the scoring server;
editing this copy changes nothing except your own understanding.
"""

import jax, jax.numpy as jnp
import numpy as np

MAX_REL_POS = 128
DIM = 64

def setup_inputs(seed: int = 0) -> dict:
    key = jax.random.key(seed)
    k1, k2 = jax.random.split(key)
    time = jax.random.randint(k1, (2, 2048), 0, 1000, dtype=jnp.int64 if jax.config.jax_enable_x64 else jnp.int32).astype(jnp.int32)
    table = jax.random.normal(k2, (2 * MAX_REL_POS + 1, DIM), dtype=jnp.float32)
    return {"time": time, "table": table}

def reference(time, table):
    # Faithful translation of RelativePositionEmbeddings.forward
    batch_size, seq_len = time.shape
    rel_pos = jnp.arange(-MAX_REL_POS, MAX_REL_POS + 1)            # [2*max+1]
    rel_pos = jnp.tile(rel_pos[None, :], (seq_len, 1))              # [seq_len, 2*max+1]
    rel_pos = rel_pos.T                                             # [2*max+1, seq_len]
    idx = rel_pos + MAX_REL_POS                                     # values in [0, 2*max]
    out = jnp.take(table, idx, axis=0)                              # [2*max+1, seq_len, dim]
    return out

if __name__ == "__main__":
    import jax
    _d = setup_inputs()
    print(jax.jit(kernel)(*tuple(_d.values())))

</pallas_src>

<mosaic_0001>
#map = affine_map<(d0, d1) -> (0, 0)>
#map1 = affine_map<(d0, d1) -> (0, 0, 0)>
module attributes {stable_mosaic.version = 14 : i64} {
  func.func @_sc_body(%arg0: i32, %arg1: i32, %arg2: memref<264x64xf32, #tpu.memory_space<hbm>>, %arg3: memref<257x64x2048xf32, #tpu.memory_space<hbm>>, %arg4: memref<8x64xf32, #tpu.memory_space<vmem>>, %arg5: memref<8x64xf32, #tpu.memory_space<vmem>>, %arg6: memref<64x512xf32, #tpu.memory_space<vmem>>, %arg7: memref<64x512xf32, #tpu.memory_space<vmem>>, %arg8: memref<64x512xf32, #tpu.memory_space<vmem>>, %arg9: memref<64x128xf32, #tpu.memory_space<vmem>>, %arg10: memref<!tpu.dma_semaphore, #tpu.memory_space<semaphore_mem>>, %arg11: memref<!tpu.dma_semaphore, #tpu.memory_space<semaphore_mem>>, %arg12: memref<!tpu.dma_semaphore, #tpu.memory_space<semaphore_mem>>, %arg13: memref<!tpu.dma_semaphore, #tpu.memory_space<semaphore_mem>>) attributes {dimension_semantics = [#tpu.dimension_semantics<core_parallel>, #tpu.dimension_semantics<subcore_parallel>], iteration_bounds = array<i64: 2, 16>, scalar_prefetch = 0 : i64, scratch_operands = 10 : i64, tpu.core_type = #tpu.core_type<sc_vector_subcore>, window_params = [{transform_indices = #map}, {transform_indices = #map1}]} {
    %mul3A = arith.constant 2 : i32
    %mul3A_0 = arith.muli %arg1, %mul3A : i32
    %add3A = arith.addi %mul3A_0, %arg0 : i32
    %mul3A_1 = arith.constant 8 : i32
    %mul3A_2 = arith.muli %add3A, %mul3A_1 : i32
    "tpu.region"() ({
      %run_scoped3A = tpu.sem_alloc : memref<!tpu.dma_semaphore, #tpu.memory_space<semaphore_mem>>
      %dma_start3A_631 = arith.constant 0 : i32
      %dma_start3A_632 = tpu.memref_slice %arg2[%mul3A_2, %dma_start3A_631] : memref<264x64xf32, #tpu.memory_space<hbm>> -> memref<8x64xf32, #tpu.memory_space<hbm>>
      %dma_start3A_633 = arith.constant 0 : i32
      %dma_start3A_634 = tpu.memref_slice %arg2[%mul3A_2, %dma_start3A_633] : memref<264x64xf32, #tpu.memory_space<hbm>> -> memref<8x64xf32, #tpu.memory_space<hbm>>
      tpu.enqueue_dma source(%dma_start3A_634 : memref<8x64xf32, #tpu.memory_space<hbm>>) target(%arg4 : memref<8x64xf32, #tpu.memory_space<vmem>>) target_semaphore(%run_scoped3A : memref<!tpu.dma_semaphore, #tpu.memory_space<semaphore_mem>>)
      %dma_wait3A_635 = arith.constant 0 : i32
      %dma_wait3A_636 = tpu.memref_slice %arg2[%mul3A_2, %dma_wait3A_635] : memref<264x64xf32, #tpu.memory_space<hbm>> -> memref<8x64xf32, #tpu.memory_space<hbm>>
      %dma_wait3A_637 = arith.constant 0 : i32
      %dma_wait3A_638 = tpu.memref_slice %arg2[%mul3A_2, %dma_wait3A_637] : memref<264x64xf32, #tpu.memory_space<hbm>> -> memref<8x64xf32, #tpu.memory_space<hbm>>
      tpu.wait_dma2 semaphore(%run_scoped3A : memref<!tpu.dma_semaphore, #tpu.memory_space<semaphore_mem>>) src(%dma_wait3A_638 : memref<8x64xf32, #tpu.memory_space<hbm>>) dst(%arg4 : memref<8x64xf32, #tpu.memory_space<vmem>>)
      tpu.yield
    }) : () -> ()
    %lt3A = arith.constant 16 : i32
    %lt3A_3 = arith.cmpi slt, %add3A, %lt3A : i32
    %convert_element_type3A = arith.extui %lt3A_3 : i1 to i32
    %cond3A = arith.constant 0 : i32
    %cond3A_4 = arith.cmpi ne, %convert_element_type3A, %cond3A : i32
    scf.if %cond3A_4 {
      "tpu.region"() ({
        %run_scoped3A = tpu.sem_alloc : memref<!tpu.dma_semaphore, #tpu.memory_space<semaphore_mem>>
        %dma_start3A_646 = arith.constant 256 : i32
        %dma_start3A_647 = arith.constant 0 : i32
        %dma_start3A_648 = tpu.memref_slice %arg2[%dma_start3A_646, %dma_start3A_647] : memref<264x64xf32, #tpu.memory_space<hbm>> -> memref<8x64xf32, #tpu.memory_space<hbm>>
        %dma_start3A_649 = arith.constant 256 : i32
        %dma_start3A_650 = arith.constant 0 : i32
        %dma_start3A_651 = tpu.memref_slice %arg2[%dma_start3A_649, %dma_start3A_650] : memref<264x64xf32, #tpu.memory_space<hbm>> -> memref<8x64xf32, #tpu.memory_space<hbm>>
        tpu.enqueue_dma source(%dma_start3A_651 : memref<8x64xf32, #tpu.memory_space<hbm>>) target(%arg5 : memref<8x64xf32, #tpu.memory_space<vmem>>) target_semaphore(%run_scoped3A : memref<!tpu.dma_semaphore, #tpu.memory_space<semaphore_mem>>)
        %dma_wait3A_652 = arith.constant 256 : i32
        %dma_wait3A_653 = arith.constant 0 : i32
        %dma_wait3A_654 = tpu.memref_slice %arg2[%dma_wait3A_652, %dma_wait3A_653] : memref<264x64xf32, #tpu.memory_space<hbm>> -> memref<8x64xf32, #tpu.memory_space<hbm>>
        %dma_wait3A_655 = arith.constant 256 : i32
        %dma_wait3A_656 = arith.constant 0 : i32
        %dma_wait3A_657 = tpu.memref_slice %arg2[%dma_wait3A_655, %dma_wait3A_656] : memref<264x64xf32, #tpu.memory_space<hbm>> -> memref<8x64xf32, #tpu.memory_space<hbm>>
        tpu.wait_dma2 semaphore(%run_scoped3A : memref<!tpu.dma_semaphore, #tpu.memory_space<semaphore_mem>>) src(%dma_wait3A_657 : memref<8x64xf32, #tpu.memory_space<hbm>>) dst(%arg5 : memref<8x64xf32, #tpu.memory_space<vmem>>)
        tpu.yield
      }) : () -> ()
      %scan3A_631 = arith.constant 0 : i32
      %scan3A_632 = arith.constant 0 : i32
      %scan3A_633 = arith.constant 64 : i32
      %scan3A_634 = arith.addi %scan3A_632, %scan3A_633 : i32
      %scan3A_635 = arith.constant 1 : i32
      scf.for %scan3A_646 = %scan3A_632 to %scan3A_634 step %scan3A_635  : i32 {
        %broadcast_in_dim3A = arith.constant 0 : i32
        %broadcast_in_dim3A_647 = vector.broadcast %broadcast_in_dim3A : i32 to vector<16xi32>
        %broadcast_in_dim3A_648 = vector.broadcast %scan3A_646 : i32 to vector<16xi32>
        %gather3A = tpu.vector_load_idx %arg5[%broadcast_in_dim3A_647, %broadcast_in_dim3A_648] : memref<8x64xf32, #tpu.memory_space<vmem>>[vector<16xi32>, vector<16xi32>], vector<16xf32>,
        %swap3A = arith.index_cast %scan3A_646 : i32 to index
        %swap3A_649 = arith.constant 0 : index
        %swap3A_650 = tpu.vector_load %arg9[%swap3A, %swap3A_649] {strides = array<i32>} : memref<64x128xf32, #tpu.memory_space<vmem>>, vector<16xf32>,
        tpu.vector_store %arg9[%swap3A, %swap3A_649], %gather3A {strides = array<i32>} : memref<64x128xf32, #tpu.memory_space<vmem>>, vector<16xf32>,
        %swap3A_651 = arith.index_cast %scan3A_646 : i32 to index
        %swap3A_652 = arith.constant 16 : index
        %swap3A_653 = tpu.vector_load %arg9[%swap3A_651, %swap3A_652] {strides = array<i32>} : memref<64x128xf32, #tpu.memory_space<vmem>>, vector<16xf32>,
        tpu.vector_store %arg9[%swap3A_651, %swap3A_652], %gather3A {strides = array<i32>} : memref<64x128xf32, #tpu.memory_space<vmem>>, vector<16xf32>,
        %swap3A_654 = arith.index_cast %scan3A_646 : i32 to index
        %swap3A_655 = arith.constant 32 : index
        %swap3A_656 = tpu.vector_load %arg9[%swap3A_654, %swap3A_655] {strides = array<i32>} : memref<64x128xf32, #tpu.memory_space<vmem>>, vector<16xf32>,
        tpu.vector_store %arg9[%swap3A_654, %swap3A_655], %gather3A {strides = array<i32>} : memref<64x128xf32, #tpu.memory_space<vmem>>, vector<16xf32>,
        %swap3A_657 = arith.index_cast %scan3A_646 : i32 to index
        %swap3A_658 = arith.constant 48 : index
        %swap3A_659 = tpu.vector_load %arg9[%swap3A_657, %swap3A_658] {strides = array<i32>} : memref<64x128xf32, #tpu.memory_space<vmem>>, vector<16xf32>,
        tpu.vector_store %arg9[%swap3A_657, %swap3A_658], %gather3A {strides = array<i32>} : memref<64x128xf32, #tpu.memory_space<vmem>>, vector<16xf32>,
        %swap3A_660 = arith.index_cast %scan3A_646 : i32 to index
        %swap3A_661 = arith.constant 64 : index
        %swap3A_662 = tpu.vector_load %arg9[%swap3A_660, %swap3A_661] {strides = array<i32>} : memref<64x128xf32, #tpu.memory_space<vmem>>, vector<16xf32>,
        tpu.vector_store %arg9[%swap3A_660, %swap3A_661], %gather3A {strides = array<i32>} : memref<64x128xf32, #tpu.memory_space<vmem>>, vector<16xf32>,
        %swap3A_663 = arith.index_cast %scan3A_646 : i32 to index
        %swap3A_664 = arith.constant 80 : index
        %swap3A_665 = tpu.vector_load %arg9[%swap3A_663, %swap3A_664] {strides = array<i32>} : memref<64x128xf32, #tpu.memory_space<vmem>>, vector<16xf32>,
        tpu.vector_store %arg9[%swap3A_663, %swap3A_664], %gather3A {strides = array<i32>} : memref<64x128xf32, #tpu.memory_space<vmem>>, vector<16xf32>,
        %swap3A_666 = arith.index_cast %scan3A_646 : i32 to index
        %swap3A_667 = arith.constant 96 : index
        %swap3A_668 = tpu.vector_load %arg9[%swap3A_666, %swap3A_667] {strides = array<i32>} : memref<64x128xf32, #tpu.memory_space<vmem>>, vector<16xf32>,
        tpu.vector_store %arg9[%swap3A_666, %swap3A_667], %gather3A {strides = array<i32>} : memref<64x128xf32, #tpu.memory_space<vmem>>, vector<16xf32>,
        %swap3A_669 = arith.index_cast %scan3A_646 : i32 to index
        %swap3A_670 = arith.constant 112 : index
        %swap3A_671 = tpu.vector_load %arg9[%swap3A_669, %swap3A_670] {strides = array<i32>} : memref<64x128xf32, #tpu.memory_space<vmem>>, vector<16xf32>,
        tpu.vector_store %arg9[%swap3A_669, %swap3A_670], %gather3A {strides = array<i32>} : memref<64x128xf32, #tpu.memory_space<vmem>>, vector<16xf32>,
      }
      %scan3A_636 = arith.constant 64 : i32
      %mul3A_637 = arith.constant 128 : i32
      %mul3A_638 = arith.muli %add3A, %mul3A_637 : i32
      %dma_start3A_639 = arith.constant 256 : i32
      %dma_start3A_640 = arith.constant 0 : i32
      %dma_start3A_641 = tpu.memref_slice %arg3[%dma_start3A_639, %dma_start3A_640, %mul3A_638] : memref<257x64x2048xf32, #tpu.memory_space<hbm>> -> memref<1x64x128xf32, #tpu.memory_space<hbm>>
      %dma_start3A_642 = tpu.memref_squeeze %dma_start3A_641 : memref<1x64x128xf32, #tpu.memory_space<hbm>> -> memref<64x128xf32, #tpu.memory_space<hbm>>
      %dma_start3A_643 = arith.constant 0 : i32
      %dma_start3A_644 = tpu.memref_slice %arg3[%dma_start3A_639, %dma_start3A_643, %mul3A_638] : memref<257x64x2048xf32, #tpu.memory_space<hbm>> -> memref<1x64x128xf32, #tpu.memory_space<hbm>>
      %dma_start3A_645 = tpu.memref_squeeze %dma_start3A_644 : memref<1x64x128xf32, #tpu.memory_space<hbm>> -> memref<64x128xf32, #tpu.memory_space<hbm>>
      tpu.enqueue_dma source(%arg9 : memref<64x128xf32, #tpu.memory_space<vmem>>) target(%dma_start3A_645 : memref<64x128xf32, #tpu.memory_space<hbm>>) target_semaphore(%arg13 : memref<!tpu.dma_semaphore, #tpu.memory_space<semaphore_mem>>)
    } else {
    }
    %scan3A = arith.constant 0 : i32
    %scan3A_5 = arith.constant 0 : i32
    %scan3A_6 = arith.constant 64 : i32
    %scan3A_7 = arith.addi %scan3A_5, %scan3A_6 : i32
    %scan3A_8 = arith.constant 1 : i32
    scf.for %scan3A_631 = %scan3A_5 to %scan3A_7 step %scan3A_8  : i32 {
      %broadcast_in_dim3A = arith.constant 0 : i32
      %broadcast_in_dim3A_632 = vector.broadcast %broadcast_in_dim3A : i32 to vector<16xi32>
      %broadcast_in_dim3A_633 = vector.broadcast %scan3A_631 : i32 to vector<16xi32>
      %gather3A = tpu.vector_load_idx %arg4[%broadcast_in_dim3A_632, %broadcast_in_dim3A_633] : memref<8x64xf32, #tpu.memory_space<vmem>>[vector<16xi32>, vector<16xi32>], vector<16xf32>,
      %swap3A = arith.index_cast %scan3A_631 : i32 to index
      %swap3A_634 = arith.constant 0 : index
      %swap3A_635 = tpu.vector_load %arg6[%swap3A, %swap3A_634] {strides = array<i32>} : memref<64x512xf32, #tpu.memory_space<vmem>>, vector<16xf32>,
      tpu.vector_store %arg6[%swap3A, %swap3A_634], %gather3A {strides = array<i32>} : memref<64x512xf32, #tpu.memory_space<vmem>>, vector<16xf32>,
      %swap3A_636 = arith.index_cast %scan3A_631 : i32 to index
      %swap3A_637 = arith.constant 16 : index
      %swap3A_638 = tpu.vector_load %arg6[%swap3A_636, %swap3A_637] {strides = array<i32>} : memref<64x512xf32, #tpu.memory_space<vmem>>, vector<16xf32>,
      tpu.vector_store %arg6[%swap3A_636, %swap3A_637], %gather3A {strides = array<i32>} : memref<64x512xf32, #tpu.memory_space<vmem>>, vector<16xf32>,
      %swap3A_639 = arith.index_cast %scan3A_631 : i32 to index
      %swap3A_640 = arith.constant 32 : index
      %swap3A_641 = tpu.vector_load %arg6[%swap3A_639, %swap3A_640] {strides = array<i32>} : memref<64x512xf32, #tpu.memory_space<vmem>>, vector<16xf32>,
      tpu.vector_store %arg6[%swap3A_639, %swap3A_640], %gather3A {strides = array<i32>} : memref<64x512xf32, #tpu.memory_space<vmem>>, vector<16xf32>,
      %swap3A_642 = arith.index_cast %scan3A_631 : i32 to index
      %swap3A_643 = arith.constant 48 : index
      %swap3A_644 = tpu.vector_load %arg6[%swap3A_642, %swap3A_643] {strides = array<i32>} : memref<64x512xf32, #tpu.memory_space<vmem>>, vector<16xf32>,
      tpu.vector_store %arg6[%swap3A_642, %swap3A_643], %gather3A {strides = array<i32>} : memref<64x512xf32, #tpu.memory_space<vmem>>, vector<16xf32>,
      %swap3A_645 = arith.index_cast %scan3A_631 : i32 to index
      %swap3A_646 = arith.constant 64 : index
      %swap3A_647 = tpu.vector_load %arg6[%swap3A_645, %swap3A_646] {strides = array<i32>} : memref<64x512xf32, #tpu.memory_space<vmem>>, vector<16xf32>,
      tpu.vector_store %arg6[%swap3A_645, %swap3A_646], %gather3A {strides = array<i32>} : memref<64x512xf32, #tpu.memory_space<vmem>>, vector<16xf32>,
      %swap3A_648 = arith.index_cast %scan3A_631 : i32 to index
      %swap3A_649 = arith.constant 80 : index
      %swap3A_650 = tpu.vector_load %arg6[%swap3A_648, %swap3A_649] {strides = array<i32>} : memref<64x512xf32, #tpu.memory_space<vmem>>, vector<16xf32>,
      tpu.vector_store %arg6[%swap3A_648, %swap3A_649], %gather3A {strides = array<i32>} : memref<64x512xf32, #tpu.memory_space<vmem>>, vector<16xf32>,
      %swap3A_651 = arith.index_cast %scan3A_631 : i32 to index
      %swap3A_652 = arith.constant 96 : index
      %swap3A_653 = tpu.vector_load %arg6[%swap3A_651, %swap3A_652] {strides = array<i32>} : memref<64x512xf32, #tpu.memory_space<vmem>>, vector<16xf32>,
      tpu.vector_store %arg6[%swap3A_651, %swap3A_652], %gather3A {strides = array<i32>} : memref<64x512xf32, #tpu.memory_space<vmem>>, vector<16xf32>,
      %swap3A_654 = arith.index_cast %scan3A_631 : i32 to index
      %swap3A_655 = arith.constant 112 : index
      %swap3A_656 = tpu.vector_load %arg6[%swap3A_654, %swap3A_655] {strides = array<i32>} : memref<64x512xf32, #tpu.memory_space<vmem>>, vector<16xf32>,
      tpu.vector_store %arg6[%swap3A_654, %swap3A_655], %gather3A {strides = array<i32>} : memref<64x512xf32, #tpu.memory_space<vmem>>, vector<16xf32>,
      %swap3A_657 = arith.index_cast %scan3A_631 : i32 to index
      %swap3A_658 = arith.constant 128 : index
      %swap3A_659 = tpu.vector_load %arg6[%swap3A_657, %swap3A_658] {strides = array<i32>} : memref<64x512xf32, #tpu.memory_space<vmem>>, vector<16xf32>,
      tpu.vector_store %arg6[%swap3A_657, %swap3A_658], %gather3A {strides = array<i32>} : memref<64x512xf32, #tpu.memory_space<vmem>>, vector<16xf32>,
      %swap3A_660 = arith.index_cast %scan3A_631 : i32 to index
      %swap3A_661 = arith.constant 144 : index
      %swap3A_662 = tpu.vector_load %arg6[%swap3A_660, %swap3A_661] {strides = array<i32>} : memref<64x512xf32, #tpu.memory_space<vmem>>, vector<16xf32>,
      tpu.vector_store %arg6[%swap3A_660, %swap3A_661], %gather3A {strides = array<i32>} : memref<64x512xf32, #tpu.memory_space<vmem>>, vector<16xf32>,
      %swap3A_663 = arith.index_cast %scan3A_631 : i32 to index
      %swap3A_664 = arith.constant 160 : index
      %swap3A_665 = tpu.vector_load %arg6[%swap3A_663, %swap3A_664] {strides = array<i32>} : memref<64x512xf32, #tpu.memory_space<vmem>>, vector<16xf32>,
      tpu.vector_store %arg6[%swap3A_663, %swap3A_664], %gather3A {strides = array<i32>} : memref<64x512xf32, #tpu.memory_space<vmem>>, vector<16xf32>,
      %swap3A_666 = arith.index_cast %scan3A_631 : i32 to index
      %swap3A_667 = arith.constant 176 : index
      %swap3A_668 = tpu.vector_load %arg6[%swap3A_666, %swap3A_667] {strides = array<i32>} : memref<64x512xf32, #tpu.memory_space<vmem>>, vector<16xf32>,
      tpu.vector_store %arg6[%swap3A_666, %swap3A_667], %gather3A {strides = array<i32>} : memref<64x512xf32, #tpu.memory_space<vmem>>, vector<16xf32>,
      %swap3A_669 = arith.index_cast %scan3A_631 : i32 to index
      %swap3A_670 = arith.constant 192 : index
      %swap3A_671 = tpu.vector_load %arg6[%swap3A_669, %swap3A_670] {strides = array<i32>} : memref<64x512xf32, #tpu.memory_space<vmem>>, vector<16xf32>,
      tpu.vector_store %arg6[%swap3A_669, %swap3A_670], %gather3A {strides = array<i32>} : memref<64x512xf32, #tpu.memory_space<vmem>>, vector<16xf32>,
      %swap3A_672 = arith.index_cast %scan3A_631 : i32 to index
      %swap3A_673 = arith.constant 208 : index
      %swap3A_674 = tpu.vector_load %arg6[%swap3A_672, %swap3A_673] {strides = array<i32>} : memref<64x512xf32, #tpu.memory_space<vmem>>, vector<16xf32>,
      tpu.vector_store %arg6[%swap3A_672, %swap3A_673], %gather3A {strides = array<i32>} : memref<64x512xf32, #tpu.memory_space<vmem>>, vector<16xf32>,
      %swap3A_675 = arith.index_cast %scan3A_631 : i32 to index
      %swap3A_676 = arith.constant 224 : index
      %swap3A_677 = tpu.vector_load %arg6[%swap3A_675, %swap3A_676] {strides = array<i32>} : memref<64x512xf32, #tpu.memory_space<vmem>>, vector<16xf32>,
      tpu.vector_store %arg6[%swap3A_675, %swap3A_676], %gather3A {strides = array<i32>} : memref<64x512xf32, #tpu.memory_space<vmem>>, vector<16xf32>,
      %swap3A_678 = arith.index_cast %scan3A_631 : i32 to index
      %swap3A_679 = arith.constant 240 : index
      %swap3A_680 = tpu.vector_load %arg6[%swap3A_678, %swap3A_679] {strides = array<i32>} : memref<64x512xf32, #tpu.memory_space<vmem>>, vector<16xf32>,
      tpu.vector_store %arg6[%swap3A_678, %swap3A_679], %gather3A {strides = array<i32>} : memref<64x512xf32, #tpu.memory_space<vmem>>, vector<16xf32>,
      %swap3A_681 = arith.index_cast %scan3A_631 : i32 to index
      %swap3A_682 = arith.constant 256 : index
      %swap3A_683 = tpu.vector_load %arg6[%swap3A_681, %swap3A_682] {strides = array<i32>} : memref<64x512xf32, #tpu.memory_space<vmem>>, vector<16xf32>,
      tpu.vector_store %arg6[%swap3A_681, %swap3A_682], %gather3A {strides = array<i32>} : memref<64x512xf32, #tpu.memory_space<vmem>>, vector<16xf32>,
      %swap3A_684 = arith.index_cast %scan3A_631 : i32 to index
      %swap3A_685 = arith.constant 272 : index
      %swap3A_686 = tpu.vector_load %arg6[%swap3A_684, %swap3A_685] {strides = array<i32>} : memref<64x512xf32, #tpu.memory_space<vmem>>, vector<16xf32>,
      tpu.vector_store %arg6[%swap3A_684, %swap3A_685], %gather3A {strides = array<i32>} : memref<64x512xf32, #tpu.memory_space<vmem>>, vector<16xf32>,
      %swap3A_687 = arith.index_cast %scan3A_631 : i32 to index
      %swap3A_688 = arith.constant 288 : index
      %swap3A_689 = tpu.vector_load %arg6[%swap3A_687, %swap3A_688] {strides = array<i32>} : memref<64x512xf32, #tpu.memory_space<vmem>>, vector<16xf32>,
      tpu.vector_store %arg6[%swap3A_687, %swap3A_688], %gather3A {strides = array<i32>} : memref<64x512xf32, #tpu.memory_space<vmem>>, vector<16xf32>,
      %swap3A_690 = arith.index_cast %scan3A_631 : i32 to index
      %swap3A_691 = arith.constant 304 : index
      %swap3A_692 = tpu.vector_load %arg6[%swap3A_690, %swap3A_691] {strides = array<i32>} : memref<64x512xf32, #tpu.memory_space<vmem>>, vector<16xf32>,
      tpu.vector_store %arg6[%swap3A_690, %swap3A_691], %gather3A {strides = array<i32>} : memref<64x512xf32, #tpu.memory_space<vmem>>, vector<16xf32>,
      %swap3A_693 = arith.index_cast %scan3A_631 : i32 to index
      %swap3A_694 = arith.constant 320 : index
      %swap3A_695 = tpu.vector_load %arg6[%swap3A_693, %swap3A_694] {strides = array<i32>} : memref<64x512xf32, #tpu.memory_space<vmem>>, vector<16xf32>,
      tpu.vector_store %arg6[%swap3A_693, %swap3A_694], %gather3A {strides = array<i32>} : memref<64x512xf32, #tpu.memory_space<vmem>>, vector<16xf32>,
      %swap3A_696 = arith.index_cast %scan3A_631 : i32 to index
      %swap3A_697 = arith.constant 336 : index
      %swap3A_698 = tpu.vector_load %arg6[%swap3A_696, %swap3A_697] {strides = array<i32>} : memref<64x512xf32, #tpu.memory_space<vmem>>, vector<16xf32>,
      tpu.vector_store %arg6[%swap3A_696, %swap3A_697], %gather3A {strides = array<i32>} : memref<64x512xf32, #tpu.memory_space<vmem>>, vector<16xf32>,
      %swap3A_699 = arith.index_cast %scan3A_631 : i32 to index
      %swap3A_700 = arith.constant 352 : index
      %swap3A_701 = tpu.vector_load %arg6[%swap3A_699, %swap3A_700] {strides = array<i32>} : memref<64x512xf32, #tpu.memory_space<vmem>>, vector<16xf32>,
      tpu.vector_store %arg6[%swap3A_699, %swap3A_700], %gather3A {strides = array<i32>} : memref<64x512xf32, #tpu.memory_space<vmem>>, vector<16xf32>,
      %swap3A_702 = arith.index_cast %scan3A_631 : i32 to index
      %swap3A_703 = arith.constant 368 : index
      %swap3A_704 = tpu.vector_load %arg6[%swap3A_702, %swap3A_703] {strides = array<i32>} : memref<64x512xf32, #tpu.memory_space<vmem>>, vector<16xf32>,
      tpu.vector_store %arg6[%swap3A_702, %swap3A_703], %gather3A {strides = array<i32>} : memref<64x512xf32, #tpu.memory_space<vmem>>, vector<16xf32>,
      %swap3A_705 = arith.index_cast %scan3A_631 : i32 to index
      %swap3A_706 = arith.constant 384 : index
      %swap3A_707 = tpu.vector_load %arg6[%swap3A_705, %swap3A_706] {strides = array<i32>} : memref<64x512xf32, #tpu.memory_space<vmem>>, vector<16xf32>,
      tpu.vector_store %arg6[%swap3A_705, %swap3A_706], %gather3A {strides = array<i32>} : memref<64x512xf32, #tpu.memory_space<vmem>>, vector<16xf32>,
      %swap3A_708 = arith.index_cast %scan3A_631 : i32 to index
      %swap3A_709 = arith.constant 400 : index
      %swap3A_710 = tpu.vector_load %arg6[%swap3A_708, %swap3A_709] {strides = array<i32>} : memref<64x512xf32, #tpu.memory_space<vmem>>, vector<16xf32>,
      tpu.vector_store %arg6[%swap3A_708, %swap3A_709], %gather3A {strides = array<i32>} : memref<64x512xf32, #tpu.memory_space<vmem>>, vector<16xf32>,
      %swap3A_711 = arith.index_cast %scan3A_631 : i32 to index
      %swap3A_712 = arith.constant 416 : index
      %swap3A_713 = tpu.vector_load %arg6[%swap3A_711, %swap3A_712] {strides = array<i32>} : memref<64x512xf32, #tpu.memory_space<vmem>>, vector<16xf32>,
      tpu.vector_store %arg6[%swap3A_711, %swap3A_712], %gather3A {strides = array<i32>} : memref<64x512xf32, #tpu.memory_space<vmem>>, vector<16xf32>,
      %swap3A_714 = arith.index_cast %scan3A_631 : i32 to index
      %swap3A_715 = arith.constant 432 : index
      %swap3A_716 = tpu.vector_load %arg6[%swap3A_714, %swap3A_715] {strides = array<i32>} : memref<64x512xf32, #tpu.memory_space<vmem>>, vector<16xf32>,
      tpu.vector_store %arg6[%swap3A_714, %swap3A_715], %gather3A {strides = array<i32>} : memref<64x512xf32, #tpu.memory_space<vmem>>, vector<16xf32>,
      %swap3A_717 = arith.index_cast %scan3A_631 : i32 to index
      %swap3A_718 = arith.constant 448 : index
      %swap3A_719 = tpu.vector_load %arg6[%swap3A_717, %swap3A_718] {strides = array<i32>} : memref<64x512xf32, #tpu.memory_space<vmem>>, vector<16xf32>,
      tpu.vector_store %arg6[%swap3A_717, %swap3A_718], %gather3A {strides = array<i32>} : memref<64x512xf32, #tpu.memory_space<vmem>>, vector<16xf32>,
      %swap3A_720 = arith.index_cast %scan3A_631 : i32 to index
      %swap3A_721 = arith.constant 464 : index
      %swap3A_722 = tpu.vector_load %arg6[%swap3A_720, %swap3A_721] {strides = array<i32>} : memref<64x512xf32, #tpu.memory_space<vmem>>, vector<16xf32>,
      tpu.vector_store %arg6[%swap3A_720, %swap3A_721], %gather3A {strides = array<i32>} : memref<64x512xf32, #tpu.memory_space<vmem>>, vector<16xf32>,
      %swap3A_723 = arith.index_cast %scan3A_631 : i32 to index
      %swap3A_724 = arith.constant 480 : index
      %swap3A_725 = tpu.vector_load %arg6[%swap3A_723, %swap3A_724] {strides = array<i32>} : memref<64x512xf32, #tpu.memory_space<vmem>>, vector<16xf32>,
      tpu.vector_store %arg6[%swap3A_723, %swap3A_724], %gather3A {strides = array<i32>} : memref<64x512xf32, #tpu.memory_space<vmem>>, vector<16xf32>,
      %swap3A_726 = arith.index_cast %scan3A_631 : i32 to index
      %swap3A_727 = arith.constant 496 : index
      %swap3A_728 = tpu.vector_load %arg6[%swap3A_726, %swap3A_727] {strides = array<i32>} : memref<64x512xf32, #tpu.memory_space<vmem>>, vector<16xf32>,
      tpu.vector_store %arg6[%swap3A_726, %swap3A_727], %gather3A {strides = array<i32>} : memref<64x512xf32, #tpu.memory_space<vmem>>, vector<16xf32>,
    }
    %scan3A_9 = arith.constant 64 : i32
    %add3A_10 = arith.constant 0 : i32
    %add3A_11 = arith.addi %mul3A_2, %add3A_10 : i32
    %dma_start3A = arith.constant 0 : i32
    %dma_start3A_12 = arith.constant 0 : i32
    %dma_start3A_13 = tpu.memref_slice %arg3[%add3A_11, %dma_start3A, %dma_start3A_12] : memref<257x64x2048xf32, #tpu.memory_space<hbm>> -> memref<1x64x512xf32, #tpu.memory_space<hbm>>
    %dma_start3A_14 = tpu.memref_squeeze %dma_start3A_13 : memref<1x64x512xf32, #tpu.memory_space<hbm>> -> memref<64x512xf32, #tpu.memory_space<hbm>>
    %dma_start3A_15 = arith.constant 0 : i32
    %dma_start3A_16 = arith.constant 0 : i32
    %dma_start3A_17 = tpu.memref_slice %arg3[%add3A_11, %dma_start3A_15, %dma_start3A_16] : memref<257x64x2048xf32, #tpu.memory_space<hbm>> -> memref<1x64x512xf32, #tpu.memory_space<hbm>>
    %dma_start3A_18 = tpu.memref_squeeze %dma_start3A_17 : memref<1x64x512xf32, #tpu.memory_space<hbm>> -> memref<64x512xf32, #tpu.memory_space<hbm>>
    tpu.enqueue_dma source(%arg6 : memref<64x512xf32, #tpu.memory_space<vmem>>) target(%dma_start3A_18 : memref<64x512xf32, #tpu.memory_space<hbm>>) target_semaphore(%arg10 : memref<!tpu.dma_semaphore, #tpu.memory_space<semaphore_mem>>)
    %add3A_19 = arith.constant 0 : i32
    %add3A_20 = arith.addi %mul3A_2, %add3A_19 : i32
    %dma_start3A_21 = arith.constant 0 : i32
    %dma_start3A_22 = arith.constant 512 : i32
    %dma_start3A_23 = tpu.memref_slice %arg3[%add3A_20, %dma_start3A_21, %dma_start3A_22] : memref<257x64x2048xf32, #tpu.memory_space<hbm>> -> memref<1x64x512xf32, #tpu.memory_space<hbm>>
    %dma_start3A_24 = tpu.memref_squeeze %dma_start3A_23 : memref<1x64x512xf32, #tpu.memory_space<hbm>> -> memref<64x512xf32, #tpu.memory_space<hbm>>
    %dma_start3A_25 = arith.constant 0 : i32
    %dma_start3A_26 = arith.constant 512 : i32
    %dma_start3A_27 = tpu.memref_slice %arg3[%add3A_20, %dma_start3A_25, %dma_start3A_26] : memref<257x64x2048xf32, #tpu.memory_space<hbm>> -> memref<1x64x512xf32, #tpu.memory_space<hbm>>
    %dma_start3A_28 = tpu.memref_squeeze %dma_start3A_27 : memref<1x64x512xf32, #tpu.memory_space<hbm>> -> memref<64x512xf32, #tpu.memory_space<hbm>>
    tpu.enqueue_dma source(%arg6 : memref<64x512xf32, #tpu.memory_space<vmem>>) target(%dma_start3A_28 : memref<64x512xf32, #tpu.memory_space<hbm>>) target_semaphore(%arg10 : memref<!tpu.dma_semaphore, #tpu.memory_space<semaphore_mem>>)
    %add3A_29 = arith.constant 0 : i32
    %add3A_30 = arith.addi %mul3A_2, %add3A_29 : i32
    %dma_start3A_31 = arith.constant 0 : i32
    %dma_start3A_32 = arith.constant 1024 : i32
    %dma_start3A_33 = tpu.memref_slice %arg3[%add3A_30, %dma_start3A_31, %dma_start3A_32] : memref<257x64x2048xf32, #tpu.memory_space<hbm>> -> memref<1x64x512xf32, #tpu.memory_space<hbm>>
    %dma_start3A_34 = tpu.memref_squeeze %dma_start3A_33 : memref<1x64x512xf32, #tpu.memory_space<hbm>> -> memref<64x512xf32, #tpu.memory_space<hbm>>
    %dma_start3A_35 = arith.constant 0 : i32
    %dma_start3A_36 = arith.constant 1024 : i32
    %dma_start3A_37 = tpu.memref_slice %arg3[%add3A_30, %dma_start3A_35, %dma_start3A_36] : memref<257x64x2048xf32, #tpu.memory_space<hbm>> -> memref<1x64x512xf32, #tpu.memory_space<hbm>>
    %dma_start3A_38 = tpu.memref_squeeze %dma_start3A_37 : memref<1x64x512xf32, #tpu.memory_space<hbm>> -> memref<64x512xf32, #tpu.memory_space<hbm>>
    tpu.enqueue_dma source(%arg6 : memref<64x512xf32, #tpu.memory_space<vmem>>) target(%dma_start3A_38 : memref<64x512xf32, #tpu.memory_space<hbm>>) target_semaphore(%arg10 : memref<!tpu.dma_semaphore, #tpu.memory_space<semaphore_mem>>)
    %add3A_39 = arith.constant 0 : i32
    %add3A_40 = arith.addi %mul3A_2, %add3A_39 : i32
    %dma_start3A_41 = arith.constant 0 : i32
    %dma_start3A_42 = arith.constant 1536 : i32
    %dma_start3A_43 = tpu.memref_slice %arg3[%add3A_40, %dma_start3A_41, %dma_start3A_42] : memref<257x64x2048xf32, #tpu.memory_space<hbm>> -> memref<1x64x512xf32, #tpu.memory_space<hbm>>
    %dma_start3A_44 = tpu.memref_squeeze %dma_start3A_43 : memref<1x64x512xf32, #tpu.memory_space<hbm>> -> memref<64x512xf32, #tpu.memory_space<hbm>>
    %dma_start3A_45 = arith.constant 0 : i32
    %dma_start3A_46 = arith.constant 1536 : i32
    %dma_start3A_47 = tpu.memref_slice %arg3[%add3A_40, %dma_start3A_45, %dma_start3A_46] : memref<257x64x2048xf32, #tpu.memory_space<hbm>> -> memref<1x64x512xf32, #tpu.memory_space<hbm>>
    %dma_start3A_48 = tpu.memref_squeeze %dma_start3A_47 : memref<1x64x512xf32, #tpu.memory_space<hbm>> -> memref<64x512xf32, #tpu.memory_space<hbm>>
    tpu.enqueue_dma source(%arg6 : memref<64x512xf32, #tpu.memory_space<vmem>>) target(%dma_start3A_48 : memref<64x512xf32, #tpu.memory_space<hbm>>) target_semaphore(%arg10 : memref<!tpu.dma_semaphore, #tpu.memory_space<semaphore_mem>>)
    %scan3A_49 = arith.constant 0 : i32
    %scan3A_50 = arith.constant 0 : i32
    %scan3A_51 = arith.constant 64 : i32
    %scan3A_52 = arith.addi %scan3A_50, %scan3A_51 : i32
    %scan3A_53 = arith.constant 1 : i32
    scf.for %scan3A_631 = %scan3A_50 to %scan3A_52 step %scan3A_53  : i32 {
      %broadcast_in_dim3A = arith.constant 1 : i32
      %broadcast_in_dim3A_632 = vector.broadcast %broadcast_in_dim3A : i32 to vector<16xi32>
      %broadcast_in_dim3A_633 = vector.broadcast %scan3A_631 : i32 to vector<16xi32>
      %gather3A = tpu.vector_load_idx %arg4[%broadcast_in_dim3A_632, %broadcast_in_dim3A_633] : memref<8x64xf32, #tpu.memory_space<vmem>>[vector<16xi32>, vector<16xi32>], vector<16xf32>,
      %swap3A = arith.index_cast %scan3A_631 : i32 to index
      %swap3A_634 = arith.constant 0 : index
      %swap3A_635 = tpu.vector_load %arg7[%swap3A, %swap3A_634] {strides = array<i32>} : memref<64x512xf32, #tpu.memory_space<vmem>>, vector<16xf32>,
      tpu.vector_store %arg7[%swap3A, %swap3A_634], %gather3A {strides = array<i32>} : memref<64x512xf32, #tpu.memory_space<vmem>>, vector<16xf32>,
      %swap3A_636 = arith.index_cast %scan3A_631 : i32 to index
      %swap3A_637 = arith.constant 16 : index
      %swap3A_638 = tpu.vector_load %arg7[%swap3A_636, %swap3A_637] {strides = array<i32>} : memref<64x512xf32, #tpu.memory_space<vmem>>, vector<16xf32>,
      tpu.vector_store %arg7[%swap3A_636, %swap3A_637], %gather3A {strides = array<i32>} : memref<64x512xf32, #tpu.memory_space<vmem>>, vector<16xf32>,
      %swap3A_639 = arith.index_cast %scan3A_631 : i32 to index
      %swap3A_640 = arith.constant 32 : index
      %swap3A_641 = tpu.vector_load %arg7[%swap3A_639, %swap3A_640] {strides = array<i32>} : memref<64x512xf32, #tpu.memory_space<vmem>>, vector<16xf32>,
      tpu.vector_store %arg7[%swap3A_639, %swap3A_640], %gather3A {strides = array<i32>} : memref<64x512xf32, #tpu.memory_space<vmem>>, vector<16xf32>,
      %swap3A_642 = arith.index_cast %scan3A_631 : i32 to index
      %swap3A_643 = arith.constant 48 : index
      %swap3A_644 = tpu.vector_load %arg7[%swap3A_642, %swap3A_643] {strides = array<i32>} : memref<64x512xf32, #tpu.memory_space<vmem>>, vector<16xf32>,
      tpu.vector_store %arg7[%swap3A_642, %swap3A_643], %gather3A {strides = array<i32>} : memref<64x512xf32, #tpu.memory_space<vmem>>, vector<16xf32>,
      %swap3A_645 = arith.index_cast %scan3A_631 : i32 to index
      %swap3A_646 = arith.constant 64 : index
      %swap3A_647 = tpu.vector_load %arg7[%swap3A_645, %swap3A_646] {strides = array<i32>} : memref<64x512xf32, #tpu.memory_space<vmem>>, vector<16xf32>,
      tpu.vector_store %arg7[%swap3A_645, %swap3A_646], %gather3A {strides = array<i32>} : memref<64x512xf32, #tpu.memory_space<vmem>>, vector<16xf32>,
      %swap3A_648 = arith.index_cast %scan3A_631 : i32 to index
      %swap3A_649 = arith.constant 80 : index
      %swap3A_650 = tpu.vector_load %arg7[%swap3A_648, %swap3A_649] {strides = array<i32>} : memref<64x512xf32, #tpu.memory_space<vmem>>, vector<16xf32>,
      tpu.vector_store %arg7[%swap3A_648, %swap3A_649], %gather3A {strides = array<i32>} : memref<64x512xf32, #tpu.memory_space<vmem>>, vector<16xf32>,
      %swap3A_651 = arith.index_cast %scan3A_631 : i32 to index
      %swap3A_652 = arith.constant 96 : index
      %swap3A_653 = tpu.vector_load %arg7[%swap3A_651, %swap3A_652] {strides = array<i32>} : memref<64x512xf32, #tpu.memory_space<vmem>>, vector<16xf32>,
      tpu.vector_store %arg7[%swap3A_651, %swap3A_652], %gather3A {strides = array<i32>} : memref<64x512xf32, #tpu.memory_space<vmem>>, vector<16xf32>,
      %swap3A_654 = arith.index_cast %scan3A_631 : i32 to index
      %swap3A_655 = arith.constant 112 : index
      %swap3A_656 = tpu.vector_load %arg7[%swap3A_654, %swap3A_655] {strides = array<i32>} : memref<64x512xf32, #tpu.memory_space<vmem>>, vector<16xf32>,
      tpu.vector_store %arg7[%swap3A_654, %swap3A_655], %gather3A {strides = array<i32>} : memref<64x512xf32, #tpu.memory_space<vmem>>, vector<16xf32>,
      %swap3A_657 = arith.index_cast %scan3A_631 : i32 to index
      %swap3A_658 = arith.constant 128 : index
      %swap3A_659 = tpu.vector_load %arg7[%swap3A_657, %swap3A_658] {strides = array<i32>} : memref<64x512xf32, #tpu.memory_space<vmem>>, vector<16xf32>,
      tpu.vector_store %arg7[%swap3A_657, %swap3A_658], %gather3A {strides = array<i32>} : memref<64x512xf32, #tpu.memory_space<vmem>>, vector<16xf32>,
      %swap3A_660 = arith.index_cast %scan3A_631 : i32 to index
      %swap3A_661 = arith.constant 144 : index
      %swap3A_662 = tpu.vector_load %arg7[%swap3A_660, %swap3A_661] {strides = array<i32>} : memref<64x512xf32, #tpu.memory_space<vmem>>, vector<16xf32>,
      tpu.vector_store %arg7[%swap3A_660, %swap3A_661], %gather3A {strides = array<i32>} : memref<64x512xf32, #tpu.memory_space<vmem>>, vector<16xf32>,
      %swap3A_663 = arith.index_cast %scan3A_631 : i32 to index
      %swap3A_664 = arith.constant 160 : index
      %swap3A_665 = tpu.vector_load %arg7[%swap3A_663, %swap3A_664] {strides = array<i32>} : memref<64x512xf32, #tpu.memory_space<vmem>>, vector<16xf32>,
      tpu.vector_store %arg7[%swap3A_663, %swap3A_664], %gather3A {strides = array<i32>} : memref<64x512xf32, #tpu.memory_space<vmem>>, vector<16xf32>,
      %swap3A_666 = arith.index_cast %scan3A_631 : i32 to index
      %swap3A_667 = arith.constant 176 : index
      %swap3A_668 = tpu.vector_load %arg7[%swap3A_666, %swap3A_667] {strides = array<i32>} : memref<64x512xf32, #tpu.memory_space<vmem>>, vector<16xf32>,
      tpu.vector_store %arg7[%swap3A_666, %swap3A_667], %gather3A {strides = array<i32>} : memref<64x512xf32, #tpu.memory_space<vmem>>, vector<16xf32>,
      %swap3A_669 = arith.index_cast %scan3A_631 : i32 to index
      %swap3A_670 = arith.constant 192 : index
      %swap3A_671 = tpu.vector_load %arg7[%swap3A_669, %swap3A_670] {strides = array<i32>} : memref<64x512xf32, #tpu.memory_space<vmem>>, vector<16xf32>,
      tpu.vector_store %arg7[%swap3A_669, %swap3A_670], %gather3A {strides = array<i32>} : memref<64x512xf32, #tpu.memory_space<vmem>>, vector<16xf32>,
      %swap3A_672 = arith.index_cast %scan3A_631 : i32 to index
      %swap3A_673 = arith.constant 208 : index
      %swap3A_674 = tpu.vector_load %arg7[%swap3A_672, %swap3A_673] {strides = array<i32>} : memref<64x512xf32, #tpu.memory_space<vmem>>, vector<16xf32>,
      tpu.vector_store %arg7[%swap3A_672, %swap3A_673], %gather3A {strides = array<i32>} : memref<64x512xf32, #tpu.memory_space<vmem>>, vector<16xf32>,
      %swap3A_675 = arith.index_cast %scan3A_631 : i32 to index
      %swap3A_676 = arith.constant 224 : index
      %swap3A_677 = tpu.vector_load %arg7[%swap3A_675, %swap3A_676] {strides = array<i32>} : memref<64x512xf32, #tpu.memory_space<vmem>>, vector<16xf32>,
      tpu.vector_store %arg7[%swap3A_675, %swap3A_676], %gather3A {strides = array<i32>} : memref<64x512xf32, #tpu.memory_space<vmem>>, vector<16xf32>,
      %swap3A_678 = arith.index_cast %scan3A_631 : i32 to index
      %swap3A_679 = arith.constant 240 : index
      %swap3A_680 = tpu.vector_load %arg7[%swap3A_678, %swap3A_679] {strides = array<i32>} : memref<64x512xf32, #tpu.memory_space<vmem>>, vector<16xf32>,
      tpu.vector_store %arg7[%swap3A_678, %swap3A_679], %gather3A {strides = array<i32>} : memref<64x512xf32, #tpu.memory_space<vmem>>, vector<16xf32>,
      %swap3A_681 = arith.index_cast %scan3A_631 : i32 to index
      %swap3A_682 = arith.constant 256 : index
      %swap3A_683 = tpu.vector_load %arg7[%swap3A_681, %swap3A_682] {strides = array<i32>} : memref<64x512xf32, #tpu.memory_space<vmem>>, vector<16xf32>,
      tpu.vector_store %arg7[%swap3A_681, %swap3A_682], %gather3A {strides = array<i32>} : memref<64x512xf32, #tpu.memory_space<vmem>>, vector<16xf32>,
      %swap3A_684 = arith.index_cast %scan3A_631 : i32 to index
      %swap3A_685 = arith.constant 272 : index
      %swap3A_686 = tpu.vector_load %arg7[%swap3A_684, %swap3A_685] {strides = array<i32>} : memref<64x512xf32, #tpu.memory_space<vmem>>, vector<16xf32>,
      tpu.vector_store %arg7[%swap3A_684, %swap3A_685], %gather3A {strides = array<i32>} : memref<64x512xf32, #tpu.memory_space<vmem>>, vector<16xf32>,
      %swap3A_687 = arith.index_cast %scan3A_631 : i32 to index
      %swap3A_688 = arith.constant 288 : index
      %swap3A_689 = tpu.vector_load %arg7[%swap3A_687, %swap3A_688] {strides = array<i32>} : memref<64x512xf32, #tpu.memory_space<vmem>>, vector<16xf32>,
      tpu.vector_store %arg7[%swap3A_687, %swap3A_688], %gather3A {strides = array<i32>} : memref<64x512xf32, #tpu.memory_space<vmem>>, vector<16xf32>,
      %swap3A_690 = arith.index_cast %scan3A_631 : i32 to index
      %swap3A_691 = arith.constant 304 : index
      %swap3A_692 = tpu.vector_load %arg7[%swap3A_690, %swap3A_691] {strides = array<i32>} : memref<64x512xf32, #tpu.memory_space<vmem>>, vector<16xf32>,
      tpu.vector_store %arg7[%swap3A_690, %swap3A_691], %gather3A {strides = array<i32>} : memref<64x512xf32, #tpu.memory_space<vmem>>, vector<16xf32>,
      %swap3A_693 = arith.index_cast %scan3A_631 : i32 to index
      %swap3A_694 = arith.constant 320 : index
      %swap3A_695 = tpu.vector_load %arg7[%swap3A_693, %swap3A_694] {strides = array<i32>} : memref<64x512xf32, #tpu.memory_space<vmem>>, vector<16xf32>,
      tpu.vector_store %arg7[%swap3A_693, %swap3A_694], %gather3A {strides = array<i32>} : memref<64x512xf32, #tpu.memory_space<vmem>>, vector<16xf32>,
      %swap3A_696 = arith.index_cast %scan3A_631 : i32 to index
      %swap3A_697 = arith.constant 336 : index
      %swap3A_698 = tpu.vector_load %arg7[%swap3A_696, %swap3A_697] {strides = array<i32>} : memref<64x512xf32, #tpu.memory_space<vmem>>, vector<16xf32>,
      tpu.vector_store %arg7[%swap3A_696, %swap3A_697], %gather3A {strides = array<i32>} : memref<64x512xf32, #tpu.memory_space<vmem>>, vector<16xf32>,
      %swap3A_699 = arith.index_cast %scan3A_631 : i32 to index
      %swap3A_700 = arith.constant 352 : index
      %swap3A_701 = tpu.vector_load %arg7[%swap3A_699, %swap3A_700] {strides = array<i32>} : memref<64x512xf32, #tpu.memory_space<vmem>>, vector<16xf32>,
      tpu.vector_store %arg7[%swap3A_699, %swap3A_700], %gather3A {strides = array<i32>} : memref<64x512xf32, #tpu.memory_space<vmem>>, vector<16xf32>,
      %swap3A_702 = arith.index_cast %scan3A_631 : i32 to index
      %swap3A_703 = arith.constant 368 : index
      %swap3A_704 = tpu.vector_load %arg7[%swap3A_702, %swap3A_703] {strides = array<i32>} : memref<64x512xf32, #tpu.memory_space<vmem>>, vector<16xf32>,
      tpu.vector_store %arg7[%swap3A_702, %swap3A_703], %gather3A {strides = array<i32>} : memref<64x512xf32, #tpu.memory_space<vmem>>, vector<16xf32>,
      %swap3A_705 = arith.index_cast %scan3A_631 : i32 to index
      %swap3A_706 = arith.constant 384 : index
      %swap3A_707 = tpu.vector_load %arg7[%swap3A_705, %swap3A_706] {strides = array<i32>} : memref<64x512xf32, #tpu.memory_space<vmem>>, vector<16xf32>,
      tpu.vector_store %arg7[%swap3A_705, %swap3A_706], %gather3A {strides = array<i32>} : memref<64x512xf32, #tpu.memory_space<vmem>>, vector<16xf32>,
      %swap3A_708 = arith.index_cast %scan3A_631 : i32 to index
      %swap3A_709 = arith.constant 400 : index
      %swap3A_710 = tpu.vector_load %arg7[%swap3A_708, %swap3A_709] {strides = array<i32>} : memref<64x512xf32, #tpu.memory_space<vmem>>, vector<16xf32>,
      tpu.vector_store %arg7[%swap3A_708, %swap3A_709], %gather3A {strides = array<i32>} : memref<64x512xf32, #tpu.memory_space<vmem>>, vector<16xf32>,
      %swap3A_711 = arith.index_cast %scan3A_631 : i32 to index
      %swap3A_712 = arith.constant 416 : index
      %swap3A_713 = tpu.vector_load %arg7[%swap3A_711, %swap3A_712] {strides = array<i32>} : memref<64x512xf32, #tpu.memory_space<vmem>>, vector<16xf32>,
      tpu.vector_store %arg7[%swap3A_711, %swap3A_712], %gather3A {strides = array<i32>} : memref<64x512xf32, #tpu.memory_space<vmem>>, vector<16xf32>,
      %swap3A_714 = arith.index_cast %scan3A_631 : i32 to index
      %swap3A_715 = arith.constant 432 : index
      %swap3A_716 = tpu.vector_load %arg7[%swap3A_714, %swap3A_715] {strides = array<i32>} : memref<64x512xf32, #tpu.memory_space<vmem>>, vector<16xf32>,
      tpu.vector_store %arg7[%swap3A_714, %swap3A_715], %gather3A {strides = array<i32>} : memref<64x512xf32, #tpu.memory_space<vmem>>, vector<16xf32>,
      %swap3A_717 = arith.index_cast %scan3A_631 : i32 to index
      %swap3A_718 = arith.constant 448 : index
      %swap3A_719 = tpu.vector_load %arg7[%swap3A_717, %swap3A_718] {strides = array<i32>} : memref<64x512xf32, #tpu.memory_space<vmem>>, vector<16xf32>,
      tpu.vector_store %arg7[%swap3A_717, %swap3A_718], %gather3A {strides = array<i32>} : memref<64x512xf32, #tpu.memory_space<vmem>>, vector<16xf32>,
      %swap3A_720 = arith.index_cast %scan3A_631 : i32 to index
      %swap3A_721 = arith.constant 464 : index
      %swap3A_722 = tpu.vector_load %arg7[%swap3A_720, %swap3A_721] {strides = array<i32>} : memref<64x512xf32, #tpu.memory_space<vmem>>, vector<16xf32>,
      tpu.vector_store %arg7[%swap3A_720, %swap3A_721], %gather3A {strides = array<i32>} : memref<64x512xf32, #tpu.memory_space<vmem>>, vector<16xf32>,
      %swap3A_723 = arith.index_cast %scan3A_631 : i32 to index
      %swap3A_724 = arith.constant 480 : index
      %swap3A_725 = tpu.vector_load %arg7[%swap3A_723, %swap3A_724] {strides = array<i32>} : memref<64x512xf32, #tpu.memory_space<vmem>>, vector<16xf32>,
      tpu.vector_store %arg7[%swap3A_723, %swap3A_724], %gather3A {strides = array<i32>} : memref<64x512xf32, #tpu.memory_space<vmem>>, vector<16xf32>,
      %swap3A_726 = arith.index_cast %scan3A_631 : i32 to index
      %swap3A_727 = arith.constant 496 : index
      %swap3A_728 = tpu.vector_load %arg7[%swap3A_726, %swap3A_727] {strides = array<i32>} : memref<64x512xf32, #tpu.memory_space<vmem>>, vector<16xf32>,
      tpu.vector_store %arg7[%swap3A_726, %swap3A_727], %gather3A {strides = array<i32>} : memref<64x512xf32, #tpu.memory_space<vmem>>, vector<16xf32>,
    }
    %scan3A_54 = arith.constant 64 : i32
    %add3A_55 = arith.constant 1 : i32
    %add3A_56 = arith.addi %mul3A_2, %add3A_55 : i32
    %dma_start3A_57 = arith.constant 0 : i32
    %dma_start3A_58 = arith.constant 0 : i32
    %dma_start3A_59 = tpu.memref_slice %arg3[%add3A_56, %dma_start3A_57, %dma_start3A_58] : memref<257x64x2048xf32, #tpu.memory_space<hbm>> -> memref<1x64x512xf32, #tpu.memory_space<hbm>>
    %dma_start3A_60 = tpu.memref_squeeze %dma_start3A_59 : memref<1x64x512xf32, #tpu.memory_space<hbm>> -> memref<64x512xf32, #tpu.memory_space<hbm>>
    %dma_start3A_61 = arith.constant 0 : i32
    %dma_start3A_62 = arith.constant 0 : i32
    %dma_start3A_63 = tpu.memref_slice %arg3[%add3A_56, %dma_start3A_61, %dma_start3A_62] : memref<257x64x2048xf32, #tpu.memory_space<hbm>> -> memref<1x64x512xf32, #tpu.memory_space<hbm>>
    %dma_start3A_64 = tpu.memref_squeeze %dma_start3A_63 : memref<1x64x512xf32, #tpu.memory_space<hbm>> -> memref<64x512xf32, #tpu.memory_space<hbm>>
    tpu.enqueue_dma source(%arg7 : memref<64x512xf32, #tpu.memory_space<vmem>>) target(%dma_start3A_64 : memref<64x512xf32, #tpu.memory_space<hbm>>) target_semaphore(%arg11 : memref<!tpu.dma_semaphore, #tpu.memory_space<semaphore_mem>>)
    %add3A_65 = arith.constant 1 : i32
    %add3A_66 = arith.addi %mul3A_2, %add3A_65 : i32
    %dma_start3A_67 = arith.constant 0 : i32
    %dma_start3A_68 = arith.constant 512 : i32
    %dma_start3A_69 = tpu.memref_slice %arg3[%add3A_66, %dma_start3A_67, %dma_start3A_68] : memref<257x64x2048xf32, #tpu.memory_space<hbm>> -> memref<1x64x512xf32, #tpu.memory_space<hbm>>
    %dma_start3A_70 = tpu.memref_squeeze %dma_start3A_69 : memref<1x64x512xf32, #tpu.memory_space<hbm>> -> memref<64x512xf32, #tpu.memory_space<hbm>>
    %dma_start3A_71 = arith.constant 0 : i32
    %dma_start3A_72 = arith.constant 512 : i32
    %dma_start3A_73 = tpu.memref_slice %arg3[%add3A_66, %dma_start3A_71, %dma_start3A_72] : memref<257x64x2048xf32, #tpu.memory_space<hbm>> -> memref<1x64x512xf32, #tpu.memory_space<hbm>>
    %dma_start3A_74 = tpu.memref_squeeze %dma_start3A_73 : memref<1x64x512xf32, #tpu.memory_space<hbm>> -> memref<64x512xf32, #tpu.memory_space<hbm>>
    tpu.enqueue_dma source(%arg7 : memref<64x512xf32, #tpu.memory_space<vmem>>) target(%dma_start3A_74 : memref<64x512xf32, #tpu.memory_space<hbm>>) target_semaphore(%arg11 : memref<!tpu.dma_semaphore, #tpu.memory_space<semaphore_mem>>)
    %add3A_75 = arith.constant 1 : i32
    %add3A_76 = arith.addi %mul3A_2, %add3A_75 : i32
    %dma_start3A_77 = arith.constant 0 : i32
    %dma_start3A_78 = arith.constant 1024 : i32
    %dma_start3A_79 = tpu.memref_slice %arg3[%add3A_76, %dma_start3A_77, %dma_start3A_78] : memref<257x64x2048xf32, #tpu.memory_space<hbm>> -> memref<1x64x512xf32, #tpu.memory_space<hbm>>
    %dma_start3A_80 = tpu.memref_squeeze %dma_start3A_79 : memref<1x64x512xf32, #tpu.memory_space<hbm>> -> memref<64x512xf32, #tpu.memory_space<hbm>>
    %dma_start3A_81 = arith.constant 0 : i32
    %dma_start3A_82 = arith.constant 1024 : i32
    %dma_start3A_83 = tpu.memref_slice %arg3[%add3A_76, %dma_start3A_81, %dma_start3A_82] : memref<257x64x2048xf32, #tpu.memory_space<hbm>> -> memref<1x64x512xf32, #tpu.memory_space<hbm>>
    %dma_start3A_84 = tpu.memref_squeeze %dma_start3A_83 : memref<1x64x512xf32, #tpu.memory_space<hbm>> -> memref<64x512xf32, #tpu.memory_space<hbm>>
    tpu.enqueue_dma source(%arg7 : memref<64x512xf32, #tpu.memory_space<vmem>>) target(%dma_start3A_84 : memref<64x512xf32, #tpu.memory_space<hbm>>) target_semaphore(%arg11 : memref<!tpu.dma_semaphore, #tpu.memory_space<semaphore_mem>>)
    %add3A_85 = arith.constant 1 : i32
    %add3A_86 = arith.addi %mul3A_2, %add3A_85 : i32
    %dma_start3A_87 = arith.constant 0 : i32
    %dma_start3A_88 = arith.constant 1536 : i32
    %dma_start3A_89 = tpu.memref_slice %arg3[%add3A_86, %dma_start3A_87, %dma_start3A_88] : memref<257x64x2048xf32, #tpu.memory_space<hbm>> -> memref<1x64x512xf32, #tpu.memory_space<hbm>>
    %dma_start3A_90 = tpu.memref_squeeze %dma_start3A_89 : memref<1x64x512xf32, #tpu.memory_space<hbm>> -> memref<64x512xf32, #tpu.memory_space<hbm>>
    %dma_start3A_91 = arith.constant 0 : i32
    %dma_start3A_92 = arith.constant 1536 : i32
    %dma_start3A_93 = tpu.memref_slice %arg3[%add3A_86, %dma_start3A_91, %dma_start3A_92] : memref<257x64x2048xf32, #tpu.memory_space<hbm>> -> memref<1x64x512xf32, #tpu.memory_space<hbm>>
    %dma_start3A_94 = tpu.memref_squeeze %dma_start3A_93 : memref<1x64x512xf32, #tpu.memory_space<hbm>> -> memref<64x512xf32, #tpu.memory_space<hbm>>
    tpu.enqueue_dma source(%arg7 : memref<64x512xf32, #tpu.memory_space<vmem>>) target(%dma_start3A_94 : memref<64x512xf32, #tpu.memory_space<hbm>>) target_semaphore(%arg11 : memref<!tpu.dma_semaphore, #tpu.memory_space<semaphore_mem>>)
    %scan3A_95 = arith.constant 0 : i32
    %scan3A_96 = arith.constant 0 : i32
    %scan3A_97 = arith.constant 64 : i32
    %scan3A_98 = arith.addi %scan3A_96, %scan3A_97 : i32
    %scan3A_99 = arith.constant 1 : i32
    scf.for %scan3A_631 = %scan3A_96 to %scan3A_98 step %scan3A_99  : i32 {
      %broadcast_in_dim3A = arith.constant 2 : i32
      %broadcast_in_dim3A_632 = vector.broadcast %broadcast_in_dim3A : i32 to vector<16xi32>
      %broadcast_in_dim3A_633 = vector.broadcast %scan3A_631 : i32 to vector<16xi32>
      %gather3A = tpu.vector_load_idx %arg4[%broadcast_in_dim3A_632, %broadcast_in_dim3A_633] : memref<8x64xf32, #tpu.memory_space<vmem>>[vector<16xi32>, vector<16xi32>], vector<16xf32>,
      %swap3A = arith.index_cast %scan3A_631 : i32 to index
      %swap3A_634 = arith.constant 0 : index
      %swap3A_635 = tpu.vector_load %arg8[%swap3A, %swap3A_634] {strides = array<i32>} : memref<64x512xf32, #tpu.memory_space<vmem>>, vector<16xf32>,
      tpu.vector_store %arg8[%swap3A, %swap3A_634], %gather3A {strides = array<i32>} : memref<64x512xf32, #tpu.memory_space<vmem>>, vector<16xf32>,
      %swap3A_636 = arith.index_cast %scan3A_631 : i32 to index
      %swap3A_637 = arith.constant 16 : index
      %swap3A_638 = tpu.vector_load %arg8[%swap3A_636, %swap3A_637] {strides = array<i32>} : memref<64x512xf32, #tpu.memory_space<vmem>>, vector<16xf32>,
      tpu.vector_store %arg8[%swap3A_636, %swap3A_637], %gather3A {strides = array<i32>} : memref<64x512xf32, #tpu.memory_space<vmem>>, vector<16xf32>,
      %swap3A_639 = arith.index_cast %scan3A_631 : i32 to index
      %swap3A_640 = arith.constant 32 : index
      %swap3A_641 = tpu.vector_load %arg8[%swap3A_639, %swap3A_640] {strides = array<i32>} : memref<64x512xf32, #tpu.memory_space<vmem>>, vector<16xf32>,
      tpu.vector_store %arg8[%swap3A_639, %swap3A_640], %gather3A {strides = array<i32>} : memref<64x512xf32, #tpu.memory_space<vmem>>, vector<16xf32>,
      %swap3A_642 = arith.index_cast %scan3A_631 : i32 to index
      %swap3A_643 = arith.constant 48 : index
      %swap3A_644 = tpu.vector_load %arg8[%swap3A_642, %swap3A_643] {strides = array<i32>} : memref<64x512xf32, #tpu.memory_space<vmem>>, vector<16xf32>,
      tpu.vector_store %arg8[%swap3A_642, %swap3A_643], %gather3A {strides = array<i32>} : memref<64x512xf32, #tpu.memory_space<vmem>>, vector<16xf32>,
      %swap3A_645 = arith.index_cast %scan3A_631 : i32 to index
      %swap3A_646 = arith.constant 64 : index
      %swap3A_647 = tpu.vector_load %arg8[%swap3A_645, %swap3A_646] {strides = array<i32>} : memref<64x512xf32, #tpu.memory_space<vmem>>, vector<16xf32>,
      tpu.vector_store %arg8[%swap3A_645, %swap3A_646], %gather3A {strides = array<i32>} : memref<64x512xf32, #tpu.memory_space<vmem>>, vector<16xf32>,
      %swap3A_648 = arith.index_cast %scan3A_631 : i32 to index
      %swap3A_649 = arith.constant 80 : index
      %swap3A_650 = tpu.vector_load %arg8[%swap3A_648, %swap3A_649] {strides = array<i32>} : memref<64x512xf32, #tpu.memory_space<vmem>>, vector<16xf32>,
      tpu.vector_store %arg8[%swap3A_648, %swap3A_649], %gather3A {strides = array<i32>} : memref<64x512xf32, #tpu.memory_space<vmem>>, vector<16xf32>,
      %swap3A_651 = arith.index_cast %scan3A_631 : i32 to index
      %swap3A_652 = arith.constant 96 : index
      %swap3A_653 = tpu.vector_load %arg8[%swap3A_651, %swap3A_652] {strides = array<i32>} : memref<64x512xf32, #tpu.memory_space<vmem>>, vector<16xf32>,
      tpu.vector_store %arg8[%swap3A_651, %swap3A_652], %gather3A {strides = array<i32>} : memref<64x512xf32, #tpu.memory_space<vmem>>, vector<16xf32>,
      %swap3A_654 = arith.index_cast %scan3A_631 : i32 to index
      %swap3A_655 = arith.constant 112 : index
      %swap3A_656 = tpu.vector_load %arg8[%swap3A_654, %swap3A_655] {strides = array<i32>} : memref<64x512xf32, #tpu.memory_space<vmem>>, vector<16xf32>,
      tpu.vector_store %arg8[%swap3A_654, %swap3A_655], %gather3A {strides = array<i32>} : memref<64x512xf32, #tpu.memory_space<vmem>>, vector<16xf32>,
      %swap3A_657 = arith.index_cast %scan3A_631 : i32 to index
      %swap3A_658 = arith.constant 128 : index
      %swap3A_659 = tpu.vector_load %arg8[%swap3A_657, %swap3A_658] {strides = array<i32>} : memref<64x512xf32, #tpu.memory_space<vmem>>, vector<16xf32>,
      tpu.vector_store %arg8[%swap3A_657, %swap3A_658], %gather3A {strides = array<i32>} : memref<64x512xf32, #tpu.memory_space<vmem>>, vector<16xf32>,
      %swap3A_660 = arith.index_cast %scan3A_631 : i32 to index
      %swap3A_661 = arith.constant 144 : index
      %swap3A_662 = tpu.vector_load %arg8[%swap3A_660, %swap3A_661] {strides = array<i32>} : memref<64x512xf32, #tpu.memory_space<vmem>>, vector<16xf32>,
      tpu.vector_store %arg8[%swap3A_660, %swap3A_661], %gather3A {strides = array<i32>} : memref<64x512xf32, #tpu.memory_space<vmem>>, vector<16xf32>,
      %swap3A_663 = arith.index_cast %scan3A_631 : i32 to index
      %swap3A_664 = arith.constant 160 : index
      %swap3A_665 = tpu.vector_load %arg8[%swap3A_663, %swap3A_664] {strides = array<i32>} : memref<64x512xf32, #tpu.memory_space<vmem>>, vector<16xf32>,
      tpu.vector_store %arg8[%swap3A_663, %swap3A_664], %gather3A {strides = array<i32>} : memref<64x512xf32, #tpu.memory_space<vmem>>, vector<16xf32>,
      %swap3A_666 = arith.index_cast %scan3A_631 : i32 to index
      %swap3A_667 = arith.constant 176 : index
      %swap3A_668 = tpu.vector_load %arg8[%swap3A_666, %swap3A_667] {strides = array<i32>} : memref<64x512xf32, #tpu.memory_space<vmem>>, vector<16xf32>,
      tpu.vector_store %arg8[%swap3A_666, %swap3A_667], %gather3A {strides = array<i32>} : memref<64x512xf32, #tpu.memory_space<vmem>>, vector<16xf32>,
      %swap3A_669 = arith.index_cast %scan3A_631 : i32 to index
      %swap3A_670 = arith.constant 192 : index
      %swap3A_671 = tpu.vector_load %arg8[%swap3A_669, %swap3A_670] {strides = array<i32>} : memref<64x512xf32, #tpu.memory_space<vmem>>, vector<16xf32>,
      tpu.vector_store %arg8[%swap3A_669, %swap3A_670], %gather3A {strides = array<i32>} : memref<64x512xf32, #tpu.memory_space<vmem>>, vector<16xf32>,
      %swap3A_672 = arith.index_cast %scan3A_631 : i32 to index
      %swap3A_673 = arith.constant 208 : index
      %swap3A_674 = tpu.vector_load %arg8[%swap3A_672, %swap3A_673] {strides = array<i32>} : memref<64x512xf32, #tpu.memory_space<vmem>>, vector<16xf32>,
      tpu.vector_store %arg8[%swap3A_672, %swap3A_673], %gather3A {strides = array<i32>} : memref<64x512xf32, #tpu.memory_space<vmem>>, vector<16xf32>,
      %swap3A_675 = arith.index_cast %scan3A_631 : i32 to index
      %swap3A_676 = arith.constant 224 : index
      %swap3A_677 = tpu.vector_load %arg8[%swap3A_675, %swap3A_676] {strides = array<i32>} : memref<64x512xf32, #tpu.memory_space<vmem>>, vector<16xf32>,
      tpu.vector_store %arg8[%swap3A_675, %swap3A_676], %gather3A {strides = array<i32>} : memref<64x512xf32, #tpu.memory_space<vmem>>, vector<16xf32>,
      %swap3A_678 = arith.index_cast %scan3A_631 : i32 to index
      %swap3A_679 = arith.constant 240 : index
      %swap3A_680 = tpu.vector_load %arg8[%swap3A_678, %swap3A_679] {strides = array<i32>} : memref<64x512xf32, #tpu.memory_space<vmem>>, vector<16xf32>,
      tpu.vector_store %arg8[%swap3A_678, %swap3A_679], %gather3A {strides = array<i32>} : memref<64x512xf32, #tpu.memory_space<vmem>>, vector<16xf32>,
      %swap3A_681 = arith.index_cast %scan3A_631 : i32 to index
      %swap3A_682 = arith.constant 256 : index
      %swap3A_683 = tpu.vector_load %arg8[%swap3A_681, %swap3A_682] {strides = array<i32>} : memref<64x512xf32, #tpu.memory_space<vmem>>, vector<16xf32>,
      tpu.vector_store %arg8[%swap3A_681, %swap3A_682], %gather3A {strides = array<i32>} : memref<64x512xf32, #tpu.memory_space<vmem>>, vector<16xf32>,
      %swap3A_684 = arith.index_cast %scan3A_631 : i32 to index
      %swap3A_685 = arith.constant 272 : index
      %swap3A_686 = tpu.vector_load %arg8[%swap3A_684, %swap3A_685] {strides = array<i32>} : memref<64x512xf32, #tpu.memory_space<vmem>>, vector<16xf32>,
      tpu.vector_store %arg8[%swap3A_684, %swap3A_685], %gather3A {strides = array<i32>} : memref<64x512xf32, #tpu.memory_space<vmem>>, vector<16xf32>,
      %swap3A_687 = arith.index_cast %scan3A_631 : i32 to index
      %swap3A_688 = arith.constant 288 : index
      %swap3A_689 = tpu.vector_load %arg8[%swap3A_687, %swap3A_688] {strides = array<i32>} : memref<64x512xf32, #tpu.memory_space<vmem>>, vector<16xf32>,
      tpu.vector_store %arg8[%swap3A_687, %swap3A_688], %gather3A {strides = array<i32>} : memref<64x512xf32, #tpu.memory_space<vmem>>, vector<16xf32>,
      %swap3A_690 = arith.index_cast %scan3A_631 : i32 to index
      %swap3A_691 = arith.constant 304 : index
      %swap3A_692 = tpu.vector_load %arg8[%swap3A_690, %swap3A_691] {strides = array<i32>} : memref<64x512xf32, #tpu.memory_space<vmem>>, vector<16xf32>,
      tpu.vector_store %arg8[%swap3A_690, %swap3A_691], %gather3A {strides = array<i32>} : memref<64x512xf32, #tpu.memory_space<vmem>>, vector<16xf32>,
      %swap3A_693 = arith.index_cast %scan3A_631 : i32 to index
      %swap3A_694 = arith.constant 320 : index
      %swap3A_695 = tpu.vector_load %arg8[%swap3A_693, %swap3A_694] {strides = array<i32>} : memref<64x512xf32, #tpu.memory_space<vmem>>, vector<16xf32>,
      tpu.vector_store %arg8[%swap3A_693, %swap3A_694], %gather3A {strides = array<i32>} : memref<64x512xf32, #tpu.memory_space<vmem>>, vector<16xf32>,
      %swap3A_696 = arith.index_cast %scan3A_631 : i32 to index
      %swap3A_697 = arith.constant 336 : index
      %swap3A_698 = tpu.vector_load %arg8[%swap3A_696, %swap3A_697] {strides = array<i32>} : memref<64x512xf32, #tpu.memory_space<vmem>>, vector<16xf32>,
      tpu.vector_store %arg8[%swap3A_696, %swap3A_697], %gather3A {strides = array<i32>} : memref<64x512xf32, #tpu.memory_space<vmem>>, vector<16xf32>,
      %swap3A_699 = arith.index_cast %scan3A_631 : i32 to index
      %swap3A_700 = arith.constant 352 : index
      %swap3A_701 = tpu.vector_load %arg8[%swap3A_699, %swap3A_700] {strides = array<i32>} : memref<64x512xf32, #tpu.memory_space<vmem>>, vector<16xf32>,
      tpu.vector_store %arg8[%swap3A_699, %swap3A_700], %gather3A {strides = array<i32>} : memref<64x512xf32, #tpu.memory_space<vmem>>, vector<16xf32>,
      %swap3A_702 = arith.index_cast %scan3A_631 : i32 to index
      %swap3A_703 = arith.constant 368 : index
      %swap3A_704 = tpu.vector_load %arg8[%swap3A_702, %swap3A_703] {strides = array<i32>} : memref<64x512xf32, #tpu.memory_space<vmem>>, vector<16xf32>,
      tpu.vector_store %arg8[%swap3A_702, %swap3A_703], %gather3A {strides = array<i32>} : memref<64x512xf32, #tpu.memory_space<vmem>>, vector<16xf32>,
      %swap3A_705 = arith.index_cast %scan3A_631 : i32 to index
      %swap3A_706 = arith.constant 384 : index
      %swap3A_707 = tpu.vector_load %arg8[%swap3A_705, %swap3A_706] {strides = array<i32>} : memref<64x512xf32, #tpu.memory_space<vmem>>, vector<16xf32>,
      tpu.vector_store %arg8[%swap3A_705, %swap3A_706], %gather3A {strides = array<i32>} : memref<64x512xf32, #tpu.memory_space<vmem>>, vector<16xf32>,
      %swap3A_708 = arith.index_cast %scan3A_631 : i32 to index
      %swap3A_709 = arith.constant 400 : index
      %swap3A_710 = tpu.vector_load %arg8[%swap3A_708, %swap3A_709] {strides = array<i32>} : memref<64x512xf32, #tpu.memory_space<vmem>>, vector<16xf32>,
      tpu.vector_store %arg8[%swap3A_708, %swap3A_709], %gather3A {strides = array<i32>} : memref<64x512xf32, #tpu.memory_space<vmem>>, vector<16xf32>,
      %swap3A_711 = arith.index_cast %scan3A_631 : i32 to index
      %swap3A_712 = arith.constant 416 : index
      %swap3A_713 = tpu.vector_load %arg8[%swap3A_711, %swap3A_712] {strides = array<i32>} : memref<64x512xf32, #tpu.memory_space<vmem>>, vector<16xf32>,
      tpu.vector_store %arg8[%swap3A_711, %swap3A_712], %gather3A {strides = array<i32>} : memref<64x512xf32, #tpu.memory_space<vmem>>, vector<16xf32>,
      %swap3A_714 = arith.index_cast %scan3A_631 : i32 to index
      %swap3A_715 = arith.constant 432 : index
      %swap3A_716 = tpu.vector_load %arg8[%swap3A_714, %swap3A_715] {strides = array<i32>} : memref<64x512xf32, #tpu.memory_space<vmem>>, vector<16xf32>,
      tpu.vector_store %arg8[%swap3A_714, %swap3A_715], %gather3A {strides = array<i32>} : memref<64x512xf32, #tpu.memory_space<vmem>>, vector<16xf32>,
      %swap3A_717 = arith.index_cast %scan3A_631 : i32 to index
      %swap3A_718 = arith.constant 448 : index
      %swap3A_719 = tpu.vector_load %arg8[%swap3A_717, %swap3A_718] {strides = array<i32>} : memref<64x512xf32, #tpu.memory_space<vmem>>, vector<16xf32>,
      tpu.vector_store %arg8[%swap3A_717, %swap3A_718], %gather3A {strides = array<i32>} : memref<64x512xf32, #tpu.memory_space<vmem>>, vector<16xf32>,
      %swap3A_720 = arith.index_cast %scan3A_631 : i32 to index
      %swap3A_721 = arith.constant 464 : index
      %swap3A_722 = tpu.vector_load %arg8[%swap3A_720, %swap3A_721] {strides = array<i32>} : memref<64x512xf32, #tpu.memory_space<vmem>>, vector<16xf32>,
      tpu.vector_store %arg8[%swap3A_720, %swap3A_721], %gather3A {strides = array<i32>} : memref<64x512xf32, #tpu.memory_space<vmem>>, vector<16xf32>,
      %swap3A_723 = arith.index_cast %scan3A_631 : i32 to index
      %swap3A_724 = arith.constant 480 : index
      %swap3A_725 = tpu.vector_load %arg8[%swap3A_723, %swap3A_724] {strides = array<i32>} : memref<64x512xf32, #tpu.memory_space<vmem>>, vector<16xf32>,
      tpu.vector_store %arg8[%swap3A_723, %swap3A_724], %gather3A {strides = array<i32>} : memref<64x512xf32, #tpu.memory_space<vmem>>, vector<16xf32>,
      %swap3A_726 = arith.index_cast %scan3A_631 : i32 to index
      %swap3A_727 = arith.constant 496 : index
      %swap3A_728 = tpu.vector_load %arg8[%swap3A_726, %swap3A_727] {strides = array<i32>} : memref<64x512xf32, #tpu.memory_space<vmem>>, vector<16xf32>,
      tpu.vector_store %arg8[%swap3A_726, %swap3A_727], %gather3A {strides = array<i32>} : memref<64x512xf32, #tpu.memory_space<vmem>>, vector<16xf32>,
    }
    %scan3A_100 = arith.constant 64 : i32
    %add3A_101 = arith.constant 2 : i32
    %add3A_102 = arith.addi %mul3A_2, %add3A_101 : i32
    %dma_start3A_103 = arith.constant 0 : i32
    %dma_start3A_104 = arith.constant 0 : i32
    %dma_start3A_105 = tpu.memref_slice %arg3[%add3A_102, %dma_start3A_103, %dma_start3A_104] : memref<257x64x2048xf32, #tpu.memory_space<hbm>> -> memref<1x64x512xf32, #tpu.memory_space<hbm>>
    %dma_start3A_106 = tpu.memref_squeeze %dma_start3A_105 : memref<1x64x512xf32, #tpu.memory_space<hbm>> -> memref<64x512xf32, #tpu.memory_space<hbm>>
    %dma_start3A_107 = arith.constant 0 : i32
    %dma_start3A_108 = arith.constant 0 : i32
    %dma_start3A_109 = tpu.memref_slice %arg3[%add3A_102, %dma_start3A_107, %dma_start3A_108] : memref<257x64x2048xf32, #tpu.memory_space<hbm>> -> memref<1x64x512xf32, #tpu.memory_space<hbm>>
    %dma_start3A_110 = tpu.memref_squeeze %dma_start3A_109 : memref<1x64x512xf32, #tpu.memory_space<hbm>> -> memref<64x512xf32, #tpu.memory_space<hbm>>
    tpu.enqueue_dma source(%arg8 : memref<64x512xf32, #tpu.memory_space<vmem>>) target(%dma_start3A_110 : memref<64x512xf32, #tpu.memory_space<hbm>>) target_semaphore(%arg12 : memref<!tpu.dma_semaphore, #tpu.memory_space<semaphore_mem>>)
    %add3A_111 = arith.constant 2 : i32
    %add3A_112 = arith.addi %mul3A_2, %add3A_111 : i32
    %dma_start3A_113 = arith.constant 0 : i32
    %dma_start3A_114 = arith.constant 512 : i32
    %dma_start3A_115 = tpu.memref_slice %arg3[%add3A_112, %dma_start3A_113, %dma_start3A_114] : memref<257x64x2048xf32, #tpu.memory_space<hbm>> -> memref<1x64x512xf32, #tpu.memory_space<hbm>>
    %dma_start3A_116 = tpu.memref_squeeze %dma_start3A_115 : memref<1x64x512xf32, #tpu.memory_space<hbm>> -> memref<64x512xf32, #tpu.memory_space<hbm>>
    %dma_start3A_117 = arith.constant 0 : i32
    %dma_start3A_118 = arith.constant 512 : i32
    %dma_start3A_119 = tpu.memref_slice %arg3[%add3A_112, %dma_start3A_117, %dma_start3A_118] : memref<257x64x2048xf32, #tpu.memory_space<hbm>> -> memref<1x64x512xf32, #tpu.memory_space<hbm>>
    %dma_start3A_120 = tpu.memref_squeeze %dma_start3A_119 : memref<1x64x512xf32, #tpu.memory_space<hbm>> -> memref<64x512xf32, #tpu.memory_space<hbm>>
    tpu.enqueue_dma source(%arg8 : memref<64x512xf32, #tpu.memory_space<vmem>>) target(%dma_start3A_120 : memref<64x512xf32, #tpu.memory_space<hbm>>) target_semaphore(%arg12 : memref<!tpu.dma_semaphore, #tpu.memory_space<semaphore_mem>>)
    %add3A_121 = arith.constant 2 : i32
    %add3A_122 = arith.addi %mul3A_2, %add3A_121 : i32
    %dma_start3A_123 = arith.constant 0 : i32
    %dma_start3A_124 = arith.constant 1024 : i32
    %dma_start3A_125 = tpu.memref_slice %arg3[%add3A_122, %dma_start3A_123, %dma_start3A_124] : memref<257x64x2048xf32, #tpu.memory_space<hbm>> -> memref<1x64x512xf32, #tpu.memory_space<hbm>>
    %dma_start3A_126 = tpu.memref_squeeze %dma_start3A_125 : memref<1x64x512xf32, #tpu.memory_space<hbm>> -> memref<64x512xf32, #tpu.memory_space<hbm>>
    %dma_start3A_127 = arith.constant 0 : i32
    %dma_start3A_128 = arith.constant 1024 : i32
    %dma_start3A_129 = tpu.memref_slice %arg3[%add3A_122, %dma_start3A_127, %dma_start3A_128] : memref<257x64x2048xf32, #tpu.memory_space<hbm>> -> memref<1x64x512xf32, #tpu.memory_space<hbm>>
    %dma_start3A_130 = tpu.memref_squeeze %dma_start3A_129 : memref<1x64x512xf32, #tpu.memory_space<hbm>> -> memref<64x512xf32, #tpu.memory_space<hbm>>
    tpu.enqueue_dma source(%arg8 : memref<64x512xf32, #tpu.memory_space<vmem>>) target(%dma_start3A_130 : memref<64x512xf32, #tpu.memory_space<hbm>>) target_semaphore(%arg12 : memref<!tpu.dma_semaphore, #tpu.memory_space<semaphore_mem>>)
    %add3A_131 = arith.constant 2 : i32
    %add3A_132 = arith.addi %mul3A_2, %add3A_131 : i32
    %dma_start3A_133 = arith.constant 0 : i32
    %dma_start3A_134 = arith.constant 1536 : i32
    %dma_start3A_135 = tpu.memref_slice %arg3[%add3A_132, %dma_start3A_133, %dma_start3A_134] : memref<257x64x2048xf32, #tpu.memory_space<hbm>> -> memref<1x64x512xf32, #tpu.memory_space<hbm>>
    %dma_start3A_136 = tpu.memref_squeeze %dma_start3A_135 : memref<1x64x512xf32, #tpu.memory_space<hbm>> -> memref<64x512xf32, #tpu.memory_space<hbm>>
    %dma_start3A_137 = arith.constant 0 : i32
    %dma_start3A_138 = arith.constant 1536 : i32
    %dma_start3A_139 = tpu.memref_slice %arg3[%add3A_132, %dma_start3A_137, %dma_start3A_138] : memref<257x64x2048xf32, #tpu.memory_space<hbm>> -> memref<1x64x512xf32, #tpu.memory_space<hbm>>
    %dma_start3A_140 = tpu.memref_squeeze %dma_start3A_139 : memref<1x64x512xf32, #tpu.memory_space<hbm>> -> memref<64x512xf32, #tpu.memory_space<hbm>>
    tpu.enqueue_dma source(%arg8 : memref<64x512xf32, #tpu.memory_space<vmem>>) target(%dma_start3A_140 : memref<64x512xf32, #tpu.memory_space<hbm>>) target_semaphore(%arg12 : memref<!tpu.dma_semaphore, #tpu.memory_space<semaphore_mem>>)
    %dma_wait3A = arith.constant 0 : i32
    %dma_wait3A_141 = arith.constant 0 : i32
    %dma_wait3A_142 = tpu.memref_slice %arg3[%add3A_11, %dma_wait3A, %dma_wait3A_141] : memref<257x64x2048xf32, #tpu.memory_space<hbm>> -> memref<1x64x512xf32, #tpu.memory_space<hbm>>
    %dma_wait3A_143 = tpu.memref_squeeze %dma_wait3A_142 : memref<1x64x512xf32, #tpu.memory_space<hbm>> -> memref<64x512xf32, #tpu.memory_space<hbm>>
    %dma_wait3A_144 = arith.constant 0 : i32
    %dma_wait3A_145 = arith.constant 0 : i32
    %dma_wait3A_146 = tpu.memref_slice %arg3[%add3A_11, %dma_wait3A_144, %dma_wait3A_145] : memref<257x64x2048xf32, #tpu.memory_space<hbm>> -> memref<1x64x512xf32, #tpu.memory_space<hbm>>
    %dma_wait3A_147 = tpu.memref_squeeze %dma_wait3A_146 : memref<1x64x512xf32, #tpu.memory_space<hbm>> -> memref<64x512xf32, #tpu.memory_space<hbm>>
    tpu.wait_dma2 semaphore(%arg10 : memref<!tpu.dma_semaphore, #tpu.memory_space<semaphore_mem>>) src(%arg6 : memref<64x512xf32, #tpu.memory_space<vmem>>) dst(%dma_wait3A_147 : memref<64x512xf32, #tpu.memory_space<hbm>>)
    %dma_wait3A_148 = arith.constant 0 : i32
    %dma_wait3A_149 = arith.constant 512 : i32
    %dma_wait3A_150 = tpu.memref_slice %arg3[%add3A_20, %dma_wait3A_148, %dma_wait3A_149] : memref<257x64x2048xf32, #tpu.memory_space<hbm>> -> memref<1x64x512xf32, #tpu.memory_space<hbm>>
    %dma_wait3A_151 = tpu.memref_squeeze %dma_wait3A_150 : memref<1x64x512xf32, #tpu.memory_space<hbm>> -> memref<64x512xf32, #tpu.memory_space<hbm>>
    %dma_wait3A_152 = arith.constant 0 : i32
    %dma_wait3A_153 = arith.constant 512 : i32
    %dma_wait3A_154 = tpu.memref_slice %arg3[%add3A_20, %dma_wait3A_152, %dma_wait3A_153] : memref<257x64x2048xf32, #tpu.memory_space<hbm>> -> memref<1x64x512xf32, #tpu.memory_space<hbm>>
    %dma_wait3A_155 = tpu.memref_squeeze %dma_wait3A_154 : memref<1x64x512xf32, #tpu.memory_space<hbm>> -> memref<64x512xf32, #tpu.memory_space<hbm>>
    tpu.wait_dma2 semaphore(%arg10 : memref<!tpu.dma_semaphore, #tpu.memory_space<semaphore_mem>>) src(%arg6 : memref<64x512xf32, #tpu.memory_space<vmem>>) dst(%dma_wait3A_155 : memref<64x512xf32, #tpu.memory_space<hbm>>)
    %dma_wait3A_156 = arith.constant 0 : i32
    %dma_wait3A_157 = arith.constant 1024 : i32
    %dma_wait3A_158 = tpu.memref_slice %arg3[%add3A_30, %dma_wait3A_156, %dma_wait3A_157] : memref<257x64x2048xf32, #tpu.memory_space<hbm>> -> memref<1x64x512xf32, #tpu.memory_space<hbm>>
    %dma_wait3A_159 = tpu.memref_squeeze %dma_wait3A_158 : memref<1x64x512xf32, #tpu.memory_space<hbm>> -> memref<64x512xf32, #tpu.memory_space<hbm>>
    %dma_wait3A_160 = arith.constant 0 : i32
    %dma_wait3A_161 = arith.constant 1024 : i32
    %dma_wait3A_162 = tpu.memref_slice %arg3[%add3A_30, %dma_wait3A_160, %dma_wait3A_161] : memref<257x64x2048xf32, #tpu.memory_space<hbm>> -> memref<1x64x512xf32, #tpu.memory_space<hbm>>
    %dma_wait3A_163 = tpu.memref_squeeze %dma_wait3A_162 : memref<1x64x512xf32, #tpu.memory_space<hbm>> -> memref<64x512xf32, #tpu.memory_space<hbm>>
    tpu.wait_dma2 semaphore(%arg10 : memref<!tpu.dma_semaphore, #tpu.memory_space<semaphore_mem>>) src(%arg6 : memref<64x512xf32, #tpu.memory_space<vmem>>) dst(%dma_wait3A_163 : memref<64x512xf32, #tpu.memory_space<hbm>>)
    %dma_wait3A_164 = arith.constant 0 : i32
    %dma_wait3A_165 = arith.constant 1536 : i32
    %dma_wait3A_166 = tpu.memref_slice %arg3[%add3A_40, %dma_wait3A_164, %dma_wait3A_165] : memref<257x64x2048xf32, #tpu.memory_space<hbm>> -> memref<1x64x512xf32, #tpu.memory_space<hbm>>
    %dma_wait3A_167 = tpu.memref_squeeze %dma_wait3A_166 : memref<1x64x512xf32, #tpu.memory_space<hbm>> -> memref<64x512xf32, #tpu.memory_space<hbm>>
    %dma_wait3A_168 = arith.constant 0 : i32
    %dma_wait3A_169 = arith.constant 1536 : i32
    %dma_wait3A_170 = tpu.memref_slice %arg3[%add3A_40, %dma_wait3A_168, %dma_wait3A_169] : memref<257x64x2048xf32, #tpu.memory_space<hbm>> -> memref<1x64x512xf32, #tpu.memory_space<hbm>>
    %dma_wait3A_171 = tpu.memref_squeeze %dma_wait3A_170 : memref<1x64x512xf32, #tpu.memory_space<hbm>> -> memref<64x512xf32, #tpu.memory_space<hbm>>
    tpu.wait_dma2 semaphore(%arg10 : memref<!tpu.dma_semaphore, #tpu.memory_space<semaphore_mem>>) src(%arg6 : memref<64x512xf32, #tpu.memory_space<vmem>>) dst(%dma_wait3A_171 : memref<64x512xf32, #tpu.memory_space<hbm>>)
    %scan3A_172 = arith.constant 0 : i32
    %scan3A_173 = arith.constant 0 : i32
    %scan3A_174 = arith.constant 64 : i32
    %scan3A_175 = arith.addi %scan3A_173, %scan3A_174 : i32
    %scan3A_176 = arith.constant 1 : i32
    scf.for %scan3A_631 = %scan3A_173 to %scan3A_175 step %scan3A_176  : i32 {
      %broadcast_in_dim3A = arith.constant 3 : i32
      %broadcast_in_dim3A_632 = vector.broadcast %broadcast_in_dim3A : i32 to vector<16xi32>
      %broadcast_in_dim3A_633 = vector.broadcast %scan3A_631 : i32 to vector<16xi32>
      %gather3A = tpu.vector_load_idx %arg4[%broadcast_in_dim3A_632, %broadcast_in_dim3A_633] : memref<8x64xf32, #tpu.memory_space<vmem>>[vector<16xi32>, vector<16xi32>], vector<16xf32>,
      %swap3A = arith.index_cast %scan3A_631 : i32 to index
      %swap3A_634 = arith.constant 0 : index
      %swap3A_635 = tpu.vector_load %arg6[%swap3A, %swap3A_634] {strides = array<i32>} : memref<64x512xf32, #tpu.memory_space<vmem>>, vector<16xf32>,
      tpu.vector_store %arg6[%swap3A, %swap3A_634], %gather3A {strides = array<i32>} : memref<64x512xf32, #tpu.memory_space<vmem>>, vector<16xf32>,
      %swap3A_636 = arith.index_cast %scan3A_631 : i32 to index
      %swap3A_637 = arith.constant 16 : index
      %swap3A_638 = tpu.vector_load %arg6[%swap3A_636, %swap3A_637] {strides = array<i32>} : memref<64x512xf32, #tpu.memory_space<vmem>>, vector<16xf32>,
      tpu.vector_store %arg6[%swap3A_636, %swap3A_637], %gather3A {strides = array<i32>} : memref<64x512xf32, #tpu.memory_space<vmem>>, vector<16xf32>,
      %swap3A_639 = arith.index_cast %scan3A_631 : i32 to index
      %swap3A_640 = arith.constant 32 : index
      %swap3A_641 = tpu.vector_load %arg6[%swap3A_639, %swap3A_640] {strides = array<i32>} : memref<64x512xf32, #tpu.memory_space<vmem>>, vector<16xf32>,
      tpu.vector_store %arg6[%swap3A_639, %swap3A_640], %gather3A {strides = array<i32>} : memref<64x512xf32, #tpu.memory_space<vmem>>, vector<16xf32>,
      %swap3A_642 = arith.index_cast %scan3A_631 : i32 to index
      %swap3A_643 = arith.constant 48 : index
      %swap3A_644 = tpu.vector_load %arg6[%swap3A_642, %swap3A_643] {strides = array<i32>} : memref<64x512xf32, #tpu.memory_space<vmem>>, vector<16xf32>,
      tpu.vector_store %arg6[%swap3A_642, %swap3A_643], %gather3A {strides = array<i32>} : memref<64x512xf32, #tpu.memory_space<vmem>>, vector<16xf32>,
      %swap3A_645 = arith.index_cast %scan3A_631 : i32 to index
      %swap3A_646 = arith.constant 64 : index
      %swap3A_647 = tpu.vector_load %arg6[%swap3A_645, %swap3A_646] {strides = array<i32>} : memref<64x512xf32, #tpu.memory_space<vmem>>, vector<16xf32>,
      tpu.vector_store %arg6[%swap3A_645, %swap3A_646], %gather3A {strides = array<i32>} : memref<64x512xf32, #tpu.memory_space<vmem>>, vector<16xf32>,
      %swap3A_648 = arith.index_cast %scan3A_631 : i32 to index
      %swap3A_649 = arith.constant 80 : index
      %swap3A_650 = tpu.vector_load %arg6[%swap3A_648, %swap3A_649] {strides = array<i32>} : memref<64x512xf32, #tpu.memory_space<vmem>>, vector<16xf32>,
      tpu.vector_store %arg6[%swap3A_648, %swap3A_649], %gather3A {strides = array<i32>} : memref<64x512xf32, #tpu.memory_space<vmem>>, vector<16xf32>,
      %swap3A_651 = arith.index_cast %scan3A_631 : i32 to index
      %swap3A_652 = arith.constant 96 : index
      %swap3A_653 = tpu.vector_load %arg6[%swap3A_651, %swap3A_652] {strides = array<i32>} : memref<64x512xf32, #tpu.memory_space<vmem>>, vector<16xf32>,
      tpu.vector_store %arg6[%swap3A_651, %swap3A_652], %gather3A {strides = array<i32>} : memref<64x512xf32, #tpu.memory_space<vmem>>, vector<16xf32>,
      %swap3A_654 = arith.index_cast %scan3A_631 : i32 to index
      %swap3A_655 = arith.constant 112 : index
      %swap3A_656 = tpu.vector_load %arg6[%swap3A_654, %swap3A_655] {strides = array<i32>} : memref<64x512xf32, #tpu.memory_space<vmem>>, vector<16xf32>,
      tpu.vector_store %arg6[%swap3A_654, %swap3A_655], %gather3A {strides = array<i32>} : memref<64x512xf32, #tpu.memory_space<vmem>>, vector<16xf32>,
      %swap3A_657 = arith.index_cast %scan3A_631 : i32 to index
      %swap3A_658 = arith.constant 128 : index
      %swap3A_659 = tpu.vector_load %arg6[%swap3A_657, %swap3A_658] {strides = array<i32>} : memref<64x512xf32, #tpu.memory_space<vmem>>, vector<16xf32>,
      tpu.vector_store %arg6[%swap3A_657, %swap3A_658], %gather3A {strides = array<i32>} : memref<64x512xf32, #tpu.memory_space<vmem>>, vector<16xf32>,
      %swap3A_660 = arith.index_cast %scan3A_631 : i32 to index
      %swap3A_661 = arith.constant 144 : index
      %swap3A_662 = tpu.vector_load %arg6[%swap3A_660, %swap3A_661] {strides = array<i32>} : memref<64x512xf32, #tpu.memory_space<vmem>>, vector<16xf32>,
      tpu.vector_store %arg6[%swap3A_660, %swap3A_661], %gather3A {strides = array<i32>} : memref<64x512xf32, #tpu.memory_space<vmem>>, vector<16xf32>,
      %swap3A_663 = arith.index_cast %scan3A_631 : i32 to index
      %swap3A_664 = arith.constant 160 : index
      %swap3A_665 = tpu.vector_load %arg6[%swap3A_663, %swap3A_664] {strides = array<i32>} : memref<64x512xf32, #tpu.memory_space<vmem>>, vector<16xf32>,
      tpu.vector_store %arg6[%swap3A_663, %swap3A_664], %gather3A {strides = array<i32>} : memref<64x512xf32, #tpu.memory_space<vmem>>, vector<16xf32>,
      %swap3A_666 = arith.index_cast %scan3A_631 : i32 to index
      %swap3A_667 = arith.constant 176 : index
      %swap3A_668 = tpu.vector_load %arg6[%swap3A_666, %swap3A_667] {strides = array<i32>} : memref<64x512xf32, #tpu.memory_space<vmem>>, vector<16xf32>,
      tpu.vector_store %arg6[%swap3A_666, %swap3A_667], %gather3A {strides = array<i32>} : memref<64x512xf32, #tpu.memory_space<vmem>>, vector<16xf32>,
      %swap3A_669 = arith.index_cast %scan3A_631 : i32 to index
      %swap3A_670 = arith.constant 192 : index
      %swap3A_671 = tpu.vector_load %arg6[%swap3A_669, %swap3A_670] {strides = array<i32>} : memref<64x512xf32, #tpu.memory_space<vmem>>, vector<16xf32>,
      tpu.vector_store %arg6[%swap3A_669, %swap3A_670], %gather3A {strides = array<i32>} : memref<64x512xf32, #tpu.memory_space<vmem>>, vector<16xf32>,
      %swap3A_672 = arith.index_cast %scan3A_631 : i32 to index
      %swap3A_673 = arith.constant 208 : index
      %swap3A_674 = tpu.vector_load %arg6[%swap3A_672, %swap3A_673] {strides = array<i32>} : memref<64x512xf32, #tpu.memory_space<vmem>>, vector<16xf32>,
      tpu.vector_store %arg6[%swap3A_672, %swap3A_673], %gather3A {strides = array<i32>} : memref<64x512xf32, #tpu.memory_space<vmem>>, vector<16xf32>,
      %swap3A_675 = arith.index_cast %scan3A_631 : i32 to index
      %swap3A_676 = arith.constant 224 : index
      %swap3A_677 = tpu.vector_load %arg6[%swap3A_675, %swap3A_676] {strides = array<i32>} : memref<64x512xf32, #tpu.memory_space<vmem>>, vector<16xf32>,
      tpu.vector_store %arg6[%swap3A_675, %swap3A_676], %gather3A {strides = array<i32>} : memref<64x512xf32, #tpu.memory_space<vmem>>, vector<16xf32>,
      %swap3A_678 = arith.index_cast %scan3A_631 : i32 to index
      %swap3A_679 = arith.constant 240 : index
      %swap3A_680 = tpu.vector_load %arg6[%swap3A_678, %swap3A_679] {strides = array<i32>} : memref<64x512xf32, #tpu.memory_space<vmem>>, vector<16xf32>,
      tpu.vector_store %arg6[%swap3A_678, %swap3A_679], %gather3A {strides = array<i32>} : memref<64x512xf32, #tpu.memory_space<vmem>>, vector<16xf32>,
      %swap3A_681 = arith.index_cast %scan3A_631 : i32 to index
      %swap3A_682 = arith.constant 256 : index
      %swap3A_683 = tpu.vector_load %arg6[%swap3A_681, %swap3A_682] {strides = array<i32>} : memref<64x512xf32, #tpu.memory_space<vmem>>, vector<16xf32>,
      tpu.vector_store %arg6[%swap3A_681, %swap3A_682], %gather3A {strides = array<i32>} : memref<64x512xf32, #tpu.memory_space<vmem>>, vector<16xf32>,
      %swap3A_684 = arith.index_cast %scan3A_631 : i32 to index
      %swap3A_685 = arith.constant 272 : index
      %swap3A_686 = tpu.vector_load %arg6[%swap3A_684, %swap3A_685] {strides = array<i32>} : memref<64x512xf32, #tpu.memory_space<vmem>>, vector<16xf32>,
      tpu.vector_store %arg6[%swap3A_684, %swap3A_685], %gather3A {strides = array<i32>} : memref<64x512xf32, #tpu.memory_space<vmem>>, vector<16xf32>,
      %swap3A_687 = arith.index_cast %scan3A_631 : i32 to index
      %swap3A_688 = arith.constant 288 : index
      %swap3A_689 = tpu.vector_load %arg6[%swap3A_687, %swap3A_688] {strides = array<i32>} : memref<64x512xf32, #tpu.memory_space<vmem>>, vector<16xf32>,
      tpu.vector_store %arg6[%swap3A_687, %swap3A_688], %gather3A {strides = array<i32>} : memref<64x512xf32, #tpu.memory_space<vmem>>, vector<16xf32>,
      %swap3A_690 = arith.index_cast %scan3A_631 : i32 to index
      %swap3A_691 = arith.constant 304 : index
      %swap3A_692 = tpu.vector_load %arg6[%swap3A_690, %swap3A_691] {strides = array<i32>} : memref<64x512xf32, #tpu.memory_space<vmem>>, vector<16xf32>,
      tpu.vector_store %arg6[%swap3A_690, %swap3A_691], %gather3A {strides = array<i32>} : memref<64x512xf32, #tpu.memory_space<vmem>>, vector<16xf32>,
      %swap3A_693 = arith.index_cast %scan3A_631 : i32 to index
      %swap3A_694 = arith.constant 320 : index
      %swap3A_695 = tpu.vector_load %arg6[%swap3A_693, %swap3A_694] {strides = array<i32>} : memref<64x512xf32, #tpu.memory_space<vmem>>, vector<16xf32>,
      tpu.vector_store %arg6[%swap3A_693, %swap3A_694], %gather3A {strides = array<i32>} : memref<64x512xf32, #tpu.memory_space<vmem>>, vector<16xf32>,
      %swap3A_696 = arith.index_cast %scan3A_631 : i32 to index
      %swap3A_697 = arith.constant 336 : index
      %swap3A_698 = tpu.vector_load %arg6[%swap3A_696, %swap3A_697] {strides = array<i32>} : memref<64x512xf32, #tpu.memory_space<vmem>>, vector<16xf32>,
      tpu.vector_store %arg6[%swap3A_696, %swap3A_697], %gather3A {strides = array<i32>} : memref<64x512xf32, #tpu.memory_space<vmem>>, vector<16xf32>,
      %swap3A_699 = arith.index_cast %scan3A_631 : i32 to index
      %swap3A_700 = arith.constant 352 : index
      %swap3A_701 = tpu.vector_load %arg6[%swap3A_699, %swap3A_700] {strides = array<i32>} : memref<64x512xf32, #tpu.memory_space<vmem>>, vector<16xf32>,
      tpu.vector_store %arg6[%swap3A_699, %swap3A_700], %gather3A {strides = array<i32>} : memref<64x512xf32, #tpu.memory_space<vmem>>, vector<16xf32>,
      %swap3A_702 = arith.index_cast %scan3A_631 : i32 to index
      %swap3A_703 = arith.constant 368 : index
      %swap3A_704 = tpu.vector_load %arg6[%swap3A_702, %swap3A_703] {strides = array<i32>} : memref<64x512xf32, #tpu.memory_space<vmem>>, vector<16xf32>,
      tpu.vector_store %arg6[%swap3A_702, %swap3A_703], %gather3A {strides = array<i32>} : memref<64x512xf32, #tpu.memory_space<vmem>>, vector<16xf32>,
      %swap3A_705 = arith.index_cast %scan3A_631 : i32 to index
      %swap3A_706 = arith.constant 384 : index
      %swap3A_707 = tpu.vector_load %arg6[%swap3A_705, %swap3A_706] {strides = array<i32>} : memref<64x512xf32, #tpu.memory_space<vmem>>, vector<16xf32>,
      tpu.vector_store %arg6[%swap3A_705, %swap3A_706], %gather3A {strides = array<i32>} : memref<64x512xf32, #tpu.memory_space<vmem>>, vector<16xf32>,
      %swap3A_708 = arith.index_cast %scan3A_631 : i32 to index
      %swap3A_709 = arith.constant 400 : index
      %swap3A_710 = tpu.vector_load %arg6[%swap3A_708, %swap3A_709] {strides = array<i32>} : memref<64x512xf32, #tpu.memory_space<vmem>>, vector<16xf32>,
      tpu.vector_store %arg6[%swap3A_708, %swap3A_709], %gather3A {strides = array<i32>} : memref<64x512xf32, #tpu.memory_space<vmem>>, vector<16xf32>,
      %swap3A_711 = arith.index_cast %scan3A_631 : i32 to index
      %swap3A_712 = arith.constant 416 : index
      %swap3A_713 = tpu.vector_load %arg6[%swap3A_711, %swap3A_712] {strides = array<i32>} : memref<64x512xf32, #tpu.memory_space<vmem>>, vector<16xf32>,
      tpu.vector_store %arg6[%swap3A_711, %swap3A_712], %gather3A {strides = array<i32>} : memref<64x512xf32, #tpu.memory_space<vmem>>, vector<16xf32>,
      %swap3A_714 = arith.index_cast %scan3A_631 : i32 to index
      %swap3A_715 = arith.constant 432 : index
      %swap3A_716 = tpu.vector_load %arg6[%swap3A_714, %swap3A_715] {strides = array<i32>} : memref<64x512xf32, #tpu.memory_space<vmem>>, vector<16xf32>,
      tpu.vector_store %arg6[%swap3A_714, %swap3A_715], %gather3A {strides = array<i32>} : memref<64x512xf32, #tpu.memory_space<vmem>>, vector<16xf32>,
      %swap3A_717 = arith.index_cast %scan3A_631 : i32 to index
      %swap3A_718 = arith.constant 448 : index
      %swap3A_719 = tpu.vector_load %arg6[%swap3A_717, %swap3A_718] {strides = array<i32>} : memref<64x512xf32, #tpu.memory_space<vmem>>, vector<16xf32>,
      tpu.vector_store %arg6[%swap3A_717, %swap3A_718], %gather3A {strides = array<i32>} : memref<64x512xf32, #tpu.memory_space<vmem>>, vector<16xf32>,
      %swap3A_720 = arith.index_cast %scan3A_631 : i32 to index
      %swap3A_721 = arith.constant 464 : index
      %swap3A_722 = tpu.vector_load %arg6[%swap3A_720, %swap3A_721] {strides = array<i32>} : memref<64x512xf32, #tpu.memory_space<vmem>>, vector<16xf32>,
      tpu.vector_store %arg6[%swap3A_720, %swap3A_721], %gather3A {strides = array<i32>} : memref<64x512xf32, #tpu.memory_space<vmem>>, vector<16xf32>,
      %swap3A_723 = arith.index_cast %scan3A_631 : i32 to index
      %swap3A_724 = arith.constant 480 : index
      %swap3A_725 = tpu.vector_load %arg6[%swap3A_723, %swap3A_724] {strides = array<i32>} : memref<64x512xf32, #tpu.memory_space<vmem>>, vector<16xf32>,
      tpu.vector_store %arg6[%swap3A_723, %swap3A_724], %gather3A {strides = array<i32>} : memref<64x512xf32, #tpu.memory_space<vmem>>, vector<16xf32>,
      %swap3A_726 = arith.index_cast %scan3A_631 : i32 to index
      %swap3A_727 = arith.constant 496 : index
      %swap3A_728 = tpu.vector_load %arg6[%swap3A_726, %swap3A_727] {strides = array<i32>} : memref<64x512xf32, #tpu.memory_space<vmem>>, vector<16xf32>,
      tpu.vector_store %arg6[%swap3A_726, %swap3A_727], %gather3A {strides = array<i32>} : memref<64x512xf32, #tpu.memory_space<vmem>>, vector<16xf32>,
    }
    %scan3A_177 = arith.constant 64 : i32
    %add3A_178 = arith.constant 3 : i32
    %add3A_179 = arith.addi %mul3A_2, %add3A_178 : i32
    %dma_start3A_180 = arith.constant 0 : i32
    %dma_start3A_181 = arith.constant 0 : i32
    %dma_start3A_182 = tpu.memref_slice %arg3[%add3A_179, %dma_start3A_180, %dma_start3A_181] : memref<257x64x2048xf32, #tpu.memory_space<hbm>> -> memref<1x64x512xf32, #tpu.memory_space<hbm>>
    %dma_start3A_183 = tpu.memref_squeeze %dma_start3A_182 : memref<1x64x512xf32, #tpu.memory_space<hbm>> -> memref<64x512xf32, #tpu.memory_space<hbm>>
    %dma_start3A_184 = arith.constant 0 : i32
    %dma_start3A_185 = arith.constant 0 : i32
    %dma_start3A_186 = tpu.memref_slice %arg3[%add3A_179, %dma_start3A_184, %dma_start3A_185] : memref<257x64x2048xf32, #tpu.memory_space<hbm>> -> memref<1x64x512xf32, #tpu.memory_space<hbm>>
    %dma_start3A_187 = tpu.memref_squeeze %dma_start3A_186 : memref<1x64x512xf32, #tpu.memory_space<hbm>> -> memref<64x512xf32, #tpu.memory_space<hbm>>
    tpu.enqueue_dma source(%arg6 : memref<64x512xf32, #tpu.memory_space<vmem>>) target(%dma_start3A_187 : memref<64x512xf32, #tpu.memory_space<hbm>>) target_semaphore(%arg10 : memref<!tpu.dma_semaphore, #tpu.memory_space<semaphore_mem>>)
    %add3A_188 = arith.constant 3 : i32
    %add3A_189 = arith.addi %mul3A_2, %add3A_188 : i32
    %dma_start3A_190 = arith.constant 0 : i32
    %dma_start3A_191 = arith.constant 512 : i32
    %dma_start3A_192 = tpu.memref_slice %arg3[%add3A_189, %dma_start3A_190, %dma_start3A_191] : memref<257x64x2048xf32, #tpu.memory_space<hbm>> -> memref<1x64x512xf32, #tpu.memory_space<hbm>>
    %dma_start3A_193 = tpu.memref_squeeze %dma_start3A_192 : memref<1x64x512xf32, #tpu.memory_space<hbm>> -> memref<64x512xf32, #tpu.memory_space<hbm>>
    %dma_start3A_194 = arith.constant 0 : i32
    %dma_start3A_195 = arith.constant 512 : i32
    %dma_start3A_196 = tpu.memref_slice %arg3[%add3A_189, %dma_start3A_194, %dma_start3A_195] : memref<257x64x2048xf32, #tpu.memory_space<hbm>> -> memref<1x64x512xf32, #tpu.memory_space<hbm>>
    %dma_start3A_197 = tpu.memref_squeeze %dma_start3A_196 : memref<1x64x512xf32, #tpu.memory_space<hbm>> -> memref<64x512xf32, #tpu.memory_space<hbm>>
    tpu.enqueue_dma source(%arg6 : memref<64x512xf32, #tpu.memory_space<vmem>>) target(%dma_start3A_197 : memref<64x512xf32, #tpu.memory_space<hbm>>) target_semaphore(%arg10 : memref<!tpu.dma_semaphore, #tpu.memory_space<semaphore_mem>>)
    %add3A_198 = arith.constant 3 : i32
    %add3A_199 = arith.addi %mul3A_2, %add3A_198 : i32
    %dma_start3A_200 = arith.constant 0 : i32
    %dma_start3A_201 = arith.constant 1024 : i32
    %dma_start3A_202 = tpu.memref_slice %arg3[%add3A_199, %dma_start3A_200, %dma_start3A_201] : memref<257x64x2048xf32, #tpu.memory_space<hbm>> -> memref<1x64x512xf32, #tpu.memory_space<hbm>>
    %dma_start3A_203 = tpu.memref_squeeze %dma_start3A_202 : memref<1x64x512xf32, #tpu.memory_space<hbm>> -> memref<64x512xf32, #tpu.memory_space<hbm>>
    %dma_start3A_204 = arith.constant 0 : i32
    %dma_start3A_205 = arith.constant 1024 : i32
    %dma_start3A_206 = tpu.memref_slice %arg3[%add3A_199, %dma_start3A_204, %dma_start3A_205] : memref<257x64x2048xf32, #tpu.memory_space<hbm>> -> memref<1x64x512xf32, #tpu.memory_space<hbm>>
    %dma_start3A_207 = tpu.memref_squeeze %dma_start3A_206 : memref<1x64x512xf32, #tpu.memory_space<hbm>> -> memref<64x512xf32, #tpu.memory_space<hbm>>
    tpu.enqueue_dma source(%arg6 : memref<64x512xf32, #tpu.memory_space<vmem>>) target(%dma_start3A_207 : memref<64x512xf32, #tpu.memory_space<hbm>>) target_semaphore(%arg10 : memref<!tpu.dma_semaphore, #tpu.memory_space<semaphore_mem>>)
    %add3A_208 = arith.constant 3 : i32
    %add3A_209 = arith.addi %mul3A_2, %add3A_208 : i32
    %dma_start3A_210 = arith.constant 0 : i32
    %dma_start3A_211 = arith.constant 1536 : i32
    %dma_start3A_212 = tpu.memref_slice %arg3[%add3A_209, %dma_start3A_210, %dma_start3A_211] : memref<257x64x2048xf32, #tpu.memory_space<hbm>> -> memref<1x64x512xf32, #tpu.memory_space<hbm>>
    %dma_start3A_213 = tpu.memref_squeeze %dma_start3A_212 : memref<1x64x512xf32, #tpu.memory_space<hbm>> -> memref<64x512xf32, #tpu.memory_space<hbm>>
    %dma_start3A_214 = arith.constant 0 : i32
    %dma_start3A_215 = arith.constant 1536 : i32
    %dma_start3A_216 = tpu.memref_slice %arg3[%add3A_209, %dma_start3A_214, %dma_start3A_215] : memref<257x64x2048xf32, #tpu.memory_space<hbm>> -> memref<1x64x512xf32, #tpu.memory_space<hbm>>
    %dma_start3A_217 = tpu.memref_squeeze %dma_start3A_216 : memref<1x64x512xf32, #tpu.memory_space<hbm>> -> memref<64x512xf32, #tpu.memory_space<hbm>>
    tpu.enqueue_dma source(%arg6 : memref<64x512xf32, #tpu.memory_space<vmem>>) target(%dma_start3A_217 : memref<64x512xf32, #tpu.memory_space<hbm>>) target_semaphore(%arg10 : memref<!tpu.dma_semaphore, #tpu.memory_space<semaphore_mem>>)
    %dma_wait3A_218 = arith.constant 0 : i32
    %dma_wait3A_219 = arith.constant 0 : i32
    %dma_wait3A_220 = tpu.memref_slice %arg3[%add3A_56, %dma_wait3A_218, %dma_wait3A_219] : memref<257x64x2048xf32, #tpu.memory_space<hbm>> -> memref<1x64x512xf32, #tpu.memory_space<hbm>>
    %dma_wait3A_221 = tpu.memref_squeeze %dma_wait3A_220 : memref<1x64x512xf32, #tpu.memory_space<hbm>> -> memref<64x512xf32, #tpu.memory_space<hbm>>
    %dma_wait3A_222 = arith.constant 0 : i32
    %dma_wait3A_223 = arith.constant 0 : i32
    %dma_wait3A_224 = tpu.memref_slice %arg3[%add3A_56, %dma_wait3A_222, %dma_wait3A_223] : memref<257x64x2048xf32, #tpu.memory_space<hbm>> -> memref<1x64x512xf32, #tpu.memory_space<hbm>>
    %dma_wait3A_225 = tpu.memref_squeeze %dma_wait3A_224 : memref<1x64x512xf32, #tpu.memory_space<hbm>> -> memref<64x512xf32, #tpu.memory_space<hbm>>
    tpu.wait_dma2 semaphore(%arg11 : memref<!tpu.dma_semaphore, #tpu.memory_space<semaphore_mem>>) src(%arg7 : memref<64x512xf32, #tpu.memory_space<vmem>>) dst(%dma_wait3A_225 : memref<64x512xf32, #tpu.memory_space<hbm>>)
    %dma_wait3A_226 = arith.constant 0 : i32
    %dma_wait3A_227 = arith.constant 512 : i32
    %dma_wait3A_228 = tpu.memref_slice %arg3[%add3A_66, %dma_wait3A_226, %dma_wait3A_227] : memref<257x64x2048xf32, #tpu.memory_space<hbm>> -> memref<1x64x512xf32, #tpu.memory_space<hbm>>
    %dma_wait3A_229 = tpu.memref_squeeze %dma_wait3A_228 : memref<1x64x512xf32, #tpu.memory_space<hbm>> -> memref<64x512xf32, #tpu.memory_space<hbm>>
    %dma_wait3A_230 = arith.constant 0 : i32
    %dma_wait3A_231 = arith.constant 512 : i32
    %dma_wait3A_232 = tpu.memref_slice %arg3[%add3A_66, %dma_wait3A_230, %dma_wait3A_231] : memref<257x64x2048xf32, #tpu.memory_space<hbm>> -> memref<1x64x512xf32, #tpu.memory_space<hbm>>
    %dma_wait3A_233 = tpu.memref_squeeze %dma_wait3A_232 : memref<1x64x512xf32, #tpu.memory_space<hbm>> -> memref<64x512xf32, #tpu.memory_space<hbm>>
    tpu.wait_dma2 semaphore(%arg11 : memref<!tpu.dma_semaphore, #tpu.memory_space<semaphore_mem>>) src(%arg7 : memref<64x512xf32, #tpu.memory_space<vmem>>) dst(%dma_wait3A_233 : memref<64x512xf32, #tpu.memory_space<hbm>>)
    %dma_wait3A_234 = arith.constant 0 : i32
    %dma_wait3A_235 = arith.constant 1024 : i32
    %dma_wait3A_236 = tpu.memref_slice %arg3[%add3A_76, %dma_wait3A_234, %dma_wait3A_235] : memref<257x64x2048xf32, #tpu.memory_space<hbm>> -> memref<1x64x512xf32, #tpu.memory_space<hbm>>
    %dma_wait3A_237 = tpu.memref_squeeze %dma_wait3A_236 : memref<1x64x512xf32, #tpu.memory_space<hbm>> -> memref<64x512xf32, #tpu.memory_space<hbm>>
    %dma_wait3A_238 = arith.constant 0 : i32
    %dma_wait3A_239 = arith.constant 1024 : i32
    %dma_wait3A_240 = tpu.memref_slice %arg3[%add3A_76, %dma_wait3A_238, %dma_wait3A_239] : memref<257x64x2048xf32, #tpu.memory_space<hbm>> -> memref<1x64x512xf32, #tpu.memory_space<hbm>>
    %dma_wait3A_241 = tpu.memref_squeeze %dma_wait3A_240 : memref<1x64x512xf32, #tpu.memory_space<hbm>> -> memref<64x512xf32, #tpu.memory_space<hbm>>
    tpu.wait_dma2 semaphore(%arg11 : memref<!tpu.dma_semaphore, #tpu.memory_space<semaphore_mem>>) src(%arg7 : memref<64x512xf32, #tpu.memory_space<vmem>>) dst(%dma_wait3A_241 : memref<64x512xf32, #tpu.memory_space<hbm>>)
    %dma_wait3A_242 = arith.constant 0 : i32
    %dma_wait3A_243 = arith.constant 1536 : i32
    %dma_wait3A_244 = tpu.memref_slice %arg3[%add3A_86, %dma_wait3A_242, %dma_wait3A_243] : memref<257x64x2048xf32, #tpu.memory_space<hbm>> -> memref<1x64x512xf32, #tpu.memory_space<hbm>>
    %dma_wait3A_245 = tpu.memref_squeeze %dma_wait3A_244 : memref<1x64x512xf32, #tpu.memory_space<hbm>> -> memref<64x512xf32, #tpu.memory_space<hbm>>
    %dma_wait3A_246 = arith.constant 0 : i32
    %dma_wait3A_247 = arith.constant 1536 : i32
    %dma_wait3A_248 = tpu.memref_slice %arg3[%add3A_86, %dma_wait3A_246, %dma_wait3A_247] : memref<257x64x2048xf32, #tpu.memory_space<hbm>> -> memref<1x64x512xf32, #tpu.memory_space<hbm>>
    %dma_wait3A_249 = tpu.memref_squeeze %dma_wait3A_248 : memref<1x64x512xf32, #tpu.memory_space<hbm>> -> memref<64x512xf32, #tpu.memory_space<hbm>>
    tpu.wait_dma2 semaphore(%arg11 : memref<!tpu.dma_semaphore, #tpu.memory_space<semaphore_mem>>) src(%arg7 : memref<64x512xf32, #tpu.memory_space<vmem>>) dst(%dma_wait3A_249 : memref<64x512xf32, #tpu.memory_space<hbm>>)
    %scan3A_250 = arith.constant 0 : i32
    %scan3A_251 = arith.constant 0 : i32
    %scan3A_252 = arith.constant 64 : i32
    %scan3A_253 = arith.addi %scan3A_251, %scan3A_252 : i32
    %scan3A_254 = arith.constant 1 : i32
    scf.for %scan3A_631 = %scan3A_251 to %scan3A_253 step %scan3A_254  : i32 {
      %broadcast_in_dim3A = arith.constant 4 : i32
      %broadcast_in_dim3A_632 = vector.broadcast %broadcast_in_dim3A : i32 to vector<16xi32>
      %broadcast_in_dim3A_633 = vector.broadcast %scan3A_631 : i32 to vector<16xi32>
      %gather3A = tpu.vector_load_idx %arg4[%broadcast_in_dim3A_632, %broadcast_in_dim3A_633] : memref<8x64xf32, #tpu.memory_space<vmem>>[vector<16xi32>, vector<16xi32>], vector<16xf32>,
      %swap3A = arith.index_cast %scan3A_631 : i32 to index
      %swap3A_634 = arith.constant 0 : index
      %swap3A_635 = tpu.vector_load %arg7[%swap3A, %swap3A_634] {strides = array<i32>} : memref<64x512xf32, #tpu.memory_space<vmem>>, vector<16xf32>,
      tpu.vector_store %arg7[%swap3A, %swap3A_634], %gather3A {strides = array<i32>} : memref<64x512xf32, #tpu.memory_space<vmem>>, vector<16xf32>,
      %swap3A_636 = arith.index_cast %scan3A_631 : i32 to index
      %swap3A_637 = arith.constant 16 : index
      %swap3A_638 = tpu.vector_load %arg7[%swap3A_636, %swap3A_637] {strides = array<i32>} : memref<64x512xf32, #tpu.memory_space<vmem>>, vector<16xf32>,
      tpu.vector_store %arg7[%swap3A_636, %swap3A_637], %gather3A {strides = array<i32>} : memref<64x512xf32, #tpu.memory_space<vmem>>, vector<16xf32>,
      %swap3A_639 = arith.index_cast %scan3A_631 : i32 to index
      %swap3A_640 = arith.constant 32 : index
      %swap3A_641 = tpu.vector_load %arg7[%swap3A_639, %swap3A_640] {strides = array<i32>} : memref<64x512xf32, #tpu.memory_space<vmem>>, vector<16xf32>,
      tpu.vector_store %arg7[%swap3A_639, %swap3A_640], %gather3A {strides = array<i32>} : memref<64x512xf32, #tpu.memory_space<vmem>>, vector<16xf32>,
      %swap3A_642 = arith.index_cast %scan3A_631 : i32 to index
      %swap3A_643 = arith.constant 48 : index
      %swap3A_644 = tpu.vector_load %arg7[%swap3A_642, %swap3A_643] {strides = array<i32>} : memref<64x512xf32, #tpu.memory_space<vmem>>, vector<16xf32>,
      tpu.vector_store %arg7[%swap3A_642, %swap3A_643], %gather3A {strides = array<i32>} : memref<64x512xf32, #tpu.memory_space<vmem>>, vector<16xf32>,
      %swap3A_645 = arith.index_cast %scan3A_631 : i32 to index
      %swap3A_646 = arith.constant 64 : index
      %swap3A_647 = tpu.vector_load %arg7[%swap3A_645, %swap3A_646] {strides = array<i32>} : memref<64x512xf32, #tpu.memory_space<vmem>>, vector<16xf32>,
      tpu.vector_store %arg7[%swap3A_645, %swap3A_646], %gather3A {strides = array<i32>} : memref<64x512xf32, #tpu.memory_space<vmem>>, vector<16xf32>,
      %swap3A_648 = arith.index_cast %scan3A_631 : i32 to index
      %swap3A_649 = arith.constant 80 : index
      %swap3A_650 = tpu.vector_load %arg7[%swap3A_648, %swap3A_649] {strides = array<i32>} : memref<64x512xf32, #tpu.memory_space<vmem>>, vector<16xf32>,
      tpu.vector_store %arg7[%swap3A_648, %swap3A_649], %gather3A {strides = array<i32>} : memref<64x512xf32, #tpu.memory_space<vmem>>, vector<16xf32>,
      %swap3A_651 = arith.index_cast %scan3A_631 : i32 to index
      %swap3A_652 = arith.constant 96 : index
      %swap3A_653 = tpu.vector_load %arg7[%swap3A_651, %swap3A_652] {strides = array<i32>} : memref<64x512xf32, #tpu.memory_space<vmem>>, vector<16xf32>,
      tpu.vector_store %arg7[%swap3A_651, %swap3A_652], %gather3A {strides = array<i32>} : memref<64x512xf32, #tpu.memory_space<vmem>>, vector<16xf32>,
      %swap3A_654 = arith.index_cast %scan3A_631 : i32 to index
      %swap3A_655 = arith.constant 112 : index
      %swap3A_656 = tpu.vector_load %arg7[%swap3A_654, %swap3A_655] {strides = array<i32>} : memref<64x512xf32, #tpu.memory_space<vmem>>, vector<16xf32>,
      tpu.vector_store %arg7[%swap3A_654, %swap3A_655], %gather3A {strides = array<i32>} : memref<64x512xf32, #tpu.memory_space<vmem>>, vector<16xf32>,
      %swap3A_657 = arith.index_cast %scan3A_631 : i32 to index
      %swap3A_658 = arith.constant 128 : index
      %swap3A_659 = tpu.vector_load %arg7[%swap3A_657, %swap3A_658] {strides = array<i32>} : memref<64x512xf32, #tpu.memory_space<vmem>>, vector<16xf32>,
      tpu.vector_store %arg7[%swap3A_657, %swap3A_658], %gather3A {strides = array<i32>} : memref<64x512xf32, #tpu.memory_space<vmem>>, vector<16xf32>,
      %swap3A_660 = arith.index_cast %scan3A_631 : i32 to index
      %swap3A_661 = arith.constant 144 : index
      %swap3A_662 = tpu.vector_load %arg7[%swap3A_660, %swap3A_661] {strides = array<i32>} : memref<64x512xf32, #tpu.memory_space<vmem>>, vector<16xf32>,
      tpu.vector_store %arg7[%swap3A_660, %swap3A_661], %gather3A {strides = array<i32>} : memref<64x512xf32, #tpu.memory_space<vmem>>, vector<16xf32>,
      %swap3A_663 = arith.index_cast %scan3A_631 : i32 to index
      %swap3A_664 = arith.constant 160 : index
      %swap3A_665 = tpu.vector_load %arg7[%swap3A_663, %swap3A_664] {strides = array<i32>} : memref<64x512xf32, #tpu.memory_space<vmem>>, vector<16xf32>,
      tpu.vector_store %arg7[%swap3A_663, %swap3A_664], %gather3A {strides = array<i32>} : memref<64x512xf32, #tpu.memory_space<vmem>>, vector<16xf32>,
      %swap3A_666 = arith.index_cast %scan3A_631 : i32 to index
      %swap3A_667 = arith.constant 176 : index
      %swap3A_668 = tpu.vector_load %arg7[%swap3A_666, %swap3A_667] {strides = array<i32>} : memref<64x512xf32, #tpu.memory_space<vmem>>, vector<16xf32>,
      tpu.vector_store %arg7[%swap3A_666, %swap3A_667], %gather3A {strides = array<i32>} : memref<64x512xf32, #tpu.memory_space<vmem>>, vector<16xf32>,
      %swap3A_669 = arith.index_cast %scan3A_631 : i32 to index
      %swap3A_670 = arith.constant 192 : index
      %swap3A_671 = tpu.vector_load %arg7[%swap3A_669, %swap3A_670] {strides = array<i32>} : memref<64x512xf32, #tpu.memory_space<vmem>>, vector<16xf32>,
      tpu.vector_store %arg7[%swap3A_669, %swap3A_670], %gather3A {strides = array<i32>} : memref<64x512xf32, #tpu.memory_space<vmem>>, vector<16xf32>,
      %swap3A_672 = arith.index_cast %scan3A_631 : i32 to index
      %swap3A_673 = arith.constant 208 : index
      %swap3A_674 = tpu.vector_load %arg7[%swap3A_672, %swap3A_673] {strides = array<i32>} : memref<64x512xf32, #tpu.memory_space<vmem>>, vector<16xf32>,
      tpu.vector_store %arg7[%swap3A_672, %swap3A_673], %gather3A {strides = array<i32>} : memref<64x512xf32, #tpu.memory_space<vmem>>, vector<16xf32>,
      %swap3A_675 = arith.index_cast %scan3A_631 : i32 to index
      %swap3A_676 = arith.constant 224 : index
      %swap3A_677 = tpu.vector_load %arg7[%swap3A_675, %swap3A_676] {strides = array<i32>} : memref<64x512xf32, #tpu.memory_space<vmem>>, vector<16xf32>,
      tpu.vector_store %arg7[%swap3A_675, %swap3A_676], %gather3A {strides = array<i32>} : memref<64x512xf32, #tpu.memory_space<vmem>>, vector<16xf32>,
      %swap3A_678 = arith.index_cast %scan3A_631 : i32 to index
      %swap3A_679 = arith.constant 240 : index
      %swap3A_680 = tpu.vector_load %arg7[%swap3A_678, %swap3A_679] {strides = array<i32>} : memref<64x512xf32, #tpu.memory_space<vmem>>, vector<16xf32>,
      tpu.vector_store %arg7[%swap3A_678, %swap3A_679], %gather3A {strides = array<i32>} : memref<64x512xf32, #tpu.memory_space<vmem>>, vector<16xf32>,
      %swap3A_681 = arith.index_cast %scan3A_631 : i32 to index
      %swap3A_682 = arith.constant 256 : index
      %swap3A_683 = tpu.vector_load %arg7[%swap3A_681, %swap3A_682] {strides = array<i32>} : memref<64x512xf32, #tpu.memory_space<vmem>>, vector<16xf32>,
      tpu.vector_store %arg7[%swap3A_681, %swap3A_682], %gather3A {strides = array<i32>} : memref<64x512xf32, #tpu.memory_space<vmem>>, vector<16xf32>,
      %swap3A_684 = arith.index_cast %scan3A_631 : i32 to index
      %swap3A_685 = arith.constant 272 : index
      %swap3A_686 = tpu.vector_load %arg7[%swap3A_684, %swap3A_685] {strides = array<i32>} : memref<64x512xf32, #tpu.memory_space<vmem>>, vector<16xf32>,
      tpu.vector_store %arg7[%swap3A_684, %swap3A_685], %gather3A {strides = array<i32>} : memref<64x512xf32, #tpu.memory_space<vmem>>, vector<16xf32>,
      %swap3A_687 = arith.index_cast %scan3A_631 : i32 to index
      %swap3A_688 = arith.constant 288 : index
      %swap3A_689 = tpu.vector_load %arg7[%swap3A_687, %swap3A_688] {strides = array<i32>} : memref<64x512xf32, #tpu.memory_space<vmem>>, vector<16xf32>,
      tpu.vector_store %arg7[%swap3A_687, %swap3A_688], %gather3A {strides = array<i32>} : memref<64x512xf32, #tpu.memory_space<vmem>>, vector<16xf32>,
      %swap3A_690 = arith.index_cast %scan3A_631 : i32 to index
      %swap3A_691 = arith.constant 304 : index
      %swap3A_692 = tpu.vector_load %arg7[%swap3A_690, %swap3A_691] {strides = array<i32>} : memref<64x512xf32, #tpu.memory_space<vmem>>, vector<16xf32>,
      tpu.vector_store %arg7[%swap3A_690, %swap3A_691], %gather3A {strides = array<i32>} : memref<64x512xf32, #tpu.memory_space<vmem>>, vector<16xf32>,
      %swap3A_693 = arith.index_cast %scan3A_631 : i32 to index
      %swap3A_694 = arith.constant 320 : index
      %swap3A_695 = tpu.vector_load %arg7[%swap3A_693, %swap3A_694] {strides = array<i32>} : memref<64x512xf32, #tpu.memory_space<vmem>>, vector<16xf32>,
      tpu.vector_store %arg7[%swap3A_693, %swap3A_694], %gather3A {strides = array<i32>} : memref<64x512xf32, #tpu.memory_space<vmem>>, vector<16xf32>,
      %swap3A_696 = arith.index_cast %scan3A_631 : i32 to index
      %swap3A_697 = arith.constant 336 : index
      %swap3A_698 = tpu.vector_load %arg7[%swap3A_696, %swap3A_697] {strides = array<i32>} : memref<64x512xf32, #tpu.memory_space<vmem>>, vector<16xf32>,
      tpu.vector_store %arg7[%swap3A_696, %swap3A_697], %gather3A {strides = array<i32>} : memref<64x512xf32, #tpu.memory_space<vmem>>, vector<16xf32>,
      %swap3A_699 = arith.index_cast %scan3A_631 : i32 to index
      %swap3A_700 = arith.constant 352 : index
      %swap3A_701 = tpu.vector_load %arg7[%swap3A_699, %swap3A_700] {strides = array<i32>} : memref<64x512xf32, #tpu.memory_space<vmem>>, vector<16xf32>,
      tpu.vector_store %arg7[%swap3A_699, %swap3A_700], %gather3A {strides = array<i32>} : memref<64x512xf32, #tpu.memory_space<vmem>>, vector<16xf32>,
      %swap3A_702 = arith.index_cast %scan3A_631 : i32 to index
      %swap3A_703 = arith.constant 368 : index
      %swap3A_704 = tpu.vector_load %arg7[%swap3A_702, %swap3A_703] {strides = array<i32>} : memref<64x512xf32, #tpu.memory_space<vmem>>, vector<16xf32>,
      tpu.vector_store %arg7[%swap3A_702, %swap3A_703], %gather3A {strides = array<i32>} : memref<64x512xf32, #tpu.memory_space<vmem>>, vector<16xf32>,
      %swap3A_705 = arith.index_cast %scan3A_631 : i32 to index
      %swap3A_706 = arith.constant 384 : index
      %swap3A_707 = tpu.vector_load %arg7[%swap3A_705, %swap3A_706] {strides = array<i32>} : memref<64x512xf32, #tpu.memory_space<vmem>>, vector<16xf32>,
      tpu.vector_store %arg7[%swap3A_705, %swap3A_706], %gather3A {strides = array<i32>} : memref<64x512xf32, #tpu.memory_space<vmem>>, vector<16xf32>,
      %swap3A_708 = arith.index_cast %scan3A_631 : i32 to index
      %swap3A_709 = arith.constant 400 : index
      %swap3A_710 = tpu.vector_load %arg7[%swap3A_708, %swap3A_709] {strides = array<i32>} : memref<64x512xf32, #tpu.memory_space<vmem>>, vector<16xf32>,
      tpu.vector_store %arg7[%swap3A_708, %swap3A_709], %gather3A {strides = array<i32>} : memref<64x512xf32, #tpu.memory_space<vmem>>, vector<16xf32>,
      %swap3A_711 = arith.index_cast %scan3A_631 : i32 to index
      %swap3A_712 = arith.constant 416 : index
      %swap3A_713 = tpu.vector_load %arg7[%swap3A_711, %swap3A_712] {strides = array<i32>} : memref<64x512xf32, #tpu.memory_space<vmem>>, vector<16xf32>,
      tpu.vector_store %arg7[%swap3A_711, %swap3A_712], %gather3A {strides = array<i32>} : memref<64x512xf32, #tpu.memory_space<vmem>>, vector<16xf32>,
      %swap3A_714 = arith.index_cast %scan3A_631 : i32 to index
      %swap3A_715 = arith.constant 432 : index
      %swap3A_716 = tpu.vector_load %arg7[%swap3A_714, %swap3A_715] {strides = array<i32>} : memref<64x512xf32, #tpu.memory_space<vmem>>, vector<16xf32>,
      tpu.vector_store %arg7[%swap3A_714, %swap3A_715], %gather3A {strides = array<i32>} : memref<64x512xf32, #tpu.memory_space<vmem>>, vector<16xf32>,
      %swap3A_717 = arith.index_cast %scan3A_631 : i32 to index
      %swap3A_718 = arith.constant 448 : index
      %swap3A_719 = tpu.vector_load %arg7[%swap3A_717, %swap3A_718] {strides = array<i32>} : memref<64x512xf32, #tpu.memory_space<vmem>>, vector<16xf32>,
      tpu.vector_store %arg7[%swap3A_717, %swap3A_718], %gather3A {strides = array<i32>} : memref<64x512xf32, #tpu.memory_space<vmem>>, vector<16xf32>,
      %swap3A_720 = arith.index_cast %scan3A_631 : i32 to index
      %swap3A_721 = arith.constant 464 : index
      %swap3A_722 = tpu.vector_load %arg7[%swap3A_720, %swap3A_721] {strides = array<i32>} : memref<64x512xf32, #tpu.memory_space<vmem>>, vector<16xf32>,
      tpu.vector_store %arg7[%swap3A_720, %swap3A_721], %gather3A {strides = array<i32>} : memref<64x512xf32, #tpu.memory_space<vmem>>, vector<16xf32>,
      %swap3A_723 = arith.index_cast %scan3A_631 : i32 to index
      %swap3A_724 = arith.constant 480 : index
      %swap3A_725 = tpu.vector_load %arg7[%swap3A_723, %swap3A_724] {strides = array<i32>} : memref<64x512xf32, #tpu.memory_space<vmem>>, vector<16xf32>,
      tpu.vector_store %arg7[%swap3A_723, %swap3A_724], %gather3A {strides = array<i32>} : memref<64x512xf32, #tpu.memory_space<vmem>>, vector<16xf32>,
      %swap3A_726 = arith.index_cast %scan3A_631 : i32 to index
      %swap3A_727 = arith.constant 496 : index
      %swap3A_728 = tpu.vector_load %arg7[%swap3A_726, %swap3A_727] {strides = array<i32>} : memref<64x512xf32, #tpu.memory_space<vmem>>, vector<16xf32>,
      tpu.vector_store %arg7[%swap3A_726, %swap3A_727], %gather3A {strides = array<i32>} : memref<64x512xf32, #tpu.memory_space<vmem>>, vector<16xf32>,
    }
    %scan3A_255 = arith.constant 64 : i32
    %add3A_256 = arith.constant 4 : i32
    %add3A_257 = arith.addi %mul3A_2, %add3A_256 : i32
    %dma_start3A_258 = arith.constant 0 : i32
    %dma_start3A_259 = arith.constant 0 : i32
    %dma_start3A_260 = tpu.memref_slice %arg3[%add3A_257, %dma_start3A_258, %dma_start3A_259] : memref<257x64x2048xf32, #tpu.memory_space<hbm>> -> memref<1x64x512xf32, #tpu.memory_space<hbm>>
    %dma_start3A_261 = tpu.memref_squeeze %dma_start3A_260 : memref<1x64x512xf32, #tpu.memory_space<hbm>> -> memref<64x512xf32, #tpu.memory_space<hbm>>
    %dma_start3A_262 = arith.constant 0 : i32
    %dma_start3A_263 = arith.constant 0 : i32
    %dma_start3A_264 = tpu.memref_slice %arg3[%add3A_257, %dma_start3A_262, %dma_start3A_263] : memref<257x64x2048xf32, #tpu.memory_space<hbm>> -> memref<1x64x512xf32, #tpu.memory_space<hbm>>
    %dma_start3A_265 = tpu.memref_squeeze %dma_start3A_264 : memref<1x64x512xf32, #tpu.memory_space<hbm>> -> memref<64x512xf32, #tpu.memory_space<hbm>>
    tpu.enqueue_dma source(%arg7 : memref<64x512xf32, #tpu.memory_space<vmem>>) target(%dma_start3A_265 : memref<64x512xf32, #tpu.memory_space<hbm>>) target_semaphore(%arg11 : memref<!tpu.dma_semaphore, #tpu.memory_space<semaphore_mem>>)
    %add3A_266 = arith.constant 4 : i32
    %add3A_267 = arith.addi %mul3A_2, %add3A_266 : i32
    %dma_start3A_268 = arith.constant 0 : i32
    %dma_start3A_269 = arith.constant 512 : i32
    %dma_start3A_270 = tpu.memref_slice %arg3[%add3A_267, %dma_start3A_268, %dma_start3A_269] : memref<257x64x2048xf32, #tpu.memory_space<hbm>> -> memref<1x64x512xf32, #tpu.memory_space<hbm>>
    %dma_start3A_271 = tpu.memref_squeeze %dma_start3A_270 : memref<1x64x512xf32, #tpu.memory_space<hbm>> -> memref<64x512xf32, #tpu.memory_space<hbm>>
    %dma_start3A_272 = arith.constant 0 : i32
    %dma_start3A_273 = arith.constant 512 : i32
    %dma_start3A_274 = tpu.memref_slice %arg3[%add3A_267, %dma_start3A_272, %dma_start3A_273] : memref<257x64x2048xf32, #tpu.memory_space<hbm>> -> memref<1x64x512xf32, #tpu.memory_space<hbm>>
    %dma_start3A_275 = tpu.memref_squeeze %dma_start3A_274 : memref<1x64x512xf32, #tpu.memory_space<hbm>> -> memref<64x512xf32, #tpu.memory_space<hbm>>
    tpu.enqueue_dma source(%arg7 : memref<64x512xf32, #tpu.memory_space<vmem>>) target(%dma_start3A_275 : memref<64x512xf32, #tpu.memory_space<hbm>>) target_semaphore(%arg11 : memref<!tpu.dma_semaphore, #tpu.memory_space<semaphore_mem>>)
    %add3A_276 = arith.constant 4 : i32
    %add3A_277 = arith.addi %mul3A_2, %add3A_276 : i32
    %dma_start3A_278 = arith.constant 0 : i32
    %dma_start3A_279 = arith.constant 1024 : i32
    %dma_start3A_280 = tpu.memref_slice %arg3[%add3A_277, %dma_start3A_278, %dma_start3A_279] : memref<257x64x2048xf32, #tpu.memory_space<hbm>> -> memref<1x64x512xf32, #tpu.memory_space<hbm>>
    %dma_start3A_281 = tpu.memref_squeeze %dma_start3A_280 : memref<1x64x512xf32, #tpu.memory_space<hbm>> -> memref<64x512xf32, #tpu.memory_space<hbm>>
    %dma_start3A_282 = arith.constant 0 : i32
    %dma_start3A_283 = arith.constant 1024 : i32
    %dma_start3A_284 = tpu.memref_slice %arg3[%add3A_277, %dma_start3A_282, %dma_start3A_283] : memref<257x64x2048xf32, #tpu.memory_space<hbm>> -> memref<1x64x512xf32, #tpu.memory_space<hbm>>
    %dma_start3A_285 = tpu.memref_squeeze %dma_start3A_284 : memref<1x64x512xf32, #tpu.memory_space<hbm>> -> memref<64x512xf32, #tpu.memory_space<hbm>>
    tpu.enqueue_dma source(%arg7 : memref<64x512xf32, #tpu.memory_space<vmem>>) target(%dma_start3A_285 : memref<64x512xf32, #tpu.memory_space<hbm>>) target_semaphore(%arg11 : memref<!tpu.dma_semaphore, #tpu.memory_space<semaphore_mem>>)
    %add3A_286 = arith.constant 4 : i32
    %add3A_287 = arith.addi %mul3A_2, %add3A_286 : i32
    %dma_start3A_288 = arith.constant 0 : i32
    %dma_start3A_289 = arith.constant 1536 : i32
    %dma_start3A_290 = tpu.memref_slice %arg3[%add3A_287, %dma_start3A_288, %dma_start3A_289] : memref<257x64x2048xf32, #tpu.memory_space<hbm>> -> memref<1x64x512xf32, #tpu.memory_space<hbm>>
    %dma_start3A_291 = tpu.memref_squeeze %dma_start3A_290 : memref<1x64x512xf32, #tpu.memory_space<hbm>> -> memref<64x512xf32, #tpu.memory_space<hbm>>
    %dma_start3A_292 = arith.constant 0 : i32
    %dma_start3A_293 = arith.constant 1536 : i32
    %dma_start3A_294 = tpu.memref_slice %arg3[%add3A_287, %dma_start3A_292, %dma_start3A_293] : memref<257x64x2048xf32, #tpu.memory_space<hbm>> -> memref<1x64x512xf32, #tpu.memory_space<hbm>>
    %dma_start3A_295 = tpu.memref_squeeze %dma_start3A_294 : memref<1x64x512xf32, #tpu.memory_space<hbm>> -> memref<64x512xf32, #tpu.memory_space<hbm>>
    tpu.enqueue_dma source(%arg7 : memref<64x512xf32, #tpu.memory_space<vmem>>) target(%dma_start3A_295 : memref<64x512xf32, #tpu.memory_space<hbm>>) target_semaphore(%arg11 : memref<!tpu.dma_semaphore, #tpu.memory_space<semaphore_mem>>)
    %dma_wait3A_296 = arith.constant 0 : i32
    %dma_wait3A_297 = arith.constant 0 : i32
    %dma_wait3A_298 = tpu.memref_slice %arg3[%add3A_102, %dma_wait3A_296, %dma_wait3A_297] : memref<257x64x2048xf32, #tpu.memory_space<hbm>> -> memref<1x64x512xf32, #tpu.memory_space<hbm>>
    %dma_wait3A_299 = tpu.memref_squeeze %dma_wait3A_298 : memref<1x64x512xf32, #tpu.memory_space<hbm>> -> memref<64x512xf32, #tpu.memory_space<hbm>>
    %dma_wait3A_300 = arith.constant 0 : i32
    %dma_wait3A_301 = arith.constant 0 : i32
    %dma_wait3A_302 = tpu.memref_slice %arg3[%add3A_102, %dma_wait3A_300, %dma_wait3A_301] : memref<257x64x2048xf32, #tpu.memory_space<hbm>> -> memref<1x64x512xf32, #tpu.memory_space<hbm>>
    %dma_wait3A_303 = tpu.memref_squeeze %dma_wait3A_302 : memref<1x64x512xf32, #tpu.memory_space<hbm>> -> memref<64x512xf32, #tpu.memory_space<hbm>>
    tpu.wait_dma2 semaphore(%arg12 : memref<!tpu.dma_semaphore, #tpu.memory_space<semaphore_mem>>) src(%arg8 : memref<64x512xf32, #tpu.memory_space<vmem>>) dst(%dma_wait3A_303 : memref<64x512xf32, #tpu.memory_space<hbm>>)
    %dma_wait3A_304 = arith.constant 0 : i32
    %dma_wait3A_305 = arith.constant 512 : i32
    %dma_wait3A_306 = tpu.memref_slice %arg3[%add3A_112, %dma_wait3A_304, %dma_wait3A_305] : memref<257x64x2048xf32, #tpu.memory_space<hbm>> -> memref<1x64x512xf32, #tpu.memory_space<hbm>>
    %dma_wait3A_307 = tpu.memref_squeeze %dma_wait3A_306 : memref<1x64x512xf32, #tpu.memory_space<hbm>> -> memref<64x512xf32, #tpu.memory_space<hbm>>
    %dma_wait3A_308 = arith.constant 0 : i32
    %dma_wait3A_309 = arith.constant 512 : i32
    %dma_wait3A_310 = tpu.memref_slice %arg3[%add3A_112, %dma_wait3A_308, %dma_wait3A_309] : memref<257x64x2048xf32, #tpu.memory_space<hbm>> -> memref<1x64x512xf32, #tpu.memory_space<hbm>>
    %dma_wait3A_311 = tpu.memref_squeeze %dma_wait3A_310 : memref<1x64x512xf32, #tpu.memory_space<hbm>> -> memref<64x512xf32, #tpu.memory_space<hbm>>
    tpu.wait_dma2 semaphore(%arg12 : memref<!tpu.dma_semaphore, #tpu.memory_space<semaphore_mem>>) src(%arg8 : memref<64x512xf32, #tpu.memory_space<vmem>>) dst(%dma_wait3A_311 : memref<64x512xf32, #tpu.memory_space<hbm>>)
    %dma_wait3A_312 = arith.constant 0 : i32
    %dma_wait3A_313 = arith.constant 1024 : i32
    %dma_wait3A_314 = tpu.memref_slice %arg3[%add3A_122, %dma_wait3A_312, %dma_wait3A_313] : memref<257x64x2048xf32, #tpu.memory_space<hbm>> -> memref<1x64x512xf32, #tpu.memory_space<hbm>>
    %dma_wait3A_315 = tpu.memref_squeeze %dma_wait3A_314 : memref<1x64x512xf32, #tpu.memory_space<hbm>> -> memref<64x512xf32, #tpu.memory_space<hbm>>
    %dma_wait3A_316 = arith.constant 0 : i32
    %dma_wait3A_317 = arith.constant 1024 : i32
    %dma_wait3A_318 = tpu.memref_slice %arg3[%add3A_122, %dma_wait3A_316, %dma_wait3A_317] : memref<257x64x2048xf32, #tpu.memory_space<hbm>> -> memref<1x64x512xf32, #tpu.memory_space<hbm>>
    %dma_wait3A_319 = tpu.memref_squeeze %dma_wait3A_318 : memref<1x64x512xf32, #tpu.memory_space<hbm>> -> memref<64x512xf32, #tpu.memory_space<hbm>>
    tpu.wait_dma2 semaphore(%arg12 : memref<!tpu.dma_semaphore, #tpu.memory_space<semaphore_mem>>) src(%arg8 : memref<64x512xf32, #tpu.memory_space<vmem>>) dst(%dma_wait3A_319 : memref<64x512xf32, #tpu.memory_space<hbm>>)
    %dma_wait3A_320 = arith.constant 0 : i32
    %dma_wait3A_321 = arith.constant 1536 : i32
    %dma_wait3A_322 = tpu.memref_slice %arg3[%add3A_132, %dma_wait3A_320, %dma_wait3A_321] : memref<257x64x2048xf32, #tpu.memory_space<hbm>> -> memref<1x64x512xf32, #tpu.memory_space<hbm>>
    %dma_wait3A_323 = tpu.memref_squeeze %dma_wait3A_322 : memref<1x64x512xf32, #tpu.memory_space<hbm>> -> memref<64x512xf32, #tpu.memory_space<hbm>>
    %dma_wait3A_324 = arith.constant 0 : i32
    %dma_wait3A_325 = arith.constant 1536 : i32
    %dma_wait3A_326 = tpu.memref_slice %arg3[%add3A_132, %dma_wait3A_324, %dma_wait3A_325] : memref<257x64x2048xf32, #tpu.memory_space<hbm>> -> memref<1x64x512xf32, #tpu.memory_space<hbm>>
    %dma_wait3A_327 = tpu.memref_squeeze %dma_wait3A_326 : memref<1x64x512xf32, #tpu.memory_space<hbm>> -> memref<64x512xf32, #tpu.memory_space<hbm>>
    tpu.wait_dma2 semaphore(%arg12 : memref<!tpu.dma_semaphore, #tpu.memory_space<semaphore_mem>>) src(%arg8 : memref<64x512xf32, #tpu.memory_space<vmem>>) dst(%dma_wait3A_327 : memref<64x512xf32, #tpu.memory_space<hbm>>)
    %scan3A_328 = arith.constant 0 : i32
    %scan3A_329 = arith.constant 0 : i32
    %scan3A_330 = arith.constant 64 : i32
    %scan3A_331 = arith.addi %scan3A_329, %scan3A_330 : i32
    %scan3A_332 = arith.constant 1 : i32
    scf.for %scan3A_631 = %scan3A_329 to %scan3A_331 step %scan3A_332  : i32 {
      %broadcast_in_dim3A = arith.constant 5 : i32
      %broadcast_in_dim3A_632 = vector.broadcast %broadcast_in_dim3A : i32 to vector<16xi32>
      %broadcast_in_dim3A_633 = vector.broadcast %scan3A_631 : i32 to vector<16xi32>
      %gather3A = tpu.vector_load_idx %arg4[%broadcast_in_dim3A_632, %broadcast_in_dim3A_633] : memref<8x64xf32, #tpu.memory_space<vmem>>[vector<16xi32>, vector<16xi32>], vector<16xf32>,
      %swap3A = arith.index_cast %scan3A_631 : i32 to index
      %swap3A_634 = arith.constant 0 : index
      %swap3A_635 = tpu.vector_load %arg8[%swap3A, %swap3A_634] {strides = array<i32>} : memref<64x512xf32, #tpu.memory_space<vmem>>, vector<16xf32>,
      tpu.vector_store %arg8[%swap3A, %swap3A_634], %gather3A {strides = array<i32>} : memref<64x512xf32, #tpu.memory_space<vmem>>, vector<16xf32>,
      %swap3A_636 = arith.index_cast %scan3A_631 : i32 to index
      %swap3A_637 = arith.constant 16 : index
      %swap3A_638 = tpu.vector_load %arg8[%swap3A_636, %swap3A_637] {strides = array<i32>} : memref<64x512xf32, #tpu.memory_space<vmem>>, vector<16xf32>,
      tpu.vector_store %arg8[%swap3A_636, %swap3A_637], %gather3A {strides = array<i32>} : memref<64x512xf32, #tpu.memory_space<vmem>>, vector<16xf32>,
      %swap3A_639 = arith.index_cast %scan3A_631 : i32 to index
      %swap3A_640 = arith.constant 32 : index
      %swap3A_641 = tpu.vector_load %arg8[%swap3A_639, %swap3A_640] {strides = array<i32>} : memref<64x512xf32, #tpu.memory_space<vmem>>, vector<16xf32>,
      tpu.vector_store %arg8[%swap3A_639, %swap3A_640], %gather3A {strides = array<i32>} : memref<64x512xf32, #tpu.memory_space<vmem>>, vector<16xf32>,
      %swap3A_642 = arith.index_cast %scan3A_631 : i32 to index
      %swap3A_643 = arith.constant 48 : index
      %swap3A_644 = tpu.vector_load %arg8[%swap3A_642, %swap3A_643] {strides = array<i32>} : memref<64x512xf32, #tpu.memory_space<vmem>>, vector<16xf32>,
      tpu.vector_store %arg8[%swap3A_642, %swap3A_643], %gather3A {strides = array<i32>} : memref<64x512xf32, #tpu.memory_space<vmem>>, vector<16xf32>,
      %swap3A_645 = arith.index_cast %scan3A_631 : i32 to index
      %swap3A_646 = arith.constant 64 : index
      %swap3A_647 = tpu.vector_load %arg8[%swap3A_645, %swap3A_646] {strides = array<i32>} : memref<64x512xf32, #tpu.memory_space<vmem>>, vector<16xf32>,
      tpu.vector_store %arg8[%swap3A_645, %swap3A_646], %gather3A {strides = array<i32>} : memref<64x512xf32, #tpu.memory_space<vmem>>, vector<16xf32>,
      %swap3A_648 = arith.index_cast %scan3A_631 : i32 to index
      %swap3A_649 = arith.constant 80 : index
      %swap3A_650 = tpu.vector_load %arg8[%swap3A_648, %swap3A_649] {strides = array<i32>} : memref<64x512xf32, #tpu.memory_space<vmem>>, vector<16xf32>,
      tpu.vector_store %arg8[%swap3A_648, %swap3A_649], %gather3A {strides = array<i32>} : memref<64x512xf32, #tpu.memory_space<vmem>>, vector<16xf32>,
      %swap3A_651 = arith.index_cast %scan3A_631 : i32 to index
      %swap3A_652 = arith.constant 96 : index
      %swap3A_653 = tpu.vector_load %arg8[%swap3A_651, %swap3A_652] {strides = array<i32>} : memref<64x512xf32, #tpu.memory_space<vmem>>, vector<16xf32>,
      tpu.vector_store %arg8[%swap3A_651, %swap3A_652], %gather3A {strides = array<i32>} : memref<64x512xf32, #tpu.memory_space<vmem>>, vector<16xf32>,
      %swap3A_654 = arith.index_cast %scan3A_631 : i32 to index
      %swap3A_655 = arith.constant 112 : index
      %swap3A_656 = tpu.vector_load %arg8[%swap3A_654, %swap3A_655] {strides = array<i32>} : memref<64x512xf32, #tpu.memory_space<vmem>>, vector<16xf32>,
      tpu.vector_store %arg8[%swap3A_654, %swap3A_655], %gather3A {strides = array<i32>} : memref<64x512xf32, #tpu.memory_space<vmem>>, vector<16xf32>,
      %swap3A_657 = arith.index_cast %scan3A_631 : i32 to index
      %swap3A_658 = arith.constant 128 : index
      %swap3A_659 = tpu.vector_load %arg8[%swap3A_657, %swap3A_658] {strides = array<i32>} : memref<64x512xf32, #tpu.memory_space<vmem>>, vector<16xf32>,
      tpu.vector_store %arg8[%swap3A_657, %swap3A_658], %gather3A {strides = array<i32>} : memref<64x512xf32, #tpu.memory_space<vmem>>, vector<16xf32>,
      %swap3A_660 = arith.index_cast %scan3A_631 : i32 to index
      %swap3A_661 = arith.constant 144 : index
      %swap3A_662 = tpu.vector_load %arg8[%swap3A_660, %swap3A_661] {strides = array<i32>} : memref<64x512xf32, #tpu.memory_space<vmem>>, vector<16xf32>,
      tpu.vector_store %arg8[%swap3A_660, %swap3A_661], %gather3A {strides = array<i32>} : memref<64x512xf32, #tpu.memory_space<vmem>>, vector<16xf32>,
      %swap3A_663 = arith.index_cast %scan3A_631 : i32 to index
      %swap3A_664 = arith.constant 160 : index
      %swap3A_665 = tpu.vector_load %arg8[%swap3A_663, %swap3A_664] {strides = array<i32>} : memref<64x512xf32, #tpu.memory_space<vmem>>, vector<16xf32>,
      tpu.vector_store %arg8[%swap3A_663, %swap3A_664], %gather3A {strides = array<i32>} : memref<64x512xf32, #tpu.memory_space<vmem>>, vector<16xf32>,
      %swap3A_666 = arith.index_cast %scan3A_631 : i32 to index
      %swap3A_667 = arith.constant 176 : index
      %swap3A_668 = tpu.vector_load %arg8[%swap3A_666, %swap3A_667] {strides = array<i32>} : memref<64x512xf32, #tpu.memory_space<vmem>>, vector<16xf32>,
      tpu.vector_store %arg8[%swap3A_666, %swap3A_667], %gather3A {strides = array<i32>} : memref<64x512xf32, #tpu.memory_space<vmem>>, vector<16xf32>,
      %swap3A_669 = arith.index_cast %scan3A_631 : i32 to index
      %swap3A_670 = arith.constant 192 : index
      %swap3A_671 = tpu.vector_load %arg8[%swap3A_669, %swap3A_670] {strides = array<i32>} : memref<64x512xf32, #tpu.memory_space<vmem>>, vector<16xf32>,
      tpu.vector_store %arg8[%swap3A_669, %swap3A_670], %gather3A {strides = array<i32>} : memref<64x512xf32, #tpu.memory_space<vmem>>, vector<16xf32>,
      %swap3A_672 = arith.index_cast %scan3A_631 : i32 to index
      %swap3A_673 = arith.constant 208 : index
      %swap3A_674 = tpu.vector_load %arg8[%swap3A_672, %swap3A_673] {strides = array<i32>} : memref<64x512xf32, #tpu.memory_space<vmem>>, vector<16xf32>,
      tpu.vector_store %arg8[%swap3A_672, %swap3A_673], %gather3A {strides = array<i32>} : memref<64x512xf32, #tpu.memory_space<vmem>>, vector<16xf32>,
      %swap3A_675 = arith.index_cast %scan3A_631 : i32 to index
      %swap3A_676 = arith.constant 224 : index
      %swap3A_677 = tpu.vector_load %arg8[%swap3A_675, %swap3A_676] {strides = array<i32>} : memref<64x512xf32, #tpu.memory_space<vmem>>, vector<16xf32>,
      tpu.vector_store %arg8[%swap3A_675, %swap3A_676], %gather3A {strides = array<i32>} : memref<64x512xf32, #tpu.memory_space<vmem>>, vector<16xf32>,
      %swap3A_678 = arith.index_cast %scan3A_631 : i32 to index
      %swap3A_679 = arith.constant 240 : index
      %swap3A_680 = tpu.vector_load %arg8[%swap3A_678, %swap3A_679] {strides = array<i32>} : memref<64x512xf32, #tpu.memory_space<vmem>>, vector<16xf32>,
      tpu.vector_store %arg8[%swap3A_678, %swap3A_679], %gather3A {strides = array<i32>} : memref<64x512xf32, #tpu.memory_space<vmem>>, vector<16xf32>,
      %swap3A_681 = arith.index_cast %scan3A_631 : i32 to index
      %swap3A_682 = arith.constant 256 : index
      %swap3A_683 = tpu.vector_load %arg8[%swap3A_681, %swap3A_682] {strides = array<i32>} : memref<64x512xf32, #tpu.memory_space<vmem>>, vector<16xf32>,
      tpu.vector_store %arg8[%swap3A_681, %swap3A_682], %gather3A {strides = array<i32>} : memref<64x512xf32, #tpu.memory_space<vmem>>, vector<16xf32>,
      %swap3A_684 = arith.index_cast %scan3A_631 : i32 to index
      %swap3A_685 = arith.constant 272 : index
      %swap3A_686 = tpu.vector_load %arg8[%swap3A_684, %swap3A_685] {strides = array<i32>} : memref<64x512xf32, #tpu.memory_space<vmem>>, vector<16xf32>,
      tpu.vector_store %arg8[%swap3A_684, %swap3A_685], %gather3A {strides = array<i32>} : memref<64x512xf32, #tpu.memory_space<vmem>>, vector<16xf32>,
      %swap3A_687 = arith.index_cast %scan3A_631 : i32 to index
      %swap3A_688 = arith.constant 288 : index
      %swap3A_689 = tpu.vector_load %arg8[%swap3A_687, %swap3A_688] {strides = array<i32>} : memref<64x512xf32, #tpu.memory_space<vmem>>, vector<16xf32>,
      tpu.vector_store %arg8[%swap3A_687, %swap3A_688], %gather3A {strides = array<i32>} : memref<64x512xf32, #tpu.memory_space<vmem>>, vector<16xf32>,
      %swap3A_690 = arith.index_cast %scan3A_631 : i32 to index
      %swap3A_691 = arith.constant 304 : index
      %swap3A_692 = tpu.vector_load %arg8[%swap3A_690, %swap3A_691] {strides = array<i32>} : memref<64x512xf32, #tpu.memory_space<vmem>>, vector<16xf32>,
      tpu.vector_store %arg8[%swap3A_690, %swap3A_691], %gather3A {strides = array<i32>} : memref<64x512xf32, #tpu.memory_space<vmem>>, vector<16xf32>,
      %swap3A_693 = arith.index_cast %scan3A_631 : i32 to index
      %swap3A_694 = arith.constant 320 : index
      %swap3A_695 = tpu.vector_load %arg8[%swap3A_693, %swap3A_694] {strides = array<i32>} : memref<64x512xf32, #tpu.memory_space<vmem>>, vector<16xf32>,
      tpu.vector_store %arg8[%swap3A_693, %swap3A_694], %gather3A {strides = array<i32>} : memref<64x512xf32, #tpu.memory_space<vmem>>, vector<16xf32>,
      %swap3A_696 = arith.index_cast %scan3A_631 : i32 to index
      %swap3A_697 = arith.constant 336 : index
      %swap3A_698 = tpu.vector_load %arg8[%swap3A_696, %swap3A_697] {strides = array<i32>} : memref<64x512xf32, #tpu.memory_space<vmem>>, vector<16xf32>,
      tpu.vector_store %arg8[%swap3A_696, %swap3A_697], %gather3A {strides = array<i32>} : memref<64x512xf32, #tpu.memory_space<vmem>>, vector<16xf32>,
      %swap3A_699 = arith.index_cast %scan3A_631 : i32 to index
      %swap3A_700 = arith.constant 352 : index
      %swap3A_701 = tpu.vector_load %arg8[%swap3A_699, %swap3A_700] {strides = array<i32>} : memref<64x512xf32, #tpu.memory_space<vmem>>, vector<16xf32>,
      tpu.vector_store %arg8[%swap3A_699, %swap3A_700], %gather3A {strides = array<i32>} : memref<64x512xf32, #tpu.memory_space<vmem>>, vector<16xf32>,
      %swap3A_702 = arith.index_cast %scan3A_631 : i32 to index
      %swap3A_703 = arith.constant 368 : index
      %swap3A_704 = tpu.vector_load %arg8[%swap3A_702, %swap3A_703] {strides = array<i32>} : memref<64x512xf32, #tpu.memory_space<vmem>>, vector<16xf32>,
      tpu.vector_store %arg8[%swap3A_702, %swap3A_703], %gather3A {strides = array<i32>} : memref<64x512xf32, #tpu.memory_space<vmem>>, vector<16xf32>,
      %swap3A_705 = arith.index_cast %scan3A_631 : i32 to index
      %swap3A_706 = arith.constant 384 : index
      %swap3A_707 = tpu.vector_load %arg8[%swap3A_705, %swap3A_706] {strides = array<i32>} : memref<64x512xf32, #tpu.memory_space<vmem>>, vector<16xf32>,
      tpu.vector_store %arg8[%swap3A_705, %swap3A_706], %gather3A {strides = array<i32>} : memref<64x512xf32, #tpu.memory_space<vmem>>, vector<16xf32>,
      %swap3A_708 = arith.index_cast %scan3A_631 : i32 to index
      %swap3A_709 = arith.constant 400 : index
      %swap3A_710 = tpu.vector_load %arg8[%swap3A_708, %swap3A_709] {strides = array<i32>} : memref<64x512xf32, #tpu.memory_space<vmem>>, vector<16xf32>,
      tpu.vector_store %arg8[%swap3A_708, %swap3A_709], %gather3A {strides = array<i32>} : memref<64x512xf32, #tpu.memory_space<vmem>>, vector<16xf32>,
      %swap3A_711 = arith.index_cast %scan3A_631 : i32 to index
      %swap3A_712 = arith.constant 416 : index
      %swap3A_713 = tpu.vector_load %arg8[%swap3A_711, %swap3A_712] {strides = array<i32>} : memref<64x512xf32, #tpu.memory_space<vmem>>, vector<16xf32>,
      tpu.vector_store %arg8[%swap3A_711, %swap3A_712], %gather3A {strides = array<i32>} : memref<64x512xf32, #tpu.memory_space<vmem>>, vector<16xf32>,
      %swap3A_714 = arith.index_cast %scan3A_631 : i32 to index
      %swap3A_715 = arith.constant 432 : index
      %swap3A_716 = tpu.vector_load %arg8[%swap3A_714, %swap3A_715] {strides = array<i32>} : memref<64x512xf32, #tpu.memory_space<vmem>>, vector<16xf32>,
      tpu.vector_store %arg8[%swap3A_714, %swap3A_715], %gather3A {strides = array<i32>} : memref<64x512xf32, #tpu.memory_space<vmem>>, vector<16xf32>,
      %swap3A_717 = arith.index_cast %scan3A_631 : i32 to index
      %swap3A_718 = arith.constant 448 : index
      %swap3A_719 = tpu.vector_load %arg8[%swap3A_717, %swap3A_718] {strides = array<i32>} : memref<64x512xf32, #tpu.memory_space<vmem>>, vector<16xf32>,
      tpu.vector_store %arg8[%swap3A_717, %swap3A_718], %gather3A {strides = array<i32>} : memref<64x512xf32, #tpu.memory_space<vmem>>, vector<16xf32>,
      %swap3A_720 = arith.index_cast %scan3A_631 : i32 to index
      %swap3A_721 = arith.constant 464 : index
      %swap3A_722 = tpu.vector_load %arg8[%swap3A_720, %swap3A_721] {strides = array<i32>} : memref<64x512xf32, #tpu.memory_space<vmem>>, vector<16xf32>,
      tpu.vector_store %arg8[%swap3A_720, %swap3A_721], %gather3A {strides = array<i32>} : memref<64x512xf32, #tpu.memory_space<vmem>>, vector<16xf32>,
      %swap3A_723 = arith.index_cast %scan3A_631 : i32 to index
      %swap3A_724 = arith.constant 480 : index
      %swap3A_725 = tpu.vector_load %arg8[%swap3A_723, %swap3A_724] {strides = array<i32>} : memref<64x512xf32, #tpu.memory_space<vmem>>, vector<16xf32>,
      tpu.vector_store %arg8[%swap3A_723, %swap3A_724], %gather3A {strides = array<i32>} : memref<64x512xf32, #tpu.memory_space<vmem>>, vector<16xf32>,
      %swap3A_726 = arith.index_cast %scan3A_631 : i32 to index
      %swap3A_727 = arith.constant 496 : index
      %swap3A_728 = tpu.vector_load %arg8[%swap3A_726, %swap3A_727] {strides = array<i32>} : memref<64x512xf32, #tpu.memory_space<vmem>>, vector<16xf32>,
      tpu.vector_store %arg8[%swap3A_726, %swap3A_727], %gather3A {strides = array<i32>} : memref<64x512xf32, #tpu.memory_space<vmem>>, vector<16xf32>,
    }
    %scan3A_333 = arith.constant 64 : i32
    %add3A_334 = arith.constant 5 : i32
    %add3A_335 = arith.addi %mul3A_2, %add3A_334 : i32
    %dma_start3A_336 = arith.constant 0 : i32
    %dma_start3A_337 = arith.constant 0 : i32
    %dma_start3A_338 = tpu.memref_slice %arg3[%add3A_335, %dma_start3A_336, %dma_start3A_337] : memref<257x64x2048xf32, #tpu.memory_space<hbm>> -> memref<1x64x512xf32, #tpu.memory_space<hbm>>
    %dma_start3A_339 = tpu.memref_squeeze %dma_start3A_338 : memref<1x64x512xf32, #tpu.memory_space<hbm>> -> memref<64x512xf32, #tpu.memory_space<hbm>>
    %dma_start3A_340 = arith.constant 0 : i32
    %dma_start3A_341 = arith.constant 0 : i32
    %dma_start3A_342 = tpu.memref_slice %arg3[%add3A_335, %dma_start3A_340, %dma_start3A_341] : memref<257x64x2048xf32, #tpu.memory_space<hbm>> -> memref<1x64x512xf32, #tpu.memory_space<hbm>>
    %dma_start3A_343 = tpu.memref_squeeze %dma_start3A_342 : memref<1x64x512xf32, #tpu.memory_space<hbm>> -> memref<64x512xf32, #tpu.memory_space<hbm>>
    tpu.enqueue_dma source(%arg8 : memref<64x512xf32, #tpu.memory_space<vmem>>) target(%dma_start3A_343 : memref<64x512xf32, #tpu.memory_space<hbm>>) target_semaphore(%arg12 : memref<!tpu.dma_semaphore, #tpu.memory_space<semaphore_mem>>)
    %add3A_344 = arith.constant 5 : i32
    %add3A_345 = arith.addi %mul3A_2, %add3A_344 : i32
    %dma_start3A_346 = arith.constant 0 : i32
    %dma_start3A_347 = arith.constant 512 : i32
    %dma_start3A_348 = tpu.memref_slice %arg3[%add3A_345, %dma_start3A_346, %dma_start3A_347] : memref<257x64x2048xf32, #tpu.memory_space<hbm>> -> memref<1x64x512xf32, #tpu.memory_space<hbm>>
    %dma_start3A_349 = tpu.memref_squeeze %dma_start3A_348 : memref<1x64x512xf32, #tpu.memory_space<hbm>> -> memref<64x512xf32, #tpu.memory_space<hbm>>
    %dma_start3A_350 = arith.constant 0 : i32
    %dma_start3A_351 = arith.constant 512 : i32
    %dma_start3A_352 = tpu.memref_slice %arg3[%add3A_345, %dma_start3A_350, %dma_start3A_351] : memref<257x64x2048xf32, #tpu.memory_space<hbm>> -> memref<1x64x512xf32, #tpu.memory_space<hbm>>
    %dma_start3A_353 = tpu.memref_squeeze %dma_start3A_352 : memref<1x64x512xf32, #tpu.memory_space<hbm>> -> memref<64x512xf32, #tpu.memory_space<hbm>>
    tpu.enqueue_dma source(%arg8 : memref<64x512xf32, #tpu.memory_space<vmem>>) target(%dma_start3A_353 : memref<64x512xf32, #tpu.memory_space<hbm>>) target_semaphore(%arg12 : memref<!tpu.dma_semaphore, #tpu.memory_space<semaphore_mem>>)
    %add3A_354 = arith.constant 5 : i32
    %add3A_355 = arith.addi %mul3A_2, %add3A_354 : i32
    %dma_start3A_356 = arith.constant 0 : i32
    %dma_start3A_357 = arith.constant 1024 : i32
    %dma_start3A_358 = tpu.memref_slice %arg3[%add3A_355, %dma_start3A_356, %dma_start3A_357] : memref<257x64x2048xf32, #tpu.memory_space<hbm>> -> memref<1x64x512xf32, #tpu.memory_space<hbm>>
    %dma_start3A_359 = tpu.memref_squeeze %dma_start3A_358 : memref<1x64x512xf32, #tpu.memory_space<hbm>> -> memref<64x512xf32, #tpu.memory_space<hbm>>
    %dma_start3A_360 = arith.constant 0 : i32
    %dma_start3A_361 = arith.constant 1024 : i32
    %dma_start3A_362 = tpu.memref_slice %arg3[%add3A_355, %dma_start3A_360, %dma_start3A_361] : memref<257x64x2048xf32, #tpu.memory_space<hbm>> -> memref<1x64x512xf32, #tpu.memory_space<hbm>>
    %dma_start3A_363 = tpu.memref_squeeze %dma_start3A_362 : memref<1x64x512xf32, #tpu.memory_space<hbm>> -> memref<64x512xf32, #tpu.memory_space<hbm>>
    tpu.enqueue_dma source(%arg8 : memref<64x512xf32, #tpu.memory_space<vmem>>) target(%dma_start3A_363 : memref<64x512xf32, #tpu.memory_space<hbm>>) target_semaphore(%arg12 : memref<!tpu.dma_semaphore, #tpu.memory_space<semaphore_mem>>)
    %add3A_364 = arith.constant 5 : i32
    %add3A_365 = arith.addi %mul3A_2, %add3A_364 : i32
    %dma_start3A_366 = arith.constant 0 : i32
    %dma_start3A_367 = arith.constant 1536 : i32
    %dma_start3A_368 = tpu.memref_slice %arg3[%add3A_365, %dma_start3A_366, %dma_start3A_367] : memref<257x64x2048xf32, #tpu.memory_space<hbm>> -> memref<1x64x512xf32, #tpu.memory_space<hbm>>
    %dma_start3A_369 = tpu.memref_squeeze %dma_start3A_368 : memref<1x64x512xf32, #tpu.memory_space<hbm>> -> memref<64x512xf32, #tpu.memory_space<hbm>>
    %dma_start3A_370 = arith.constant 0 : i32
    %dma_start3A_371 = arith.constant 1536 : i32
    %dma_start3A_372 = tpu.memref_slice %arg3[%add3A_365, %dma_start3A_370, %dma_start3A_371] : memref<257x64x2048xf32, #tpu.memory_space<hbm>> -> memref<1x64x512xf32, #tpu.memory_space<hbm>>
    %dma_start3A_373 = tpu.memref_squeeze %dma_start3A_372 : memref<1x64x512xf32, #tpu.memory_space<hbm>> -> memref<64x512xf32, #tpu.memory_space<hbm>>
    tpu.enqueue_dma source(%arg8 : memref<64x512xf32, #tpu.memory_space<vmem>>) target(%dma_start3A_373 : memref<64x512xf32, #tpu.memory_space<hbm>>) target_semaphore(%arg12 : memref<!tpu.dma_semaphore, #tpu.memory_space<semaphore_mem>>)
    %dma_wait3A_374 = arith.constant 0 : i32
    %dma_wait3A_375 = arith.constant 0 : i32
    %dma_wait3A_376 = tpu.memref_slice %arg3[%add3A_179, %dma_wait3A_374, %dma_wait3A_375] : memref<257x64x2048xf32, #tpu.memory_space<hbm>> -> memref<1x64x512xf32, #tpu.memory_space<hbm>>
    %dma_wait3A_377 = tpu.memref_squeeze %dma_wait3A_376 : memref<1x64x512xf32, #tpu.memory_space<hbm>> -> memref<64x512xf32, #tpu.memory_space<hbm>>
    %dma_wait3A_378 = arith.constant 0 : i32
    %dma_wait3A_379 = arith.constant 0 : i32
    %dma_wait3A_380 = tpu.memref_slice %arg3[%add3A_179, %dma_wait3A_378, %dma_wait3A_379] : memref<257x64x2048xf32, #tpu.memory_space<hbm>> -> memref<1x64x512xf32, #tpu.memory_space<hbm>>
    %dma_wait3A_381 = tpu.memref_squeeze %dma_wait3A_380 : memref<1x64x512xf32, #tpu.memory_space<hbm>> -> memref<64x512xf32, #tpu.memory_space<hbm>>
    tpu.wait_dma2 semaphore(%arg10 : memref<!tpu.dma_semaphore, #tpu.memory_space<semaphore_mem>>) src(%arg6 : memref<64x512xf32, #tpu.memory_space<vmem>>) dst(%dma_wait3A_381 : memref<64x512xf32, #tpu.memory_space<hbm>>)
    %dma_wait3A_382 = arith.constant 0 : i32
    %dma_wait3A_383 = arith.constant 512 : i32
    %dma_wait3A_384 = tpu.memref_slice %arg3[%add3A_189, %dma_wait3A_382, %dma_wait3A_383] : memref<257x64x2048xf32, #tpu.memory_space<hbm>> -> memref<1x64x512xf32, #tpu.memory_space<hbm>>
    %dma_wait3A_385 = tpu.memref_squeeze %dma_wait3A_384 : memref<1x64x512xf32, #tpu.memory_space<hbm>> -> memref<64x512xf32, #tpu.memory_space<hbm>>
    %dma_wait3A_386 = arith.constant 0 : i32
    %dma_wait3A_387 = arith.constant 512 : i32
    %dma_wait3A_388 = tpu.memref_slice %arg3[%add3A_189, %dma_wait3A_386, %dma_wait3A_387] : memref<257x64x2048xf32, #tpu.memory_space<hbm>> -> memref<1x64x512xf32, #tpu.memory_space<hbm>>
    %dma_wait3A_389 = tpu.memref_squeeze %dma_wait3A_388 : memref<1x64x512xf32, #tpu.memory_space<hbm>> -> memref<64x512xf32, #tpu.memory_space<hbm>>
    tpu.wait_dma2 semaphore(%arg10 : memref<!tpu.dma_semaphore, #tpu.memory_space<semaphore_mem>>) src(%arg6 : memref<64x512xf32, #tpu.memory_space<vmem>>) dst(%dma_wait3A_389 : memref<64x512xf32, #tpu.memory_space<hbm>>)
    %dma_wait3A_390 = arith.constant 0 : i32
    %dma_wait3A_391 = arith.constant 1024 : i32
    %dma_wait3A_392 = tpu.memref_slice %arg3[%add3A_199, %dma_wait3A_390, %dma_wait3A_391] : memref<257x64x2048xf32, #tpu.memory_space<hbm>> -> memref<1x64x512xf32, #tpu.memory_space<hbm>>
    %dma_wait3A_393 = tpu.memref_squeeze %dma_wait3A_392 : memref<1x64x512xf32, #tpu.memory_space<hbm>> -> memref<64x512xf32, #tpu.memory_space<hbm>>
    %dma_wait3A_394 = arith.constant 0 : i32
    %dma_wait3A_395 = arith.constant 1024 : i32
    %dma_wait3A_396 = tpu.memref_slice %arg3[%add3A_199, %dma_wait3A_394, %dma_wait3A_395] : memref<257x64x2048xf32, #tpu.memory_space<hbm>> -> memref<1x64x512xf32, #tpu.memory_space<hbm>>
    %dma_wait3A_397 = tpu.memref_squeeze %dma_wait3A_396 : memref<1x64x512xf32, #tpu.memory_space<hbm>> -> memref<64x512xf32, #tpu.memory_space<hbm>>
    tpu.wait_dma2 semaphore(%arg10 : memref<!tpu.dma_semaphore, #tpu.memory_space<semaphore_mem>>) src(%arg6 : memref<64x512xf32, #tpu.memory_space<vmem>>) dst(%dma_wait3A_397 : memref<64x512xf32, #tpu.memory_space<hbm>>)
    %dma_wait3A_398 = arith.constant 0 : i32
    %dma_wait3A_399 = arith.constant 1536 : i32
    %dma_wait3A_400 = tpu.memref_slice %arg3[%add3A_209, %dma_wait3A_398, %dma_wait3A_399] : memref<257x64x2048xf32, #tpu.memory_space<hbm>> -> memref<1x64x512xf32, #tpu.memory_space<hbm>>
    %dma_wait3A_401 = tpu.memref_squeeze %dma_wait3A_400 : memref<1x64x512xf32, #tpu.memory_space<hbm>> -> memref<64x512xf32, #tpu.memory_space<hbm>>
    %dma_wait3A_402 = arith.constant 0 : i32
    %dma_wait3A_403 = arith.constant 1536 : i32
    %dma_wait3A_404 = tpu.memref_slice %arg3[%add3A_209, %dma_wait3A_402, %dma_wait3A_403] : memref<257x64x2048xf32, #tpu.memory_space<hbm>> -> memref<1x64x512xf32, #tpu.memory_space<hbm>>
    %dma_wait3A_405 = tpu.memref_squeeze %dma_wait3A_404 : memref<1x64x512xf32, #tpu.memory_space<hbm>> -> memref<64x512xf32, #tpu.memory_space<hbm>>
    tpu.wait_dma2 semaphore(%arg10 : memref<!tpu.dma_semaphore, #tpu.memory_space<semaphore_mem>>) src(%arg6 : memref<64x512xf32, #tpu.memory_space<vmem>>) dst(%dma_wait3A_405 : memref<64x512xf32, #tpu.memory_space<hbm>>)
    %scan3A_406 = arith.constant 0 : i32
    %scan3A_407 = arith.constant 0 : i32
    %scan3A_408 = arith.constant 64 : i32
    %scan3A_409 = arith.addi %scan3A_407, %scan3A_408 : i32
    %scan3A_410 = arith.constant 1 : i32
    scf.for %scan3A_631 = %scan3A_407 to %scan3A_409 step %scan3A_410  : i32 {
      %broadcast_in_dim3A = arith.constant 6 : i32
      %broadcast_in_dim3A_632 = vector.broadcast %broadcast_in_dim3A : i32 to vector<16xi32>
      %broadcast_in_dim3A_633 = vector.broadcast %scan3A_631 : i32 to vector<16xi32>
      %gather3A = tpu.vector_load_idx %arg4[%broadcast_in_dim3A_632, %broadcast_in_dim3A_633] : memref<8x64xf32, #tpu.memory_space<vmem>>[vector<16xi32>, vector<16xi32>], vector<16xf32>,
      %swap3A = arith.index_cast %scan3A_631 : i32 to index
      %swap3A_634 = arith.constant 0 : index
      %swap3A_635 = tpu.vector_load %arg6[%swap3A, %swap3A_634] {strides = array<i32>} : memref<64x512xf32, #tpu.memory_space<vmem>>, vector<16xf32>,
      tpu.vector_store %arg6[%swap3A, %swap3A_634], %gather3A {strides = array<i32>} : memref<64x512xf32, #tpu.memory_space<vmem>>, vector<16xf32>,
      %swap3A_636 = arith.index_cast %scan3A_631 : i32 to index
      %swap3A_637 = arith.constant 16 : index
      %swap3A_638 = tpu.vector_load %arg6[%swap3A_636, %swap3A_637] {strides = array<i32>} : memref<64x512xf32, #tpu.memory_space<vmem>>, vector<16xf32>,
      tpu.vector_store %arg6[%swap3A_636, %swap3A_637], %gather3A {strides = array<i32>} : memref<64x512xf32, #tpu.memory_space<vmem>>, vector<16xf32>,
      %swap3A_639 = arith.index_cast %scan3A_631 : i32 to index
      %swap3A_640 = arith.constant 32 : index
      %swap3A_641 = tpu.vector_load %arg6[%swap3A_639, %swap3A_640] {strides = array<i32>} : memref<64x512xf32, #tpu.memory_space<vmem>>, vector<16xf32>,
      tpu.vector_store %arg6[%swap3A_639, %swap3A_640], %gather3A {strides = array<i32>} : memref<64x512xf32, #tpu.memory_space<vmem>>, vector<16xf32>,
      %swap3A_642 = arith.index_cast %scan3A_631 : i32 to index
      %swap3A_643 = arith.constant 48 : index
      %swap3A_644 = tpu.vector_load %arg6[%swap3A_642, %swap3A_643] {strides = array<i32>} : memref<64x512xf32, #tpu.memory_space<vmem>>, vector<16xf32>,
      tpu.vector_store %arg6[%swap3A_642, %swap3A_643], %gather3A {strides = array<i32>} : memref<64x512xf32, #tpu.memory_space<vmem>>, vector<16xf32>,
      %swap3A_645 = arith.index_cast %scan3A_631 : i32 to index
      %swap3A_646 = arith.constant 64 : index
      %swap3A_647 = tpu.vector_load %arg6[%swap3A_645, %swap3A_646] {strides = array<i32>} : memref<64x512xf32, #tpu.memory_space<vmem>>, vector<16xf32>,
      tpu.vector_store %arg6[%swap3A_645, %swap3A_646], %gather3A {strides = array<i32>} : memref<64x512xf32, #tpu.memory_space<vmem>>, vector<16xf32>,
      %swap3A_648 = arith.index_cast %scan3A_631 : i32 to index
      %swap3A_649 = arith.constant 80 : index
      %swap3A_650 = tpu.vector_load %arg6[%swap3A_648, %swap3A_649] {strides = array<i32>} : memref<64x512xf32, #tpu.memory_space<vmem>>, vector<16xf32>,
      tpu.vector_store %arg6[%swap3A_648, %swap3A_649], %gather3A {strides = array<i32>} : memref<64x512xf32, #tpu.memory_space<vmem>>, vector<16xf32>,
      %swap3A_651 = arith.index_cast %scan3A_631 : i32 to index
      %swap3A_652 = arith.constant 96 : index
      %swap3A_653 = tpu.vector_load %arg6[%swap3A_651, %swap3A_652] {strides = array<i32>} : memref<64x512xf32, #tpu.memory_space<vmem>>, vector<16xf32>,
      tpu.vector_store %arg6[%swap3A_651, %swap3A_652], %gather3A {strides = array<i32>} : memref<64x512xf32, #tpu.memory_space<vmem>>, vector<16xf32>,
      %swap3A_654 = arith.index_cast %scan3A_631 : i32 to index
      %swap3A_655 = arith.constant 112 : index
      %swap3A_656 = tpu.vector_load %arg6[%swap3A_654, %swap3A_655] {strides = array<i32>} : memref<64x512xf32, #tpu.memory_space<vmem>>, vector<16xf32>,
      tpu.vector_store %arg6[%swap3A_654, %swap3A_655], %gather3A {strides = array<i32>} : memref<64x512xf32, #tpu.memory_space<vmem>>, vector<16xf32>,
      %swap3A_657 = arith.index_cast %scan3A_631 : i32 to index
      %swap3A_658 = arith.constant 128 : index
      %swap3A_659 = tpu.vector_load %arg6[%swap3A_657, %swap3A_658] {strides = array<i32>} : memref<64x512xf32, #tpu.memory_space<vmem>>, vector<16xf32>,
      tpu.vector_store %arg6[%swap3A_657, %swap3A_658], %gather3A {strides = array<i32>} : memref<64x512xf32, #tpu.memory_space<vmem>>, vector<16xf32>,
      %swap3A_660 = arith.index_cast %scan3A_631 : i32 to index
      %swap3A_661 = arith.constant 144 : index
      %swap3A_662 = tpu.vector_load %arg6[%swap3A_660, %swap3A_661] {strides = array<i32>} : memref<64x512xf32, #tpu.memory_space<vmem>>, vector<16xf32>,
      tpu.vector_store %arg6[%swap3A_660, %swap3A_661], %gather3A {strides = array<i32>} : memref<64x512xf32, #tpu.memory_space<vmem>>, vector<16xf32>,
      %swap3A_663 = arith.index_cast %scan3A_631 : i32 to index
      %swap3A_664 = arith.constant 160 : index
      %swap3A_665 = tpu.vector_load %arg6[%swap3A_663, %swap3A_664] {strides = array<i32>} : memref<64x512xf32, #tpu.memory_space<vmem>>, vector<16xf32>,
      tpu.vector_store %arg6[%swap3A_663, %swap3A_664], %gather3A {strides = array<i32>} : memref<64x512xf32, #tpu.memory_space<vmem>>, vector<16xf32>,
      %swap3A_666 = arith.index_cast %scan3A_631 : i32 to index
      %swap3A_667 = arith.constant 176 : index
      %swap3A_668 = tpu.vector_load %arg6[%swap3A_666, %swap3A_667] {strides = array<i32>} : memref<64x512xf32, #tpu.memory_space<vmem>>, vector<16xf32>,
      tpu.vector_store %arg6[%swap3A_666, %swap3A_667], %gather3A {strides = array<i32>} : memref<64x512xf32, #tpu.memory_space<vmem>>, vector<16xf32>,
      %swap3A_669 = arith.index_cast %scan3A_631 : i32 to index
      %swap3A_670 = arith.constant 192 : index
      %swap3A_671 = tpu.vector_load %arg6[%swap3A_669, %swap3A_670] {strides = array<i32>} : memref<64x512xf32, #tpu.memory_space<vmem>>, vector<16xf32>,
      tpu.vector_store %arg6[%swap3A_669, %swap3A_670], %gather3A {strides = array<i32>} : memref<64x512xf32, #tpu.memory_space<vmem>>, vector<16xf32>,
      %swap3A_672 = arith.index_cast %scan3A_631 : i32 to index
      %swap3A_673 = arith.constant 208 : index
      %swap3A_674 = tpu.vector_load %arg6[%swap3A_672, %swap3A_673] {strides = array<i32>} : memref<64x512xf32, #tpu.memory_space<vmem>>, vector<16xf32>,
      tpu.vector_store %arg6[%swap3A_672, %swap3A_673], %gather3A {strides = array<i32>} : memref<64x512xf32, #tpu.memory_space<vmem>>, vector<16xf32>,
      %swap3A_675 = arith.index_cast %scan3A_631 : i32 to index
      %swap3A_676 = arith.constant 224 : index
      %swap3A_677 = tpu.vector_load %arg6[%swap3A_675, %swap3A_676] {strides = array<i32>} : memref<64x512xf32, #tpu.memory_space<vmem>>, vector<16xf32>,
      tpu.vector_store %arg6[%swap3A_675, %swap3A_676], %gather3A {strides = array<i32>} : memref<64x512xf32, #tpu.memory_space<vmem>>, vector<16xf32>,
      %swap3A_678 = arith.index_cast %scan3A_631 : i32 to index
      %swap3A_679 = arith.constant 240 : index
      %swap3A_680 = tpu.vector_load %arg6[%swap3A_678, %swap3A_679] {strides = array<i32>} : memref<64x512xf32, #tpu.memory_space<vmem>>, vector<16xf32>,
      tpu.vector_store %arg6[%swap3A_678, %swap3A_679], %gather3A {strides = array<i32>} : memref<64x512xf32, #tpu.memory_space<vmem>>, vector<16xf32>,
      %swap3A_681 = arith.index_cast %scan3A_631 : i32 to index
      %swap3A_682 = arith.constant 256 : index
      %swap3A_683 = tpu.vector_load %arg6[%swap3A_681, %swap3A_682] {strides = array<i32>} : memref<64x512xf32, #tpu.memory_space<vmem>>, vector<16xf32>,
      tpu.vector_store %arg6[%swap3A_681, %swap3A_682], %gather3A {strides = array<i32>} : memref<64x512xf32, #tpu.memory_space<vmem>>, vector<16xf32>,
      %swap3A_684 = arith.index_cast %scan3A_631 : i32 to index
      %swap3A_685 = arith.constant 272 : index
      %swap3A_686 = tpu.vector_load %arg6[%swap3A_684, %swap3A_685] {strides = array<i32>} : memref<64x512xf32, #tpu.memory_space<vmem>>, vector<16xf32>,
      tpu.vector_store %arg6[%swap3A_684, %swap3A_685], %gather3A {strides = array<i32>} : memref<64x512xf32, #tpu.memory_space<vmem>>, vector<16xf32>,
      %swap3A_687 = arith.index_cast %scan3A_631 : i32 to index
      %swap3A_688 = arith.constant 288 : index
      %swap3A_689 = tpu.vector_load %arg6[%swap3A_687, %swap3A_688] {strides = array<i32>} : memref<64x512xf32, #tpu.memory_space<vmem>>, vector<16xf32>,
      tpu.vector_store %arg6[%swap3A_687, %swap3A_688], %gather3A {strides = array<i32>} : memref<64x512xf32, #tpu.memory_space<vmem>>, vector<16xf32>,
      %swap3A_690 = arith.index_cast %scan3A_631 : i32 to index
      %swap3A_691 = arith.constant 304 : index
      %swap3A_692 = tpu.vector_load %arg6[%swap3A_690, %swap3A_691] {strides = array<i32>} : memref<64x512xf32, #tpu.memory_space<vmem>>, vector<16xf32>,
      tpu.vector_store %arg6[%swap3A_690, %swap3A_691], %gather3A {strides = array<i32>} : memref<64x512xf32, #tpu.memory_space<vmem>>, vector<16xf32>,
      %swap3A_693 = arith.index_cast %scan3A_631 : i32 to index
      %swap3A_694 = arith.constant 320 : index
      %swap3A_695 = tpu.vector_load %arg6[%swap3A_693, %swap3A_694] {strides = array<i32>} : memref<64x512xf32, #tpu.memory_space<vmem>>, vector<16xf32>,
      tpu.vector_store %arg6[%swap3A_693, %swap3A_694], %gather3A {strides = array<i32>} : memref<64x512xf32, #tpu.memory_space<vmem>>, vector<16xf32>,
      %swap3A_696 = arith.index_cast %scan3A_631 : i32 to index
      %swap3A_697 = arith.constant 336 : index
      %swap3A_698 = tpu.vector_load %arg6[%swap3A_696, %swap3A_697] {strides = array<i32>} : memref<64x512xf32, #tpu.memory_space<vmem>>, vector<16xf32>,
      tpu.vector_store %arg6[%swap3A_696, %swap3A_697], %gather3A {strides = array<i32>} : memref<64x512xf32, #tpu.memory_space<vmem>>, vector<16xf32>,
      %swap3A_699 = arith.index_cast %scan3A_631 : i32 to index
      %swap3A_700 = arith.constant 352 : index
      %swap3A_701 = tpu.vector_load %arg6[%swap3A_699, %swap3A_700] {strides = array<i32>} : memref<64x512xf32, #tpu.memory_space<vmem>>, vector<16xf32>,
      tpu.vector_store %arg6[%swap3A_699, %swap3A_700], %gather3A {strides = array<i32>} : memref<64x512xf32, #tpu.memory_space<vmem>>, vector<16xf32>,
      %swap3A_702 = arith.index_cast %scan3A_631 : i32 to index
      %swap3A_703 = arith.constant 368 : index
      %swap3A_704 = tpu.vector_load %arg6[%swap3A_702, %swap3A_703] {strides = array<i32>} : memref<64x512xf32, #tpu.memory_space<vmem>>, vector<16xf32>,
      tpu.vector_store %arg6[%swap3A_702, %swap3A_703], %gather3A {strides = array<i32>} : memref<64x512xf32, #tpu.memory_space<vmem>>, vector<16xf32>,
      %swap3A_705 = arith.index_cast %scan3A_631 : i32 to index
      %swap3A_706 = arith.constant 384 : index
      %swap3A_707 = tpu.vector_load %arg6[%swap3A_705, %swap3A_706] {strides = array<i32>} : memref<64x512xf32, #tpu.memory_space<vmem>>, vector<16xf32>,
      tpu.vector_store %arg6[%swap3A_705, %swap3A_706], %gather3A {strides = array<i32>} : memref<64x512xf32, #tpu.memory_space<vmem>>, vector<16xf32>,
      %swap3A_708 = arith.index_cast %scan3A_631 : i32 to index
      %swap3A_709 = arith.constant 400 : index
      %swap3A_710 = tpu.vector_load %arg6[%swap3A_708, %swap3A_709] {strides = array<i32>} : memref<64x512xf32, #tpu.memory_space<vmem>>, vector<16xf32>,
      tpu.vector_store %arg6[%swap3A_708, %swap3A_709], %gather3A {strides = array<i32>} : memref<64x512xf32, #tpu.memory_space<vmem>>, vector<16xf32>,
      %swap3A_711 = arith.index_cast %scan3A_631 : i32 to index
      %swap3A_712 = arith.constant 416 : index
      %swap3A_713 = tpu.vector_load %arg6[%swap3A_711, %swap3A_712] {strides = array<i32>} : memref<64x512xf32, #tpu.memory_space<vmem>>, vector<16xf32>,
      tpu.vector_store %arg6[%swap3A_711, %swap3A_712], %gather3A {strides = array<i32>} : memref<64x512xf32, #tpu.memory_space<vmem>>, vector<16xf32>,
      %swap3A_714 = arith.index_cast %scan3A_631 : i32 to index
      %swap3A_715 = arith.constant 432 : index
      %swap3A_716 = tpu.vector_load %arg6[%swap3A_714, %swap3A_715] {strides = array<i32>} : memref<64x512xf32, #tpu.memory_space<vmem>>, vector<16xf32>,
      tpu.vector_store %arg6[%swap3A_714, %swap3A_715], %gather3A {strides = array<i32>} : memref<64x512xf32, #tpu.memory_space<vmem>>, vector<16xf32>,
      %swap3A_717 = arith.index_cast %scan3A_631 : i32 to index
      %swap3A_718 = arith.constant 448 : index
      %swap3A_719 = tpu.vector_load %arg6[%swap3A_717, %swap3A_718] {strides = array<i32>} : memref<64x512xf32, #tpu.memory_space<vmem>>, vector<16xf32>,
      tpu.vector_store %arg6[%swap3A_717, %swap3A_718], %gather3A {strides = array<i32>} : memref<64x512xf32, #tpu.memory_space<vmem>>, vector<16xf32>,
      %swap3A_720 = arith.index_cast %scan3A_631 : i32 to index
      %swap3A_721 = arith.constant 464 : index
      %swap3A_722 = tpu.vector_load %arg6[%swap3A_720, %swap3A_721] {strides = array<i32>} : memref<64x512xf32, #tpu.memory_space<vmem>>, vector<16xf32>,
      tpu.vector_store %arg6[%swap3A_720, %swap3A_721], %gather3A {strides = array<i32>} : memref<64x512xf32, #tpu.memory_space<vmem>>, vector<16xf32>,
      %swap3A_723 = arith.index_cast %scan3A_631 : i32 to index
      %swap3A_724 = arith.constant 480 : index
      %swap3A_725 = tpu.vector_load %arg6[%swap3A_723, %swap3A_724] {strides = array<i32>} : memref<64x512xf32, #tpu.memory_space<vmem>>, vector<16xf32>,
      tpu.vector_store %arg6[%swap3A_723, %swap3A_724], %gather3A {strides = array<i32>} : memref<64x512xf32, #tpu.memory_space<vmem>>, vector<16xf32>,
      %swap3A_726 = arith.index_cast %scan3A_631 : i32 to index
      %swap3A_727 = arith.constant 496 : index
      %swap3A_728 = tpu.vector_load %arg6[%swap3A_726, %swap3A_727] {strides = array<i32>} : memref<64x512xf32, #tpu.memory_space<vmem>>, vector<16xf32>,
      tpu.vector_store %arg6[%swap3A_726, %swap3A_727], %gather3A {strides = array<i32>} : memref<64x512xf32, #tpu.memory_space<vmem>>, vector<16xf32>,
    }
    %scan3A_411 = arith.constant 64 : i32
    %add3A_412 = arith.constant 6 : i32
    %add3A_413 = arith.addi %mul3A_2, %add3A_412 : i32
    %dma_start3A_414 = arith.constant 0 : i32
    %dma_start3A_415 = arith.constant 0 : i32
    %dma_start3A_416 = tpu.memref_slice %arg3[%add3A_413, %dma_start3A_414, %dma_start3A_415] : memref<257x64x2048xf32, #tpu.memory_space<hbm>> -> memref<1x64x512xf32, #tpu.memory_space<hbm>>
    %dma_start3A_417 = tpu.memref_squeeze %dma_start3A_416 : memref<1x64x512xf32, #tpu.memory_space<hbm>> -> memref<64x512xf32, #tpu.memory_space<hbm>>
    %dma_start3A_418 = arith.constant 0 : i32
    %dma_start3A_419 = arith.constant 0 : i32
    %dma_start3A_420 = tpu.memref_slice %arg3[%add3A_413, %dma_start3A_418, %dma_start3A_419] : memref<257x64x2048xf32, #tpu.memory_space<hbm>> -> memref<1x64x512xf32, #tpu.memory_space<hbm>>
    %dma_start3A_421 = tpu.memref_squeeze %dma_start3A_420 : memref<1x64x512xf32, #tpu.memory_space<hbm>> -> memref<64x512xf32, #tpu.memory_space<hbm>>
    tpu.enqueue_dma source(%arg6 : memref<64x512xf32, #tpu.memory_space<vmem>>) target(%dma_start3A_421 : memref<64x512xf32, #tpu.memory_space<hbm>>) target_semaphore(%arg10 : memref<!tpu.dma_semaphore, #tpu.memory_space<semaphore_mem>>)
    %add3A_422 = arith.constant 6 : i32
    %add3A_423 = arith.addi %mul3A_2, %add3A_422 : i32
    %dma_start3A_424 = arith.constant 0 : i32
    %dma_start3A_425 = arith.constant 512 : i32
    %dma_start3A_426 = tpu.memref_slice %arg3[%add3A_423, %dma_start3A_424, %dma_start3A_425] : memref<257x64x2048xf32, #tpu.memory_space<hbm>> -> memref<1x64x512xf32, #tpu.memory_space<hbm>>
    %dma_start3A_427 = tpu.memref_squeeze %dma_start3A_426 : memref<1x64x512xf32, #tpu.memory_space<hbm>> -> memref<64x512xf32, #tpu.memory_space<hbm>>
    %dma_start3A_428 = arith.constant 0 : i32
    %dma_start3A_429 = arith.constant 512 : i32
    %dma_start3A_430 = tpu.memref_slice %arg3[%add3A_423, %dma_start3A_428, %dma_start3A_429] : memref<257x64x2048xf32, #tpu.memory_space<hbm>> -> memref<1x64x512xf32, #tpu.memory_space<hbm>>
    %dma_start3A_431 = tpu.memref_squeeze %dma_start3A_430 : memref<1x64x512xf32, #tpu.memory_space<hbm>> -> memref<64x512xf32, #tpu.memory_space<hbm>>
    tpu.enqueue_dma source(%arg6 : memref<64x512xf32, #tpu.memory_space<vmem>>) target(%dma_start3A_431 : memref<64x512xf32, #tpu.memory_space<hbm>>) target_semaphore(%arg10 : memref<!tpu.dma_semaphore, #tpu.memory_space<semaphore_mem>>)
    %add3A_432 = arith.constant 6 : i32
    %add3A_433 = arith.addi %mul3A_2, %add3A_432 : i32
    %dma_start3A_434 = arith.constant 0 : i32
    %dma_start3A_435 = arith.constant 1024 : i32
    %dma_start3A_436 = tpu.memref_slice %arg3[%add3A_433, %dma_start3A_434, %dma_start3A_435] : memref<257x64x2048xf32, #tpu.memory_space<hbm>> -> memref<1x64x512xf32, #tpu.memory_space<hbm>>
    %dma_start3A_437 = tpu.memref_squeeze %dma_start3A_436 : memref<1x64x512xf32, #tpu.memory_space<hbm>> -> memref<64x512xf32, #tpu.memory_space<hbm>>
    %dma_start3A_438 = arith.constant 0 : i32
    %dma_start3A_439 = arith.constant 1024 : i32
    %dma_start3A_440 = tpu.memref_slice %arg3[%add3A_433, %dma_start3A_438, %dma_start3A_439] : memref<257x64x2048xf32, #tpu.memory_space<hbm>> -> memref<1x64x512xf32, #tpu.memory_space<hbm>>
    %dma_start3A_441 = tpu.memref_squeeze %dma_start3A_440 : memref<1x64x512xf32, #tpu.memory_space<hbm>> -> memref<64x512xf32, #tpu.memory_space<hbm>>
    tpu.enqueue_dma source(%arg6 : memref<64x512xf32, #tpu.memory_space<vmem>>) target(%dma_start3A_441 : memref<64x512xf32, #tpu.memory_space<hbm>>) target_semaphore(%arg10 : memref<!tpu.dma_semaphore, #tpu.memory_space<semaphore_mem>>)
    %add3A_442 = arith.constant 6 : i32
    %add3A_443 = arith.addi %mul3A_2, %add3A_442 : i32
    %dma_start3A_444 = arith.constant 0 : i32
    %dma_start3A_445 = arith.constant 1536 : i32
    %dma_start3A_446 = tpu.memref_slice %arg3[%add3A_443, %dma_start3A_444, %dma_start3A_445] : memref<257x64x2048xf32, #tpu.memory_space<hbm>> -> memref<1x64x512xf32, #tpu.memory_space<hbm>>
    %dma_start3A_447 = tpu.memref_squeeze %dma_start3A_446 : memref<1x64x512xf32, #tpu.memory_space<hbm>> -> memref<64x512xf32, #tpu.memory_space<hbm>>
    %dma_start3A_448 = arith.constant 0 : i32
    %dma_start3A_449 = arith.constant 1536 : i32
    %dma_start3A_450 = tpu.memref_slice %arg3[%add3A_443, %dma_start3A_448, %dma_start3A_449] : memref<257x64x2048xf32, #tpu.memory_space<hbm>> -> memref<1x64x512xf32, #tpu.memory_space<hbm>>
    %dma_start3A_451 = tpu.memref_squeeze %dma_start3A_450 : memref<1x64x512xf32, #tpu.memory_space<hbm>> -> memref<64x512xf32, #tpu.memory_space<hbm>>
    tpu.enqueue_dma source(%arg6 : memref<64x512xf32, #tpu.memory_space<vmem>>) target(%dma_start3A_451 : memref<64x512xf32, #tpu.memory_space<hbm>>) target_semaphore(%arg10 : memref<!tpu.dma_semaphore, #tpu.memory_space<semaphore_mem>>)
    %dma_wait3A_452 = arith.constant 0 : i32
    %dma_wait3A_453 = arith.constant 0 : i32
    %dma_wait3A_454 = tpu.memref_slice %arg3[%add3A_257, %dma_wait3A_452, %dma_wait3A_453] : memref<257x64x2048xf32, #tpu.memory_space<hbm>> -> memref<1x64x512xf32, #tpu.memory_space<hbm>>
    %dma_wait3A_455 = tpu.memref_squeeze %dma_wait3A_454 : memref<1x64x512xf32, #tpu.memory_space<hbm>> -> memref<64x512xf32, #tpu.memory_space<hbm>>
    %dma_wait3A_456 = arith.constant 0 : i32
    %dma_wait3A_457 = arith.constant 0 : i32
    %dma_wait3A_458 = tpu.memref_slice %arg3[%add3A_257, %dma_wait3A_456, %dma_wait3A_457] : memref<257x64x2048xf32, #tpu.memory_space<hbm>> -> memref<1x64x512xf32, #tpu.memory_space<hbm>>
    %dma_wait3A_459 = tpu.memref_squeeze %dma_wait3A_458 : memref<1x64x512xf32, #tpu.memory_space<hbm>> -> memref<64x512xf32, #tpu.memory_space<hbm>>
    tpu.wait_dma2 semaphore(%arg11 : memref<!tpu.dma_semaphore, #tpu.memory_space<semaphore_mem>>) src(%arg7 : memref<64x512xf32, #tpu.memory_space<vmem>>) dst(%dma_wait3A_459 : memref<64x512xf32, #tpu.memory_space<hbm>>)
    %dma_wait3A_460 = arith.constant 0 : i32
    %dma_wait3A_461 = arith.constant 512 : i32
    %dma_wait3A_462 = tpu.memref_slice %arg3[%add3A_267, %dma_wait3A_460, %dma_wait3A_461] : memref<257x64x2048xf32, #tpu.memory_space<hbm>> -> memref<1x64x512xf32, #tpu.memory_space<hbm>>
    %dma_wait3A_463 = tpu.memref_squeeze %dma_wait3A_462 : memref<1x64x512xf32, #tpu.memory_space<hbm>> -> memref<64x512xf32, #tpu.memory_space<hbm>>
    %dma_wait3A_464 = arith.constant 0 : i32
    %dma_wait3A_465 = arith.constant 512 : i32
    %dma_wait3A_466 = tpu.memref_slice %arg3[%add3A_267, %dma_wait3A_464, %dma_wait3A_465] : memref<257x64x2048xf32, #tpu.memory_space<hbm>> -> memref<1x64x512xf32, #tpu.memory_space<hbm>>
    %dma_wait3A_467 = tpu.memref_squeeze %dma_wait3A_466 : memref<1x64x512xf32, #tpu.memory_space<hbm>> -> memref<64x512xf32, #tpu.memory_space<hbm>>
    tpu.wait_dma2 semaphore(%arg11 : memref<!tpu.dma_semaphore, #tpu.memory_space<semaphore_mem>>) src(%arg7 : memref<64x512xf32, #tpu.memory_space<vmem>>) dst(%dma_wait3A_467 : memref<64x512xf32, #tpu.memory_space<hbm>>)
    %dma_wait3A_468 = arith.constant 0 : i32
    %dma_wait3A_469 = arith.constant 1024 : i32
    %dma_wait3A_470 = tpu.memref_slice %arg3[%add3A_277, %dma_wait3A_468, %dma_wait3A_469] : memref<257x64x2048xf32, #tpu.memory_space<hbm>> -> memref<1x64x512xf32, #tpu.memory_space<hbm>>
    %dma_wait3A_471 = tpu.memref_squeeze %dma_wait3A_470 : memref<1x64x512xf32, #tpu.memory_space<hbm>> -> memref<64x512xf32, #tpu.memory_space<hbm>>
    %dma_wait3A_472 = arith.constant 0 : i32
    %dma_wait3A_473 = arith.constant 1024 : i32
    %dma_wait3A_474 = tpu.memref_slice %arg3[%add3A_277, %dma_wait3A_472, %dma_wait3A_473] : memref<257x64x2048xf32, #tpu.memory_space<hbm>> -> memref<1x64x512xf32, #tpu.memory_space<hbm>>
    %dma_wait3A_475 = tpu.memref_squeeze %dma_wait3A_474 : memref<1x64x512xf32, #tpu.memory_space<hbm>> -> memref<64x512xf32, #tpu.memory_space<hbm>>
    tpu.wait_dma2 semaphore(%arg11 : memref<!tpu.dma_semaphore, #tpu.memory_space<semaphore_mem>>) src(%arg7 : memref<64x512xf32, #tpu.memory_space<vmem>>) dst(%dma_wait3A_475 : memref<64x512xf32, #tpu.memory_space<hbm>>)
    %dma_wait3A_476 = arith.constant 0 : i32
    %dma_wait3A_477 = arith.constant 1536 : i32
    %dma_wait3A_478 = tpu.memref_slice %arg3[%add3A_287, %dma_wait3A_476, %dma_wait3A_477] : memref<257x64x2048xf32, #tpu.memory_space<hbm>> -> memref<1x64x512xf32, #tpu.memory_space<hbm>>
    %dma_wait3A_479 = tpu.memref_squeeze %dma_wait3A_478 : memref<1x64x512xf32, #tpu.memory_space<hbm>> -> memref<64x512xf32, #tpu.memory_space<hbm>>
    %dma_wait3A_480 = arith.constant 0 : i32
    %dma_wait3A_481 = arith.constant 1536 : i32
    %dma_wait3A_482 = tpu.memref_slice %arg3[%add3A_287, %dma_wait3A_480, %dma_wait3A_481] : memref<257x64x2048xf32, #tpu.memory_space<hbm>> -> memref<1x64x512xf32, #tpu.memory_space<hbm>>
    %dma_wait3A_483 = tpu.memref_squeeze %dma_wait3A_482 : memref<1x64x512xf32, #tpu.memory_space<hbm>> -> memref<64x512xf32, #tpu.memory_space<hbm>>
    tpu.wait_dma2 semaphore(%arg11 : memref<!tpu.dma_semaphore, #tpu.memory_space<semaphore_mem>>) src(%arg7 : memref<64x512xf32, #tpu.memory_space<vmem>>) dst(%dma_wait3A_483 : memref<64x512xf32, #tpu.memory_space<hbm>>)
    %scan3A_484 = arith.constant 0 : i32
    %scan3A_485 = arith.constant 0 : i32
    %scan3A_486 = arith.constant 64 : i32
    %scan3A_487 = arith.addi %scan3A_485, %scan3A_486 : i32
    %scan3A_488 = arith.constant 1 : i32
    scf.for %scan3A_631 = %scan3A_485 to %scan3A_487 step %scan3A_488  : i32 {
      %broadcast_in_dim3A = arith.constant 7 : i32
      %broadcast_in_dim3A_632 = vector.broadcast %broadcast_in_dim3A : i32 to vector<16xi32>
      %broadcast_in_dim3A_633 = vector.broadcast %scan3A_631 : i32 to vector<16xi32>
      %gather3A = tpu.vector_load_idx %arg4[%broadcast_in_dim3A_632, %broadcast_in_dim3A_633] : memref<8x64xf32, #tpu.memory_space<vmem>>[vector<16xi32>, vector<16xi32>], vector<16xf32>,
      %swap3A = arith.index_cast %scan3A_631 : i32 to index
      %swap3A_634 = arith.constant 0 : index
      %swap3A_635 = tpu.vector_load %arg7[%swap3A, %swap3A_634] {strides = array<i32>} : memref<64x512xf32, #tpu.memory_space<vmem>>, vector<16xf32>,
      tpu.vector_store %arg7[%swap3A, %swap3A_634], %gather3A {strides = array<i32>} : memref<64x512xf32, #tpu.memory_space<vmem>>, vector<16xf32>,
      %swap3A_636 = arith.index_cast %scan3A_631 : i32 to index
      %swap3A_637 = arith.constant 16 : index
      %swap3A_638 = tpu.vector_load %arg7[%swap3A_636, %swap3A_637] {strides = array<i32>} : memref<64x512xf32, #tpu.memory_space<vmem>>, vector<16xf32>,
      tpu.vector_store %arg7[%swap3A_636, %swap3A_637], %gather3A {strides = array<i32>} : memref<64x512xf32, #tpu.memory_space<vmem>>, vector<16xf32>,
      %swap3A_639 = arith.index_cast %scan3A_631 : i32 to index
      %swap3A_640 = arith.constant 32 : index
      %swap3A_641 = tpu.vector_load %arg7[%swap3A_639, %swap3A_640] {strides = array<i32>} : memref<64x512xf32, #tpu.memory_space<vmem>>, vector<16xf32>,
      tpu.vector_store %arg7[%swap3A_639, %swap3A_640], %gather3A {strides = array<i32>} : memref<64x512xf32, #tpu.memory_space<vmem>>, vector<16xf32>,
      %swap3A_642 = arith.index_cast %scan3A_631 : i32 to index
      %swap3A_643 = arith.constant 48 : index
      %swap3A_644 = tpu.vector_load %arg7[%swap3A_642, %swap3A_643] {strides = array<i32>} : memref<64x512xf32, #tpu.memory_space<vmem>>, vector<16xf32>,
      tpu.vector_store %arg7[%swap3A_642, %swap3A_643], %gather3A {strides = array<i32>} : memref<64x512xf32, #tpu.memory_space<vmem>>, vector<16xf32>,
      %swap3A_645 = arith.index_cast %scan3A_631 : i32 to index
      %swap3A_646 = arith.constant 64 : index
      %swap3A_647 = tpu.vector_load %arg7[%swap3A_645, %swap3A_646] {strides = array<i32>} : memref<64x512xf32, #tpu.memory_space<vmem>>, vector<16xf32>,
      tpu.vector_store %arg7[%swap3A_645, %swap3A_646], %gather3A {strides = array<i32>} : memref<64x512xf32, #tpu.memory_space<vmem>>, vector<16xf32>,
      %swap3A_648 = arith.index_cast %scan3A_631 : i32 to index
      %swap3A_649 = arith.constant 80 : index
      %swap3A_650 = tpu.vector_load %arg7[%swap3A_648, %swap3A_649] {strides = array<i32>} : memref<64x512xf32, #tpu.memory_space<vmem>>, vector<16xf32>,
      tpu.vector_store %arg7[%swap3A_648, %swap3A_649], %gather3A {strides = array<i32>} : memref<64x512xf32, #tpu.memory_space<vmem>>, vector<16xf32>,
      %swap3A_651 = arith.index_cast %scan3A_631 : i32 to index
      %swap3A_652 = arith.constant 96 : index
      %swap3A_653 = tpu.vector_load %arg7[%swap3A_651, %swap3A_652] {strides = array<i32>} : memref<64x512xf32, #tpu.memory_space<vmem>>, vector<16xf32>,
      tpu.vector_store %arg7[%swap3A_651, %swap3A_652], %gather3A {strides = array<i32>} : memref<64x512xf32, #tpu.memory_space<vmem>>, vector<16xf32>,
      %swap3A_654 = arith.index_cast %scan3A_631 : i32 to index
      %swap3A_655 = arith.constant 112 : index
      %swap3A_656 = tpu.vector_load %arg7[%swap3A_654, %swap3A_655] {strides = array<i32>} : memref<64x512xf32, #tpu.memory_space<vmem>>, vector<16xf32>,
      tpu.vector_store %arg7[%swap3A_654, %swap3A_655], %gather3A {strides = array<i32>} : memref<64x512xf32, #tpu.memory_space<vmem>>, vector<16xf32>,
      %swap3A_657 = arith.index_cast %scan3A_631 : i32 to index
      %swap3A_658 = arith.constant 128 : index
      %swap3A_659 = tpu.vector_load %arg7[%swap3A_657, %swap3A_658] {strides = array<i32>} : memref<64x512xf32, #tpu.memory_space<vmem>>, vector<16xf32>,
      tpu.vector_store %arg7[%swap3A_657, %swap3A_658], %gather3A {strides = array<i32>} : memref<64x512xf32, #tpu.memory_space<vmem>>, vector<16xf32>,
      %swap3A_660 = arith.index_cast %scan3A_631 : i32 to index
      %swap3A_661 = arith.constant 144 : index
      %swap3A_662 = tpu.vector_load %arg7[%swap3A_660, %swap3A_661] {strides = array<i32>} : memref<64x512xf32, #tpu.memory_space<vmem>>, vector<16xf32>,
      tpu.vector_store %arg7[%swap3A_660, %swap3A_661], %gather3A {strides = array<i32>} : memref<64x512xf32, #tpu.memory_space<vmem>>, vector<16xf32>,
      %swap3A_663 = arith.index_cast %scan3A_631 : i32 to index
      %swap3A_664 = arith.constant 160 : index
      %swap3A_665 = tpu.vector_load %arg7[%swap3A_663, %swap3A_664] {strides = array<i32>} : memref<64x512xf32, #tpu.memory_space<vmem>>, vector<16xf32>,
      tpu.vector_store %arg7[%swap3A_663, %swap3A_664], %gather3A {strides = array<i32>} : memref<64x512xf32, #tpu.memory_space<vmem>>, vector<16xf32>,
      %swap3A_666 = arith.index_cast %scan3A_631 : i32 to index
      %swap3A_667 = arith.constant 176 : index
      %swap3A_668 = tpu.vector_load %arg7[%swap3A_666, %swap3A_667] {strides = array<i32>} : memref<64x512xf32, #tpu.memory_space<vmem>>, vector<16xf32>,
      tpu.vector_store %arg7[%swap3A_666, %swap3A_667], %gather3A {strides = array<i32>} : memref<64x512xf32, #tpu.memory_space<vmem>>, vector<16xf32>,
      %swap3A_669 = arith.index_cast %scan3A_631 : i32 to index
      %swap3A_670 = arith.constant 192 : index
      %swap3A_671 = tpu.vector_load %arg7[%swap3A_669, %swap3A_670] {strides = array<i32>} : memref<64x512xf32, #tpu.memory_space<vmem>>, vector<16xf32>,
      tpu.vector_store %arg7[%swap3A_669, %swap3A_670], %gather3A {strides = array<i32>} : memref<64x512xf32, #tpu.memory_space<vmem>>, vector<16xf32>,
      %swap3A_672 = arith.index_cast %scan3A_631 : i32 to index
      %swap3A_673 = arith.constant 208 : index
      %swap3A_674 = tpu.vector_load %arg7[%swap3A_672, %swap3A_673] {strides = array<i32>} : memref<64x512xf32, #tpu.memory_space<vmem>>, vector<16xf32>,
      tpu.vector_store %arg7[%swap3A_672, %swap3A_673], %gather3A {strides = array<i32>} : memref<64x512xf32, #tpu.memory_space<vmem>>, vector<16xf32>,
      %swap3A_675 = arith.index_cast %scan3A_631 : i32 to index
      %swap3A_676 = arith.constant 224 : index
      %swap3A_677 = tpu.vector_load %arg7[%swap3A_675, %swap3A_676] {strides = array<i32>} : memref<64x512xf32, #tpu.memory_space<vmem>>, vector<16xf32>,
      tpu.vector_store %arg7[%swap3A_675, %swap3A_676], %gather3A {strides = array<i32>} : memref<64x512xf32, #tpu.memory_space<vmem>>, vector<16xf32>,
      %swap3A_678 = arith.index_cast %scan3A_631 : i32 to index
      %swap3A_679 = arith.constant 240 : index
      %swap3A_680 = tpu.vector_load %arg7[%swap3A_678, %swap3A_679] {strides = array<i32>} : memref<64x512xf32, #tpu.memory_space<vmem>>, vector<16xf32>,
      tpu.vector_store %arg7[%swap3A_678, %swap3A_679], %gather3A {strides = array<i32>} : memref<64x512xf32, #tpu.memory_space<vmem>>, vector<16xf32>,
      %swap3A_681 = arith.index_cast %scan3A_631 : i32 to index
      %swap3A_682 = arith.constant 256 : index
      %swap3A_683 = tpu.vector_load %arg7[%swap3A_681, %swap3A_682] {strides = array<i32>} : memref<64x512xf32, #tpu.memory_space<vmem>>, vector<16xf32>,
      tpu.vector_store %arg7[%swap3A_681, %swap3A_682], %gather3A {strides = array<i32>} : memref<64x512xf32, #tpu.memory_space<vmem>>, vector<16xf32>,
      %swap3A_684 = arith.index_cast %scan3A_631 : i32 to index
      %swap3A_685 = arith.constant 272 : index
      %swap3A_686 = tpu.vector_load %arg7[%swap3A_684, %swap3A_685] {strides = array<i32>} : memref<64x512xf32, #tpu.memory_space<vmem>>, vector<16xf32>,
      tpu.vector_store %arg7[%swap3A_684, %swap3A_685], %gather3A {strides = array<i32>} : memref<64x512xf32, #tpu.memory_space<vmem>>, vector<16xf32>,
      %swap3A_687 = arith.index_cast %scan3A_631 : i32 to index
      %swap3A_688 = arith.constant 288 : index
      %swap3A_689 = tpu.vector_load %arg7[%swap3A_687, %swap3A_688] {strides = array<i32>} : memref<64x512xf32, #tpu.memory_space<vmem>>, vector<16xf32>,
      tpu.vector_store %arg7[%swap3A_687, %swap3A_688], %gather3A {strides = array<i32>} : memref<64x512xf32, #tpu.memory_space<vmem>>, vector<16xf32>,
      %swap3A_690 = arith.index_cast %scan3A_631 : i32 to index
      %swap3A_691 = arith.constant 304 : index
      %swap3A_692 = tpu.vector_load %arg7[%swap3A_690, %swap3A_691] {strides = array<i32>} : memref<64x512xf32, #tpu.memory_space<vmem>>, vector<16xf32>,
      tpu.vector_store %arg7[%swap3A_690, %swap3A_691], %gather3A {strides = array<i32>} : memref<64x512xf32, #tpu.memory_space<vmem>>, vector<16xf32>,
      %swap3A_693 = arith.index_cast %scan3A_631 : i32 to index
      %swap3A_694 = arith.constant 320 : index
      %swap3A_695 = tpu.vector_load %arg7[%swap3A_693, %swap3A_694] {strides = array<i32>} : memref<64x512xf32, #tpu.memory_space<vmem>>, vector<16xf32>,
      tpu.vector_store %arg7[%swap3A_693, %swap3A_694], %gather3A {strides = array<i32>} : memref<64x512xf32, #tpu.memory_space<vmem>>, vector<16xf32>,
      %swap3A_696 = arith.index_cast %scan3A_631 : i32 to index
      %swap3A_697 = arith.constant 336 : index
      %swap3A_698 = tpu.vector_load %arg7[%swap3A_696, %swap3A_697] {strides = array<i32>} : memref<64x512xf32, #tpu.memory_space<vmem>>, vector<16xf32>,
      tpu.vector_store %arg7[%swap3A_696, %swap3A_697], %gather3A {strides = array<i32>} : memref<64x512xf32, #tpu.memory_space<vmem>>, vector<16xf32>,
      %swap3A_699 = arith.index_cast %scan3A_631 : i32 to index
      %swap3A_700 = arith.constant 352 : index
      %swap3A_701 = tpu.vector_load %arg7[%swap3A_699, %swap3A_700] {strides = array<i32>} : memref<64x512xf32, #tpu.memory_space<vmem>>, vector<16xf32>,
      tpu.vector_store %arg7[%swap3A_699, %swap3A_700], %gather3A {strides = array<i32>} : memref<64x512xf32, #tpu.memory_space<vmem>>, vector<16xf32>,
      %swap3A_702 = arith.index_cast %scan3A_631 : i32 to index
      %swap3A_703 = arith.constant 368 : index
      %swap3A_704 = tpu.vector_load %arg7[%swap3A_702, %swap3A_703] {strides = array<i32>} : memref<64x512xf32, #tpu.memory_space<vmem>>, vector<16xf32>,
      tpu.vector_store %arg7[%swap3A_702, %swap3A_703], %gather3A {strides = array<i32>} : memref<64x512xf32, #tpu.memory_space<vmem>>, vector<16xf32>,
      %swap3A_705 = arith.index_cast %scan3A_631 : i32 to index
      %swap3A_706 = arith.constant 384 : index
      %swap3A_707 = tpu.vector_load %arg7[%swap3A_705, %swap3A_706] {strides = array<i32>} : memref<64x512xf32, #tpu.memory_space<vmem>>, vector<16xf32>,
      tpu.vector_store %arg7[%swap3A_705, %swap3A_706], %gather3A {strides = array<i32>} : memref<64x512xf32, #tpu.memory_space<vmem>>, vector<16xf32>,
      %swap3A_708 = arith.index_cast %scan3A_631 : i32 to index
      %swap3A_709 = arith.constant 400 : index
      %swap3A_710 = tpu.vector_load %arg7[%swap3A_708, %swap3A_709] {strides = array<i32>} : memref<64x512xf32, #tpu.memory_space<vmem>>, vector<16xf32>,
      tpu.vector_store %arg7[%swap3A_708, %swap3A_709], %gather3A {strides = array<i32>} : memref<64x512xf32, #tpu.memory_space<vmem>>, vector<16xf32>,
      %swap3A_711 = arith.index_cast %scan3A_631 : i32 to index
      %swap3A_712 = arith.constant 416 : index
      %swap3A_713 = tpu.vector_load %arg7[%swap3A_711, %swap3A_712] {strides = array<i32>} : memref<64x512xf32, #tpu.memory_space<vmem>>, vector<16xf32>,
      tpu.vector_store %arg7[%swap3A_711, %swap3A_712], %gather3A {strides = array<i32>} : memref<64x512xf32, #tpu.memory_space<vmem>>, vector<16xf32>,
      %swap3A_714 = arith.index_cast %scan3A_631 : i32 to index
      %swap3A_715 = arith.constant 432 : index
      %swap3A_716 = tpu.vector_load %arg7[%swap3A_714, %swap3A_715] {strides = array<i32>} : memref<64x512xf32, #tpu.memory_space<vmem>>, vector<16xf32>,
      tpu.vector_store %arg7[%swap3A_714, %swap3A_715], %gather3A {strides = array<i32>} : memref<64x512xf32, #tpu.memory_space<vmem>>, vector<16xf32>,
      %swap3A_717 = arith.index_cast %scan3A_631 : i32 to index
      %swap3A_718 = arith.constant 448 : index
      %swap3A_719 = tpu.vector_load %arg7[%swap3A_717, %swap3A_718] {strides = array<i32>} : memref<64x512xf32, #tpu.memory_space<vmem>>, vector<16xf32>,
      tpu.vector_store %arg7[%swap3A_717, %swap3A_718], %gather3A {strides = array<i32>} : memref<64x512xf32, #tpu.memory_space<vmem>>, vector<16xf32>,
      %swap3A_720 = arith.index_cast %scan3A_631 : i32 to index
      %swap3A_721 = arith.constant 464 : index
      %swap3A_722 = tpu.vector_load %arg7[%swap3A_720, %swap3A_721] {strides = array<i32>} : memref<64x512xf32, #tpu.memory_space<vmem>>, vector<16xf32>,
      tpu.vector_store %arg7[%swap3A_720, %swap3A_721], %gather3A {strides = array<i32>} : memref<64x512xf32, #tpu.memory_space<vmem>>, vector<16xf32>,
      %swap3A_723 = arith.index_cast %scan3A_631 : i32 to index
      %swap3A_724 = arith.constant 480 : index
      %swap3A_725 = tpu.vector_load %arg7[%swap3A_723, %swap3A_724] {strides = array<i32>} : memref<64x512xf32, #tpu.memory_space<vmem>>, vector<16xf32>,
      tpu.vector_store %arg7[%swap3A_723, %swap3A_724], %gather3A {strides = array<i32>} : memref<64x512xf32, #tpu.memory_space<vmem>>, vector<16xf32>,
      %swap3A_726 = arith.index_cast %scan3A_631 : i32 to index
      %swap3A_727 = arith.constant 496 : index
      %swap3A_728 = tpu.vector_load %arg7[%swap3A_726, %swap3A_727] {strides = array<i32>} : memref<64x512xf32, #tpu.memory_space<vmem>>, vector<16xf32>,
      tpu.vector_store %arg7[%swap3A_726, %swap3A_727], %gather3A {strides = array<i32>} : memref<64x512xf32, #tpu.memory_space<vmem>>, vector<16xf32>,
    }
    %scan3A_489 = arith.constant 64 : i32
    %add3A_490 = arith.constant 7 : i32
    %add3A_491 = arith.addi %mul3A_2, %add3A_490 : i32
    %dma_start3A_492 = arith.constant 0 : i32
    %dma_start3A_493 = arith.constant 0 : i32
    %dma_start3A_494 = tpu.memref_slice %arg3[%add3A_491, %dma_start3A_492, %dma_start3A_493] : memref<257x64x2048xf32, #tpu.memory_space<hbm>> -> memref<1x64x512xf32, #tpu.memory_space<hbm>>
    %dma_start3A_495 = tpu.memref_squeeze %dma_start3A_494 : memref<1x64x512xf32, #tpu.memory_space<hbm>> -> memref<64x512xf32, #tpu.memory_space<hbm>>
    %dma_start3A_496 = arith.constant 0 : i32
    %dma_start3A_497 = arith.constant 0 : i32
    %dma_start3A_498 = tpu.memref_slice %arg3[%add3A_491, %dma_start3A_496, %dma_start3A_497] : memref<257x64x2048xf32, #tpu.memory_space<hbm>> -> memref<1x64x512xf32, #tpu.memory_space<hbm>>
    %dma_start3A_499 = tpu.memref_squeeze %dma_start3A_498 : memref<1x64x512xf32, #tpu.memory_space<hbm>> -> memref<64x512xf32, #tpu.memory_space<hbm>>
    tpu.enqueue_dma source(%arg7 : memref<64x512xf32, #tpu.memory_space<vmem>>) target(%dma_start3A_499 : memref<64x512xf32, #tpu.memory_space<hbm>>) target_semaphore(%arg11 : memref<!tpu.dma_semaphore, #tpu.memory_space<semaphore_mem>>)
    %add3A_500 = arith.constant 7 : i32
    %add3A_501 = arith.addi %mul3A_2, %add3A_500 : i32
    %dma_start3A_502 = arith.constant 0 : i32
    %dma_start3A_503 = arith.constant 512 : i32
    %dma_start3A_504 = tpu.memref_slice %arg3[%add3A_501, %dma_start3A_502, %dma_start3A_503] : memref<257x64x2048xf32, #tpu.memory_space<hbm>> -> memref<1x64x512xf32, #tpu.memory_space<hbm>>
    %dma_start3A_505 = tpu.memref_squeeze %dma_start3A_504 : memref<1x64x512xf32, #tpu.memory_space<hbm>> -> memref<64x512xf32, #tpu.memory_space<hbm>>
    %dma_start3A_506 = arith.constant 0 : i32
    %dma_start3A_507 = arith.constant 512 : i32
    %dma_start3A_508 = tpu.memref_slice %arg3[%add3A_501, %dma_start3A_506, %dma_start3A_507] : memref<257x64x2048xf32, #tpu.memory_space<hbm>> -> memref<1x64x512xf32, #tpu.memory_space<hbm>>
    %dma_start3A_509 = tpu.memref_squeeze %dma_start3A_508 : memref<1x64x512xf32, #tpu.memory_space<hbm>> -> memref<64x512xf32, #tpu.memory_space<hbm>>
    tpu.enqueue_dma source(%arg7 : memref<64x512xf32, #tpu.memory_space<vmem>>) target(%dma_start3A_509 : memref<64x512xf32, #tpu.memory_space<hbm>>) target_semaphore(%arg11 : memref<!tpu.dma_semaphore, #tpu.memory_space<semaphore_mem>>)
    %add3A_510 = arith.constant 7 : i32
    %add3A_511 = arith.addi %mul3A_2, %add3A_510 : i32
    %dma_start3A_512 = arith.constant 0 : i32
    %dma_start3A_513 = arith.constant 1024 : i32
    %dma_start3A_514 = tpu.memref_slice %arg3[%add3A_511, %dma_start3A_512, %dma_start3A_513] : memref<257x64x2048xf32, #tpu.memory_space<hbm>> -> memref<1x64x512xf32, #tpu.memory_space<hbm>>
    %dma_start3A_515 = tpu.memref_squeeze %dma_start3A_514 : memref<1x64x512xf32, #tpu.memory_space<hbm>> -> memref<64x512xf32, #tpu.memory_space<hbm>>
    %dma_start3A_516 = arith.constant 0 : i32
    %dma_start3A_517 = arith.constant 1024 : i32
    %dma_start3A_518 = tpu.memref_slice %arg3[%add3A_511, %dma_start3A_516, %dma_start3A_517] : memref<257x64x2048xf32, #tpu.memory_space<hbm>> -> memref<1x64x512xf32, #tpu.memory_space<hbm>>
    %dma_start3A_519 = tpu.memref_squeeze %dma_start3A_518 : memref<1x64x512xf32, #tpu.memory_space<hbm>> -> memref<64x512xf32, #tpu.memory_space<hbm>>
    tpu.enqueue_dma source(%arg7 : memref<64x512xf32, #tpu.memory_space<vmem>>) target(%dma_start3A_519 : memref<64x512xf32, #tpu.memory_space<hbm>>) target_semaphore(%arg11 : memref<!tpu.dma_semaphore, #tpu.memory_space<semaphore_mem>>)
    %add3A_520 = arith.constant 7 : i32
    %add3A_521 = arith.addi %mul3A_2, %add3A_520 : i32
    %dma_start3A_522 = arith.constant 0 : i32
    %dma_start3A_523 = arith.constant 1536 : i32
    %dma_start3A_524 = tpu.memref_slice %arg3[%add3A_521, %dma_start3A_522, %dma_start3A_523] : memref<257x64x2048xf32, #tpu.memory_space<hbm>> -> memref<1x64x512xf32, #tpu.memory_space<hbm>>
    %dma_start3A_525 = tpu.memref_squeeze %dma_start3A_524 : memref<1x64x512xf32, #tpu.memory_space<hbm>> -> memref<64x512xf32, #tpu.memory_space<hbm>>
    %dma_start3A_526 = arith.constant 0 : i32
    %dma_start3A_527 = arith.constant 1536 : i32
    %dma_start3A_528 = tpu.memref_slice %arg3[%add3A_521, %dma_start3A_526, %dma_start3A_527] : memref<257x64x2048xf32, #tpu.memory_space<hbm>> -> memref<1x64x512xf32, #tpu.memory_space<hbm>>
    %dma_start3A_529 = tpu.memref_squeeze %dma_start3A_528 : memref<1x64x512xf32, #tpu.memory_space<hbm>> -> memref<64x512xf32, #tpu.memory_space<hbm>>
    tpu.enqueue_dma source(%arg7 : memref<64x512xf32, #tpu.memory_space<vmem>>) target(%dma_start3A_529 : memref<64x512xf32, #tpu.memory_space<hbm>>) target_semaphore(%arg11 : memref<!tpu.dma_semaphore, #tpu.memory_space<semaphore_mem>>)
    %dma_wait3A_530 = arith.constant 0 : i32
    %dma_wait3A_531 = arith.constant 0 : i32
    %dma_wait3A_532 = tpu.memref_slice %arg3[%add3A_413, %dma_wait3A_530, %dma_wait3A_531] : memref<257x64x2048xf32, #tpu.memory_space<hbm>> -> memref<1x64x512xf32, #tpu.memory_space<hbm>>
    %dma_wait3A_533 = tpu.memref_squeeze %dma_wait3A_532 : memref<1x64x512xf32, #tpu.memory_space<hbm>> -> memref<64x512xf32, #tpu.memory_space<hbm>>
    %dma_wait3A_534 = arith.constant 0 : i32
    %dma_wait3A_535 = arith.constant 0 : i32
    %dma_wait3A_536 = tpu.memref_slice %arg3[%add3A_413, %dma_wait3A_534, %dma_wait3A_535] : memref<257x64x2048xf32, #tpu.memory_space<hbm>> -> memref<1x64x512xf32, #tpu.memory_space<hbm>>
    %dma_wait3A_537 = tpu.memref_squeeze %dma_wait3A_536 : memref<1x64x512xf32, #tpu.memory_space<hbm>> -> memref<64x512xf32, #tpu.memory_space<hbm>>
    tpu.wait_dma2 semaphore(%arg10 : memref<!tpu.dma_semaphore, #tpu.memory_space<semaphore_mem>>) src(%arg6 : memref<64x512xf32, #tpu.memory_space<vmem>>) dst(%dma_wait3A_537 : memref<64x512xf32, #tpu.memory_space<hbm>>)
    %dma_wait3A_538 = arith.constant 0 : i32
    %dma_wait3A_539 = arith.constant 512 : i32
    %dma_wait3A_540 = tpu.memref_slice %arg3[%add3A_423, %dma_wait3A_538, %dma_wait3A_539] : memref<257x64x2048xf32, #tpu.memory_space<hbm>> -> memref<1x64x512xf32, #tpu.memory_space<hbm>>
    %dma_wait3A_541 = tpu.memref_squeeze %dma_wait3A_540 : memref<1x64x512xf32, #tpu.memory_space<hbm>> -> memref<64x512xf32, #tpu.memory_space<hbm>>
    %dma_wait3A_542 = arith.constant 0 : i32
    %dma_wait3A_543 = arith.constant 512 : i32
    %dma_wait3A_544 = tpu.memref_slice %arg3[%add3A_423, %dma_wait3A_542, %dma_wait3A_543] : memref<257x64x2048xf32, #tpu.memory_space<hbm>> -> memref<1x64x512xf32, #tpu.memory_space<hbm>>
    %dma_wait3A_545 = tpu.memref_squeeze %dma_wait3A_544 : memref<1x64x512xf32, #tpu.memory_space<hbm>> -> memref<64x512xf32, #tpu.memory_space<hbm>>
    tpu.wait_dma2 semaphore(%arg10 : memref<!tpu.dma_semaphore, #tpu.memory_space<semaphore_mem>>) src(%arg6 : memref<64x512xf32, #tpu.memory_space<vmem>>) dst(%dma_wait3A_545 : memref<64x512xf32, #tpu.memory_space<hbm>>)
    %dma_wait3A_546 = arith.constant 0 : i32
    %dma_wait3A_547 = arith.constant 1024 : i32
    %dma_wait3A_548 = tpu.memref_slice %arg3[%add3A_433, %dma_wait3A_546, %dma_wait3A_547] : memref<257x64x2048xf32, #tpu.memory_space<hbm>> -> memref<1x64x512xf32, #tpu.memory_space<hbm>>
    %dma_wait3A_549 = tpu.memref_squeeze %dma_wait3A_548 : memref<1x64x512xf32, #tpu.memory_space<hbm>> -> memref<64x512xf32, #tpu.memory_space<hbm>>
    %dma_wait3A_550 = arith.constant 0 : i32
    %dma_wait3A_551 = arith.constant 1024 : i32
    %dma_wait3A_552 = tpu.memref_slice %arg3[%add3A_433, %dma_wait3A_550, %dma_wait3A_551] : memref<257x64x2048xf32, #tpu.memory_space<hbm>> -> memref<1x64x512xf32, #tpu.memory_space<hbm>>
    %dma_wait3A_553 = tpu.memref_squeeze %dma_wait3A_552 : memref<1x64x512xf32, #tpu.memory_space<hbm>> -> memref<64x512xf32, #tpu.memory_space<hbm>>
    tpu.wait_dma2 semaphore(%arg10 : memref<!tpu.dma_semaphore, #tpu.memory_space<semaphore_mem>>) src(%arg6 : memref<64x512xf32, #tpu.memory_space<vmem>>) dst(%dma_wait3A_553 : memref<64x512xf32, #tpu.memory_space<hbm>>)
    %dma_wait3A_554 = arith.constant 0 : i32
    %dma_wait3A_555 = arith.constant 1536 : i32
    %dma_wait3A_556 = tpu.memref_slice %arg3[%add3A_443, %dma_wait3A_554, %dma_wait3A_555] : memref<257x64x2048xf32, #tpu.memory_space<hbm>> -> memref<1x64x512xf32, #tpu.memory_space<hbm>>
    %dma_wait3A_557 = tpu.memref_squeeze %dma_wait3A_556 : memref<1x64x512xf32, #tpu.memory_space<hbm>> -> memref<64x512xf32, #tpu.memory_space<hbm>>
    %dma_wait3A_558 = arith.constant 0 : i32
    %dma_wait3A_559 = arith.constant 1536 : i32
    %dma_wait3A_560 = tpu.memref_slice %arg3[%add3A_443, %dma_wait3A_558, %dma_wait3A_559] : memref<257x64x2048xf32, #tpu.memory_space<hbm>> -> memref<1x64x512xf32, #tpu.memory_space<hbm>>
    %dma_wait3A_561 = tpu.memref_squeeze %dma_wait3A_560 : memref<1x64x512xf32, #tpu.memory_space<hbm>> -> memref<64x512xf32, #tpu.memory_space<hbm>>
    tpu.wait_dma2 semaphore(%arg10 : memref<!tpu.dma_semaphore, #tpu.memory_space<semaphore_mem>>) src(%arg6 : memref<64x512xf32, #tpu.memory_space<vmem>>) dst(%dma_wait3A_561 : memref<64x512xf32, #tpu.memory_space<hbm>>)
    %dma_wait3A_562 = arith.constant 0 : i32
    %dma_wait3A_563 = arith.constant 0 : i32
    %dma_wait3A_564 = tpu.memref_slice %arg3[%add3A_491, %dma_wait3A_562, %dma_wait3A_563] : memref<257x64x2048xf32, #tpu.memory_space<hbm>> -> memref<1x64x512xf32, #tpu.memory_space<hbm>>
    %dma_wait3A_565 = tpu.memref_squeeze %dma_wait3A_564 : memref<1x64x512xf32, #tpu.memory_space<hbm>> -> memref<64x512xf32, #tpu.memory_space<hbm>>
    %dma_wait3A_566 = arith.constant 0 : i32
    %dma_wait3A_567 = arith.constant 0 : i32
    %dma_wait3A_568 = tpu.memref_slice %arg3[%add3A_491, %dma_wait3A_566, %dma_wait3A_567] : memref<257x64x2048xf32, #tpu.memory_space<hbm>> -> memref<1x64x512xf32, #tpu.memory_space<hbm>>
    %dma_wait3A_569 = tpu.memref_squeeze %dma_wait3A_568 : memref<1x64x512xf32, #tpu.memory_space<hbm>> -> memref<64x512xf32, #tpu.memory_space<hbm>>
    tpu.wait_dma2 semaphore(%arg11 : memref<!tpu.dma_semaphore, #tpu.memory_space<semaphore_mem>>) src(%arg7 : memref<64x512xf32, #tpu.memory_space<vmem>>) dst(%dma_wait3A_569 : memref<64x512xf32, #tpu.memory_space<hbm>>)
    %dma_wait3A_570 = arith.constant 0 : i32
    %dma_wait3A_571 = arith.constant 512 : i32
    %dma_wait3A_572 = tpu.memref_slice %arg3[%add3A_501, %dma_wait3A_570, %dma_wait3A_571] : memref<257x64x2048xf32, #tpu.memory_space<hbm>> -> memref<1x64x512xf32, #tpu.memory_space<hbm>>
    %dma_wait3A_573 = tpu.memref_squeeze %dma_wait3A_572 : memref<1x64x512xf32, #tpu.memory_space<hbm>> -> memref<64x512xf32, #tpu.memory_space<hbm>>
    %dma_wait3A_574 = arith.constant 0 : i32
    %dma_wait3A_575 = arith.constant 512 : i32
    %dma_wait3A_576 = tpu.memref_slice %arg3[%add3A_501, %dma_wait3A_574, %dma_wait3A_575] : memref<257x64x2048xf32, #tpu.memory_space<hbm>> -> memref<1x64x512xf32, #tpu.memory_space<hbm>>
    %dma_wait3A_577 = tpu.memref_squeeze %dma_wait3A_576 : memref<1x64x512xf32, #tpu.memory_space<hbm>> -> memref<64x512xf32, #tpu.memory_space<hbm>>
    tpu.wait_dma2 semaphore(%arg11 : memref<!tpu.dma_semaphore, #tpu.memory_space<semaphore_mem>>) src(%arg7 : memref<64x512xf32, #tpu.memory_space<vmem>>) dst(%dma_wait3A_577 : memref<64x512xf32, #tpu.memory_space<hbm>>)
    %dma_wait3A_578 = arith.constant 0 : i32
    %dma_wait3A_579 = arith.constant 1024 : i32
    %dma_wait3A_580 = tpu.memref_slice %arg3[%add3A_511, %dma_wait3A_578, %dma_wait3A_579] : memref<257x64x2048xf32, #tpu.memory_space<hbm>> -> memref<1x64x512xf32, #tpu.memory_space<hbm>>
    %dma_wait3A_581 = tpu.memref_squeeze %dma_wait3A_580 : memref<1x64x512xf32, #tpu.memory_space<hbm>> -> memref<64x512xf32, #tpu.memory_space<hbm>>
    %dma_wait3A_582 = arith.constant 0 : i32
    %dma_wait3A_583 = arith.constant 1024 : i32
    %dma_wait3A_584 = tpu.memref_slice %arg3[%add3A_511, %dma_wait3A_582, %dma_wait3A_583] : memref<257x64x2048xf32, #tpu.memory_space<hbm>> -> memref<1x64x512xf32, #tpu.memory_space<hbm>>
    %dma_wait3A_585 = tpu.memref_squeeze %dma_wait3A_584 : memref<1x64x512xf32, #tpu.memory_space<hbm>> -> memref<64x512xf32, #tpu.memory_space<hbm>>
    tpu.wait_dma2 semaphore(%arg11 : memref<!tpu.dma_semaphore, #tpu.memory_space<semaphore_mem>>) src(%arg7 : memref<64x512xf32, #tpu.memory_space<vmem>>) dst(%dma_wait3A_585 : memref<64x512xf32, #tpu.memory_space<hbm>>)
    %dma_wait3A_586 = arith.constant 0 : i32
    %dma_wait3A_587 = arith.constant 1536 : i32
    %dma_wait3A_588 = tpu.memref_slice %arg3[%add3A_521, %dma_wait3A_586, %dma_wait3A_587] : memref<257x64x2048xf32, #tpu.memory_space<hbm>> -> memref<1x64x512xf32, #tpu.memory_space<hbm>>
    %dma_wait3A_589 = tpu.memref_squeeze %dma_wait3A_588 : memref<1x64x512xf32, #tpu.memory_space<hbm>> -> memref<64x512xf32, #tpu.memory_space<hbm>>
    %dma_wait3A_590 = arith.constant 0 : i32
    %dma_wait3A_591 = arith.constant 1536 : i32
    %dma_wait3A_592 = tpu.memref_slice %arg3[%add3A_521, %dma_wait3A_590, %dma_wait3A_591] : memref<257x64x2048xf32, #tpu.memory_space<hbm>> -> memref<1x64x512xf32, #tpu.memory_space<hbm>>
    %dma_wait3A_593 = tpu.memref_squeeze %dma_wait3A_592 : memref<1x64x512xf32, #tpu.memory_space<hbm>> -> memref<64x512xf32, #tpu.memory_space<hbm>>
    tpu.wait_dma2 semaphore(%arg11 : memref<!tpu.dma_semaphore, #tpu.memory_space<semaphore_mem>>) src(%arg7 : memref<64x512xf32, #tpu.memory_space<vmem>>) dst(%dma_wait3A_593 : memref<64x512xf32, #tpu.memory_space<hbm>>)
    %dma_wait3A_594 = arith.constant 0 : i32
    %dma_wait3A_595 = arith.constant 0 : i32
    %dma_wait3A_596 = tpu.memref_slice %arg3[%add3A_335, %dma_wait3A_594, %dma_wait3A_595] : memref<257x64x2048xf32, #tpu.memory_space<hbm>> -> memref<1x64x512xf32, #tpu.memory_space<hbm>>
    %dma_wait3A_597 = tpu.memref_squeeze %dma_wait3A_596 : memref<1x64x512xf32, #tpu.memory_space<hbm>> -> memref<64x512xf32, #tpu.memory_space<hbm>>
    %dma_wait3A_598 = arith.constant 0 : i32
    %dma_wait3A_599 = arith.constant 0 : i32
    %dma_wait3A_600 = tpu.memref_slice %arg3[%add3A_335, %dma_wait3A_598, %dma_wait3A_599] : memref<257x64x2048xf32, #tpu.memory_space<hbm>> -> memref<1x64x512xf32, #tpu.memory_space<hbm>>
    %dma_wait3A_601 = tpu.memref_squeeze %dma_wait3A_600 : memref<1x64x512xf32, #tpu.memory_space<hbm>> -> memref<64x512xf32, #tpu.memory_space<hbm>>
    tpu.wait_dma2 semaphore(%arg12 : memref<!tpu.dma_semaphore, #tpu.memory_space<semaphore_mem>>) src(%arg8 : memref<64x512xf32, #tpu.memory_space<vmem>>) dst(%dma_wait3A_601 : memref<64x512xf32, #tpu.memory_space<hbm>>)
    %dma_wait3A_602 = arith.constant 0 : i32
    %dma_wait3A_603 = arith.constant 512 : i32
    %dma_wait3A_604 = tpu.memref_slice %arg3[%add3A_345, %dma_wait3A_602, %dma_wait3A_603] : memref<257x64x2048xf32, #tpu.memory_space<hbm>> -> memref<1x64x512xf32, #tpu.memory_space<hbm>>
    %dma_wait3A_605 = tpu.memref_squeeze %dma_wait3A_604 : memref<1x64x512xf32, #tpu.memory_space<hbm>> -> memref<64x512xf32, #tpu.memory_space<hbm>>
    %dma_wait3A_606 = arith.constant 0 : i32
    %dma_wait3A_607 = arith.constant 512 : i32
    %dma_wait3A_608 = tpu.memref_slice %arg3[%add3A_345, %dma_wait3A_606, %dma_wait3A_607] : memref<257x64x2048xf32, #tpu.memory_space<hbm>> -> memref<1x64x512xf32, #tpu.memory_space<hbm>>
    %dma_wait3A_609 = tpu.memref_squeeze %dma_wait3A_608 : memref<1x64x512xf32, #tpu.memory_space<hbm>> -> memref<64x512xf32, #tpu.memory_space<hbm>>
    tpu.wait_dma2 semaphore(%arg12 : memref<!tpu.dma_semaphore, #tpu.memory_space<semaphore_mem>>) src(%arg8 : memref<64x512xf32, #tpu.memory_space<vmem>>) dst(%dma_wait3A_609 : memref<64x512xf32, #tpu.memory_space<hbm>>)
    %dma_wait3A_610 = arith.constant 0 : i32
    %dma_wait3A_611 = arith.constant 1024 : i32
    %dma_wait3A_612 = tpu.memref_slice %arg3[%add3A_355, %dma_wait3A_610, %dma_wait3A_611] : memref<257x64x2048xf32, #tpu.memory_space<hbm>> -> memref<1x64x512xf32, #tpu.memory_space<hbm>>
    %dma_wait3A_613 = tpu.memref_squeeze %dma_wait3A_612 : memref<1x64x512xf32, #tpu.memory_space<hbm>> -> memref<64x512xf32, #tpu.memory_space<hbm>>
    %dma_wait3A_614 = arith.constant 0 : i32
    %dma_wait3A_615 = arith.constant 1024 : i32
    %dma_wait3A_616 = tpu.memref_slice %arg3[%add3A_355, %dma_wait3A_614, %dma_wait3A_615] : memref<257x64x2048xf32, #tpu.memory_space<hbm>> -> memref<1x64x512xf32, #tpu.memory_space<hbm>>
    %dma_wait3A_617 = tpu.memref_squeeze %dma_wait3A_616 : memref<1x64x512xf32, #tpu.memory_space<hbm>> -> memref<64x512xf32, #tpu.memory_space<hbm>>
    tpu.wait_dma2 semaphore(%arg12 : memref<!tpu.dma_semaphore, #tpu.memory_space<semaphore_mem>>) src(%arg8 : memref<64x512xf32, #tpu.memory_space<vmem>>) dst(%dma_wait3A_617 : memref<64x512xf32, #tpu.memory_space<hbm>>)
    %dma_wait3A_618 = arith.constant 0 : i32
    %dma_wait3A_619 = arith.constant 1536 : i32
    %dma_wait3A_620 = tpu.memref_slice %arg3[%add3A_365, %dma_wait3A_618, %dma_wait3A_619] : memref<257x64x2048xf32, #tpu.memory_space<hbm>> -> memref<1x64x512xf32, #tpu.memory_space<hbm>>
    %dma_wait3A_621 = tpu.memref_squeeze %dma_wait3A_620 : memref<1x64x512xf32, #tpu.memory_space<hbm>> -> memref<64x512xf32, #tpu.memory_space<hbm>>
    %dma_wait3A_622 = arith.constant 0 : i32
    %dma_wait3A_623 = arith.constant 1536 : i32
    %dma_wait3A_624 = tpu.memref_slice %arg3[%add3A_365, %dma_wait3A_622, %dma_wait3A_623] : memref<257x64x2048xf32, #tpu.memory_space<hbm>> -> memref<1x64x512xf32, #tpu.memory_space<hbm>>
    %dma_wait3A_625 = tpu.memref_squeeze %dma_wait3A_624 : memref<1x64x512xf32, #tpu.memory_space<hbm>> -> memref<64x512xf32, #tpu.memory_space<hbm>>
    tpu.wait_dma2 semaphore(%arg12 : memref<!tpu.dma_semaphore, #tpu.memory_space<semaphore_mem>>) src(%arg8 : memref<64x512xf32, #tpu.memory_space<vmem>>) dst(%dma_wait3A_625 : memref<64x512xf32, #tpu.memory_space<hbm>>)
    %lt3A_626 = arith.constant 16 : i32
    %lt3A_627 = arith.cmpi slt, %add3A, %lt3A_626 : i32
    %convert_element_type3A_628 = arith.extui %lt3A_627 : i1 to i32
    %cond3A_629 = arith.constant 0 : i32
    %cond3A_630 = arith.cmpi ne, %convert_element_type3A_628, %cond3A_629 : i32
    scf.if %cond3A_630 {
      %mul3A_631 = arith.constant 128 : i32
      %mul3A_632 = arith.muli %add3A, %mul3A_631 : i32
      %dma_wait3A_633 = arith.constant 256 : i32
      %dma_wait3A_634 = arith.constant 0 : i32
      %dma_wait3A_635 = tpu.memref_slice %arg3[%dma_wait3A_633, %dma_wait3A_634, %mul3A_632] : memref<257x64x2048xf32, #tpu.memory_space<hbm>> -> memref<1x64x128xf32, #tpu.memory_space<hbm>>
      %dma_wait3A_636 = tpu.memref_squeeze %dma_wait3A_635 : memref<1x64x128xf32, #tpu.memory_space<hbm>> -> memref<64x128xf32, #tpu.memory_space<hbm>>
      %dma_wait3A_637 = arith.constant 0 : i32
      %dma_wait3A_638 = tpu.memref_slice %arg3[%dma_wait3A_633, %dma_wait3A_637, %mul3A_632] : memref<257x64x2048xf32, #tpu.memory_space<hbm>> -> memref<1x64x128xf32, #tpu.memory_space<hbm>>
      %dma_wait3A_639 = tpu.memref_squeeze %dma_wait3A_638 : memref<1x64x128xf32, #tpu.memory_space<hbm>> -> memref<64x128xf32, #tpu.memory_space<hbm>>
      tpu.wait_dma2 semaphore(%arg13 : memref<!tpu.dma_semaphore, #tpu.memory_space<semaphore_mem>>) src(%arg9 : memref<64x128xf32, #tpu.memory_space<vmem>>) dst(%dma_wait3A_639 : memref<64x128xf32, #tpu.memory_space<hbm>>)
    } else {
    }
    return
  }
}

</mosaic_0001>

<sc_bundles>
// kernel: kernel.3.cloned.1.call-start
scs
__scs_entry_jumppad:
0x0: {  	(pc) =	sbr.rel $0x88, $3  }
0x1: {  	(tag) =	ssettag $0x0;
	lr =	simm.s32 $0x1  }
0x2: {  	[smem:$0x3FA0] =	sst lr;
	_ =	strace $0xD0000000  }
0x3: {  	_ = 	snop  }
0x4: {  	_ = 	snop  }
0x5: {  	_ = 	snop  }
0x6: {  	_ = 	snop  }
0x7: {  	_ = 	snop  }
__scs_overlays_trampoline_lowered:
0x8: {  	[smem:$0x3FAF] =	sst s0  }
0x9: {  	[smem:$0x3FB0] =	sst s1  }
0xa: {  	[smem:$0x3FB1] =	sst s2  }
0xb: {  	[smem:$0x3FB2] =	sst s3  }
0xc: {  	[smem:$0x3FB3] =	sst s4  }
0xd: {  	[smem:$0x3FB4] =	sst s5  }
0xe: {  	[smem:$0x3FB5] =	sst s6  }
0xf: {  	[smem:$0x3FB6] =	sst s7  }
0x10: {  	[smem:$0x3FB7] =	sst s8  }
0x11: {  	[smem:$0x3FB8] =	sst s9;
	s0 =	simm.s32 @!p0 $0x0  }
0x12: {  	s1 =	sld [smem:$0x3F9E];
	s0 =	simm.s32 @p0 $0x1  }
0x13: {  	[smem:$0x3FB9] =	sst s0;
	s0 =	simm.s32 @!p1 $0x0  }
0x14: {  	s2 =	sld [smem:$0x3F9D];
	s0 =	simm.s32 @p1 $0x1  }
0x15: {  	[smem:$0x3FBA] =	sst s0;
	s0 =	simm.s32 @!p2 $0x0  }
0x16: {  	s3 =	sld [smem:$0x3FDB];
	s0 =	simm.s32 @p2 $0x1  }
0x17: {  	s4 =	simm.s32 $0x1BF5;
	[smem:$0x3FBC] =	sst s0  }
0x18: {  	s0 =	sld [smem:$0x3F9F];
	_ =	swait.ge [sflag:s4], $0x0  }
0x19: {  	s7 =	sld [smem:$0x3FA0]  }
0x1a: {  	s8 =	sadd.s32 $0xFFFFE003, lr  }
0x1b: {  	s9 =	sadd.s32 $0xFFFFFEF7, lr;
	s5 =	simm.s32 $0xFFFFFFFF;
	p2 =	slt.u32 s8, $0xFFFFF086  }
0x1c: {  	p1 =	slt.u32 s9, $0xF7A;
	s5 =	simm.s32 @!p2 $0x0  }
0x1d: {  	s5 =	simm.s32 @p1 $0x1;
	p0 =	seq.s32 s7, s2  }
0x1e: {  	s7 =	smul.u32 @!p0 $0xF7A, s2;
	p2 =	seq.s32 @!p0 s5, $0x0  }
0x1f: {  	s9 =	smul.u32 $0xF7A, s1;
	s8 =	simm.s32 @!p0 $0x1BF5;
	p2 =	por !p2, p0  }
0x20: {  	[sflag:s8] =	ssyncset.s32 @!p0 $0xFFFFF086;
	s6 =	sadd.s32 @!p0 s3, s7;
	s7 =	simm.s32 @!p0 $0x108  }
0x21: {  	s3 =	sadd.s32 s3, s9;
	s6 =	sadd.s32 @!p0 $0x88, s6;
	s7 =	simm.s32 @p2 $0x1082  }
0x22: {  	[simem:s7], [sflag:s8] =	dma.local @!p0 [hbm:s6], $0xF7A  }
0x23: {  	s9 =	sor.u32 $0xD0000000, s2;
	s6 =	simm.s32 $0x108;
	_ =	swait.ge @!p0 [sflag:s8], $0x0  }
0x24: {  	s3 =	sadd.s32 $0x88, s3;
	s6 =	simm.s32 @!p1 $0x1082;
	[sflag:s4] =	ssyncset.s32 $0xFFFFF086  }
0x25: {  	[simem:s6], [sflag:s4] =	dma.local [hbm:s3], $0xF7A  }
0x26: {  	[smem:$0x3FA0] =	sst s1;
	(tag) =	ssettag s2;
	_ =	strace s9  }
0x27: {  	s1 =	sld [smem:$0x3FB0]  }
0x28: {  	s2 =	sld [smem:$0x3FB1]  }
0x29: {  	s4 =	sld [smem:$0x3FB3]  }
0x2a: {  	p0 =	seq.s32 s5, $0x0;
	s5 =	sld [smem:$0x3FB4]  }
0x2b: {  	s6 =	sld [smem:$0x3FB5]  }
0x2c: {  	s7 =	sld [smem:$0x3FB6]  }
0x2d: {  	s3 =	simm.s32 $0x108;
	s8 =	sld [smem:$0x3FB7]  }
0x2e: {  	s3 =	simm.s32 @!p0 $0x1082;
	s9 =	sld [smem:$0x3FB8]  }
0x2f: {  	lr =	sadd.s32 s0, s3;
	s0 =	sld [smem:$0x3FAF]  }
0x30: {  	s3 =	sld [smem:$0x3FB2]  }
0x31: {  	[smem:$0x3FBB] =	sst s10  }
0x32: {  	s10 =	sld [smem:$0x3FB9];
	_ =	sdelay $0x3  }
0x33: {  	p0 =	seq.s32 s10, $0x1;
	s10 =	sld [smem:$0x3FBB];
	_ =	sdelay $0x3  }
0x34: {  	[smem:$0x3FBB] =	sst s10  }
0x35: {  	s10 =	sld [smem:$0x3FBA];
	_ =	sdelay $0x3  }
0x36: {  	p1 =	seq.s32 s10, $0x1;
	s10 =	sld [smem:$0x3FBB];
	_ =	sdelay $0x3  }
0x37: {  	[smem:$0x3FBB] =	sst s10  }
0x38: {  	s10 =	sld [smem:$0x3FBC]  }
0x39: {  	_ = 	snop;
	(pc) =	sbr.ind lr, $3  }
0x3a: {  	_ = 	snop  }
0x3b: {  	_ = 	snop  }
0x3c: {  	p2 =	seq.s32 s10, $0x1;
	s10 =	sld [smem:$0x3FBB]  }
0x3d: {  	_ =	shalt  }
0x3e: {  	_ =	shalt  }
0x3f: {  	_ =	shalt  }
0x40: {  	_ =	shalt  }
0x41: {  	_ =	shalt  }
0x42: {  	_ =	shalt  }
0x43: {  	_ =	shalt  }
0x44: {  	_ =	shalt  }
0x45: {  	_ =	shalt  }
0x46: {  	_ =	shalt  }
0x47: {  	_ =	shalt  }
0x48: {  	_ =	shalt  }
0x49: {  	_ =	shalt  }
0x4a: {  	_ =	shalt  }
0x4b: {  	_ =	shalt  }
0x4c: {  	_ =	shalt  }
0x4d: {  	_ =	shalt  }
0x4e: {  	_ =	shalt  }
0x4f: {  	_ =	shalt  }
0x50: {  	_ =	shalt  }
0x51: {  	_ =	shalt  }
0x52: {  	_ =	shalt  }
0x53: {  	_ =	shalt  }
0x54: {  	_ =	shalt  }
0x55: {  	_ =	shalt  }
0x56: {  	_ =	shalt  }
0x57: {  	_ =	shalt  }
0x58: {  	_ =	shalt  }
0x59: {  	_ =	shalt  }
0x5a: {  	_ =	shalt  }
0x5b: {  	_ =	shalt  }
0x5c: {  	_ =	shalt  }
0x5d: {  	_ =	shalt  }
0x5e: {  	_ =	shalt  }
0x5f: {  	_ =	shalt  }
0x60: {  	_ =	shalt  }
0x61: {  	_ =	shalt  }
0x62: {  	_ =	shalt  }
0x63: {  	_ =	shalt  }
0x64: {  	_ =	shalt  }
0x65: {  	_ =	shalt  }
0x66: {  	_ =	shalt  }
0x67: {  	_ =	shalt  }
0x68: {  	_ =	shalt  }
0x69: {  	_ =	shalt  }
0x6a: {  	_ =	shalt  }
0x6b: {  	_ =	shalt  }
0x6c: {  	_ =	shalt  }
0x6d: {  	_ =	shalt  }
0x6e: {  	_ =	shalt  }
0x6f: {  	_ =	shalt  }
0x70: {  	_ =	shalt  }
0x71: {  	_ =	shalt  }
0x72: {  	_ =	shalt  }
0x73: {  	_ =	shalt  }
0x74: {  	_ =	shalt  }
0x75: {  	_ =	shalt  }
0x76: {  	_ =	shalt  }
0x77: {  	_ =	shalt  }
0x78: {  	_ =	shalt  }
0x79: {  	_ =	shalt  }
0x7a: {  	_ =	shalt  }
0x7b: {  	_ =	shalt  }
0x7c: {  	_ =	shalt  }
0x7d: {  	_ =	shalt  }
0x7e: {  	_ =	shalt  }
0x7f: {  	_ =	shalt  }
0x80: {  	_ =	shalt  }
0x81: {  	_ =	shalt  }
0x82: {  	_ =	shalt  }
0x83: {  	_ =	shalt  }
0x84: {  	_ =	shalt  }
0x85: {  	_ =	shalt  }
0x86: {  	_ =	shalt  }
0x87: {  	_ =	shalt  }
.Lfunc_end0:
.L_simem_size_0:
called_computation_lowered:
.L_overlay_start_0:
0x88: {  	s2 =	sld [smem:$0x3FD9]  }
0x89: {  	s3 =	sld [smem:$0x3FFE];
	_ =	sdelay $0x1  }
0x8a: {  	s1 =	srdreg.scid  }
0x8b: {  	s0 =	sand.u32 $0x1, s1  }
0x8c: {  	s17 =	sshll.u32 s0, $0xA;
	s2 =	sadd.s32 s3, s2  }
0x8d: {  	s2 =	sadd.s32 s2, s17  }
0x8e: {  	[smem:$0x3FC7] =	sst s2  }
0x8f: {  	_ = 	snop  }
0x90: {  	s2 =	sld [smem:$0x3FD0];
	(tm) =	ssettm $0x1  }
0x91: {  	s18 =	sld [smem:$0x3FFB];
	_ =	sdelay $0x3  }
0x92: {  	_ =	strace s18  }
0x93: {  	s3 =	sld [smem:$0x3FFC];
	_ =	sdelay $0x3  }
0x94: {  	_ =	strace s3  }
0x95: {  	s3 =	sld [smem:$0x3FFD];
	_ =	sdelay $0x3  }
0x96: {  	_ =	strace s3  }
0x97: {  	_ =	strace $0x8FFFFFFF  }
0x98: {  	s19 =	sld [smem:$0x3FDB];
	_ =	sdelay $0x1  }
0x99: {  	s4 =	simm.s32 $_scs_section_size  }
0x9a: {  	s5 =	simm.s32 $_size__tile_overlayer_lowered;
	s6 =	simm.s32 $_tile_overlayer_lowered  }
0x9b: {  	s22 =	simm.s32 $0x1BFF;
	s21 =	sshll.u32 s6, $0x1;
	s3 =	sadd.s32 s4, s19  }
0x9c: {  	s7 =	simm.s32 $0x0;
	s20 =	sshll.u32 s5, $0x1;
	s5 =	sadd.s32 s21, s3  }
0x9d: {  	[timem:s7], [sflag:s22] =	dma.local [hbm:s5], s20  }
0x9e: {  	_ =	swait.ge [sflag:s22], s20  }
0x9f: {  	s4 =	ssub.s32 $0x0, s20;
	[sflag:s22] =	ssyncset.done $0x0  }
0xa0: {  	[sflag:s22] =	ssyncadd.s32 s4;
	_ =	sdelay $0x1  }
0xa1: {  	s23 =	simm.s32 $0x1B8B  }
0xa2: {  	_ =	swait.ge [sflag:s23], $0x1  }
0xa3: {  	[sflag:s23] =	ssyncset.done $0x0  }
0xa4: {  	s25 =	simm.s32 $0x1B8E;
	s24 =	sld [smem:$0x3FFE];
	[sflag:s23] =	ssyncadd.s32 $0xFFFFFFFF  }
0xa5: {  	s26 =	simm.s32 $execute0_lowered;
	[smem:$0x3FD2] =	sst s25  }
0xa6: {  	s5 =	sshll.u32 s26, $0x1;
	_ =	strace $0x80000046;
	[dreg:$0x1] =	wrdreg $0xFFFFFFFF  }
0xa7: {  	s28 =	simm.s32 $_size_execute0_lowered;
	s3 =	sadd.s32 s3, s5;
	[dreg:$0x0] =	wrdreg $0x0  }
0xa8: {  	s5 =	sshll.u32 s28, $0x1;
	[dreg:$0x2] =	wrdreg s3  }
0xa9: {  	[dreg:$0x3] =	wrdreg s5  }
0xaa: {  	[dreg:$0x4] =	wrdreg $0xC0  }
0xab: {  	_ =	task [dreg:s7], $0x5FFFF  }
0xac: {  	[dreg:$0x1] =	wrdreg $0xFFFFFFFF  }
0xad: {  	[dreg:$0x0] =	wrdreg $0x60  }
0xae: {  	[dreg:$0x2] =	wrdreg s24  }
0xaf: {  	[dreg:$0x3] =	wrdreg s2  }
0xb0: {  	[dreg:$0x4] =	wrdreg $0x9  }
0xb1: {  	_ =	task.clear_ibuf [dreg:s7], $0x5FFFF;
	_ =	strace $0x90000046  }
0xb2: {  	s29 =	simm.s32 $0x9;
	_ =	strace $0x80000048  }
0xb3: {  	_ =	swait.ge [sflag:s29], $0x1  }
0xb4: {  	[sflag:s29] =	ssyncadd.s32 $0xFFFFFFFF  }
0xb5: {  	_ =	strace $0x90000048  }
0xb6: {  	_ =	sfence  }
0xb7: {  	s30 =	sld [smem:$0x0];
	_ =	sdelay $0x2  }
0xb8: {  	s31 =	sshll.u32 s1, $0xD;
	s1 =	sshrl.u32 s1, $0x2  }
0xb9: {  	s3 =	sand.u32 $0x4000, s31;
	s1 =	sadd.s32 s1, s30  }
0xba: {  	s0 =	sor.u32 s3, s0;
	s1 =	sshll.u32 s1, $0x11  }
0xbb: {  	s0 =	sor.u32 s1, s0  }
0xbc: {  	s0 =	sadd.s32 $0x8F2B, s0  }
0xbd: {  	[sflag:s0] =	ssyncadd.remote.s32 $0x1  }
0xbe: {  	_ =	sfence.sel $0xFFFF  }
0xbf: {  	[dreg:$0x0] =	wrdreg $0xFFFFFFFF;
	(pc) =	sbr.abs _section_cstart, $3  }
0xc0: {  	[dreg:$0x1] =	wrdreg $0xFFFFFFFF  }
0xc1: {  	_ =	task.clear_ibuf [dreg:s7], $0x2FFFF;
	_ =	strace $0x9FFFFFFF  }
0xc2: {  	(tm) =	ssettm $0x7FFFFFFF  }
0xc3: {  	_ =	shalt  }
tec
execute0_lowered:
.L_overlay_start_1:
0x0: {  	(tag) =	ssettag $0x1  }
0x1: {  	s0 =	rddreg [dreg:$0x0]  }
0x2: {  	s1 =	rddreg [dreg:$0x1]  }
0x3: {  	s2 =	srdreg.scid;
	s8 =	stileid.u32  }
0x4: {  	s3 =	sand.u32 $0x1, s2;
	s4 =	sshll.u32 s8, $0x1;
	s2 =	simm.s32 $0x0  }
0x5: {  	s4 =	sor.u32 s3, s4;
	s3 =	ssub.s32 $0x2, s3;
	[smem:$0x7FF] =	sst s2  }
0x6: {  	s5 =	sshll.u32 s4, $0x7;
	s6 =	sshrl.u32 s3, $0x1;
	_ =	strace $0x80000047  }
0x7: {  	s4 =	sshll.u32 s4, $0x11;
	s7 =	sadd.s32 s5, s0;
	s0 =	sadd.s32 $0x1400, s0  }
0x8: {  	s5 =	sadd.s32 s5, s1;
	s26 =	sadd.s32 $0x400, s7;
	[dreg:$0x4] =	wrdreg s0  }
0x9: {  	s3 =	ssub.s32 s3, s6;
	s6 =	sadd.s32 $0x400000, s5;
	[dreg:$0x3] =	wrdreg s26  }
0xa: {  	[dreg:$0x5] =	wrdreg s6;
	s6 =	sadd.s32 s1, s4;
	s26 =	smax.u32 s3, $0x1  }
0xb: {  	s7 =	sadd.s32 $0x200, s6;
	[dreg:$0x18] =	wrdreg s26  }
0xc: {  	s9 =	sadd.s32 $0x400, s6;
	[dreg:$0x6] =	wrdreg s7  }
0xd: {  	s10 =	sadd.s32 $0x600, s6;
	[dreg:$0x7] =	wrdreg s9  }
0xe: {  	s11 =	sadd.s32 $0x4000, s6;
	[dreg:$0x8] =	wrdreg s10  }
0xf: {  	s12 =	sadd.s32 $0x4200, s6;
	[dreg:$0x9] =	wrdreg s11  }
0x10: {  	s13 =	sadd.s32 $0x4400, s6;
	[dreg:$0xa] =	wrdreg s12  }
0x11: {  	s14 =	sadd.s32 $0x4600, s6;
	[dreg:$0xb] =	wrdreg s13  }
0x12: {  	p0 =	sgt.u32 s8, $0x7;
	s15 =	sadd.s32 $0x8000, s6;
	[dreg:$0xc] =	wrdreg s14  }
0x13: {  	s16 =	sadd.s32 $0x8200, s6;
	s17 =	sadd.s32 $0x8400, s6;
	[dreg:$0xd] =	wrdreg s15  }
0x14: {  	s18 =	sadd.s32 $0x8600, s6;
	s19 =	sadd.s32 $0xC000, s6;
	[dreg:$0xe] =	wrdreg s16  }
0x15: {  	s20 =	sadd.s32 $0xC200, s6;
	s21 =	sadd.s32 $0xC400, s6;
	[dreg:$0xf] =	wrdreg s17  }
0x16: {  	s22 =	sadd.s32 $0xC600, s6;
	s23 =	sadd.s32 $0x10000, s6;
	[dreg:$0x10] =	wrdreg s18  }
0x17: {  	s24 =	sadd.s32 $0x10200, s6;
	s25 =	sadd.s32 $0x10400, s6;
	[dreg:$0x11] =	wrdreg s19  }
0x18: {  	s26 =	sadd.s32 $0x10600, s6;
	s28 =	sadd.s32 $0x14000, s6;
	[dreg:$0x12] =	wrdreg s20  }
0x19: {  	s29 =	sadd.s32 $0x14200, s6;
	s30 =	sadd.s32 $0x14400, s6;
	[dreg:$0x13] =	wrdreg s21  }
0x1a: {  	s31 =	sadd.s32 $0x14600, s6;
	s0 =	sadd.s32 $0x18000, s6;
	[dreg:$0x14] =	wrdreg s22  }
0x1b: {  	s1 =	sadd.s32 $0x18200, s6;
	s4 =	sadd.s32 $0x18400, s6;
	[dreg:$0x15] =	wrdreg s23  }
0x1c: {  	s5 =	sadd.s32 $0x18600, s6;
	s3 =	sadd.s32 $0x1C000, s6;
	[dreg:$0x16] =	wrdreg s24  }
0x1d: {  	s8 =	sadd.s32 $0x1C400, s6;
	[dreg:$0x17] =	wrdreg s25;
	s7 =	sadd.s32 $0x1C200, s6  }
0x1e: {  	s9 =	sadd.s32 $0x1C600, s6;
	s10 =	simm.s32 $0x5;
	s11 =	simm.s32 $0x400  }
0x1f: {  	s12 =	simm.s32 $0x4000;
	s13 =	simm.s32 $0x1000;
	s14 =	simm.s32 $0x800  }
0x20: {  	s15 =	simm.s32 $0x8800;
	s16 =	simm.s32 $0x10800;
	s17 =	simm.s32 $0x1  }
0x21: {  	s18 =	simm.s32 $0x2;
	s19 =	simm.s32 $0x3;
	s20 =	simm.s32 $0x0  }
.LBB2_1:
.Ltmp0:
0x22: {  	s21 =	rddreg [dreg:$0x3];
	(pc) =	sbr.rel @p0 .LBB2_5-.Ltmp0, $4  }
0x23: {  	[tilespmem:s2], [sflag:$0x5] =	stream.linear.gather [hbm4b:s21+s2], $0x400, $0x38;
	[tilespmem:$0x1A800] =	vst v63  }
0x24: {  	_ =	swait.ge [sflag:s10], $0x400  }
0x25: {  	[sflag:s10] =	ssyncset.done $0x0  }
0x26: {  	[sflag:s10] =	ssyncadd.s32 $0xFFFFFC00  }
0x27: {  	s21 =	simm.s32 $0x0  }
0x28: {  	s22 =	rddreg [dreg:$0x4];
	v0 =	vmov s21  }
0x29: {  	[tilespmem:s11], [sflag:$0x5] =	stream.linear.gather [hbm4b:s22+s21], $0x400, $0x38;
	[tilespmem:$0x1A800] =	vst v63  }
0x2a: {  	_ =	swait.ge [sflag:s10], $0x400  }
0x2b: {  	[sflag:s10] =	ssyncset.done $0x0  }
0x2c: {  	[sflag:s10] =	ssyncadd.s32 $0xFFFFFC00  }
0x2d: {  	v0 =	vld.idx.msk [tilespmem:v0+s11+$0x0], $0xffff;
	_ =	sdelay $0x3  }
0x2e: {  	s21 =	simm.s32 $0x18840  }
0x2f: {  	[tilespmem:s21+$0xFFFFFFC0] =	vst v0  }
0x30: {  	[tilespmem:s21+$0xFFFFFFD0] =	vst v0  }
0x31: {  	s25 =	simm.s32 $0x1;
	[tilespmem:s21+$0xFFFFFFE0] =	vst v0  }
0x32: {  	v1 =	vmov s25;
	s22 =	simm.s32 $0x2;
	[tilespmem:s21+$0xFFFFFFF0] =	vst v0  }
.LBB2_3:
0x33: {  	p1 =	sne.s32 s22, $0x3F;
	[tilespmem:s21+$0x0] =	vst v0  }
0x34: {  	[tilespmem:s21+$0x10] =	vst v0  }
0x35: {  	[tilespmem:s21+$0x20] =	vst v0  }
0x36: {  	[tilespmem:s21+$0x30] =	vst v0  }
0x37: {  	v0 =	vld.idx.msk [tilespmem:v1+s11+$0x0], $0xffff;
	_ =	sdelay $0x4  }
.Ltmp1:
0x38: {  	s21 =	sadd.s32 $0x80, s21;
	(pc) =	sbr.rel @p1 .LBB2_3-.Ltmp1, $4  }
0x39: {  	[tilespmem:s21+$0xFFFFFFC0] =	vst v0  }
0x3a: {  	[tilespmem:s21+$0xFFFFFFD0] =	vst v0  }
0x3b: {  	[tilespmem:s21+$0xFFFFFFE0] =	vst v0  }
0x3c: {  	v1 =	vmov s22;
	s22 =	sadd.s32 $0x1, s22;
	[tilespmem:s21+$0xFFFFFFF0] =	vst v0  }
0x3d: {  	[tilespmem:s21+$0x0] =	vst v0  }
0x3e: {  	[tilespmem:s21+$0x10] =	vst v0  }
0x3f: {  	[tilespmem:s21+$0x20] =	vst v0  }
0x40: {  	[tilespmem:s21+$0x30] =	vst v0  }
0x41: {  	v0 =	vld.idx.msk [tilespmem:v1+s11+$0x0], $0xffff;
	_ =	sdelay $0x3  }
0x42: {  	s24 =	sadd.s32 $0x80, s21  }
0x43: {  	[tilespmem:s24+$0xFFFFFFC0] =	vst v0  }
0x44: {  	[tilespmem:s24+$0xFFFFFFD0] =	vst v0  }
0x45: {  	[tilespmem:s24+$0xFFFFFFE0] =	vst v0  }
0x46: {  	[tilespmem:s24+$0xFFFFFFF0] =	vst v0  }
0x47: {  	[tilespmem:s24+$0x0] =	vst v0  }
0x48: {  	[tilespmem:s24+$0x10] =	vst v0  }
0x49: {  	[tilespmem:s24+$0x20] =	vst v0  }
0x4a: {  	s25 =	rddreg [dreg:$0x5];
	s22 =	simm.s32 $0x18800;
	[tilespmem:s24+$0x30] =	vst v0  }
0x4b: {  	[hbm4b:s25+s11] =	stream.strided.scatter [tilespmem:s22], [sflag:$0x4], $0x2000, s12, s11, $0x38;
	[tilespmem:$0x1A800] =	vst v63  }
.LBB2_5:
0x4c: {  	s21 =	simm.s32 $0x0  }
0x4d: {  	v0 =	vmov s21;
	_ =	sdelay $0x4  }
0x4e: {  	v0 =	vld.idx.msk [tilespmem:v0+s2+$0x0], $0xffff;
	_ =	sdelay $0x2  }
0x4f: {  	s22 =	sand.u32 $0x7000, s21;
	s23 =	sand.u32 $0x380, s21  }
0x50: {  	s22 =	sor.u32 s23, s22  }
0x51: {  	[tilespmem:s22+$0x800] =	vst v0  }
0x52: {  	[tilespmem:s22+$0x810] =	vst v0  }
0x53: {  	[tilespmem:s22+$0x820] =	vst v0  }
0x54: {  	[tilespmem:s22+$0x830] =	vst v0  }
0x55: {  	[tilespmem:s22+$0x840] =	vst v0  }
0x56: {  	[tilespmem:s22+$0x850] =	vst v0  }
0x57: {  	[tilespmem:s22+$0x860] =	vst v0  }
0x58: {  	[tilespmem:s22+$0x870] =	vst v0  }
0x59: {  	[tilespmem:s22+$0xC00] =	vst v0  }
0x5a: {  	[tilespmem:s22+$0xC10] =	vst v0  }
0x5b: {  	[tilespmem:s22+$0xC20] =	vst v0  }
0x5c: {  	[tilespmem:s22+$0xC30] =	vst v0  }
0x5d: {  	[tilespmem:s22+$0xC40] =	vst v0  }
0x5e: {  	[tilespmem:s22+$0xC50] =	vst v0  }
0x5f: {  	[tilespmem:s22+$0xC60] =	vst v0  }
0x60: {  	[tilespmem:s22+$0xC70] =	vst v0  }
0x61: {  	[tilespmem:s22+$0x1000] =	vst v0  }
0x62: {  	[tilespmem:s22+$0x1010] =	vst v0  }
0x63: {  	[tilespmem:s22+$0x1020] =	vst v0  }
0x64: {  	[tilespmem:s22+$0x1030] =	vst v0  }
0x65: {  	[tilespmem:s22+$0x1040] =	vst v0  }
0x66: {  	[tilespmem:s22+$0x1050] =	vst v0  }
0x67: {  	[tilespmem:s22+$0x1060] =	vst v0  }
0x68: {  	[tilespmem:s22+$0x1070] =	vst v0  }
0x69: {  	[tilespmem:s22+$0x1400] =	vst v0  }
0x6a: {  	[tilespmem:s22+$0x1410] =	vst v0  }
0x6b: {  	s25 =	simm.s32 $0x1;
	[tilespmem:s22+$0x1420] =	vst v0  }
0x6c: {  	s24 =	simm.s32 $0x2;
	v1 =	vmov s25;
	s23 =	simm.s32 $0x0;
	[tilespmem:s22+$0x1430] =	vst v0  }
.LBB2_6:
0x6d: {  	p1 =	sne.s32 s24, $0x3F;
	[tilespmem:s22+$0x1440] =	vst v0  }
0x6e: {  	[tilespmem:s22+$0x1450] =	vst v0  }
0x6f: {  	[tilespmem:s22+$0x1460] =	vst v0  }
0x70: {  	[tilespmem:s22+$0x1470] =	vst v0  }
0x71: {  	v0 =	vld.idx.msk [tilespmem:v1+s2+$0x0], $0xffff;
	_ =	sdelay $0x2  }
0x72: {  	s21 =	sadd.s32 $0x80, s21;
	s23 =	sadd.s32 $0x200, s23  }
0x73: {  	s25 =	sand.u32 $0x380, s21;
	s22 =	sand.u32 $0x7000, s23  }
0x74: {  	s22 =	sor.u32 s25, s22  }
0x75: {  	[tilespmem:s22+$0x800] =	vst v0  }
0x76: {  	[tilespmem:s22+$0x810] =	vst v0  }
0x77: {  	[tilespmem:s22+$0x820] =	vst v0  }
0x78: {  	[tilespmem:s22+$0x830] =	vst v0  }
0x79: {  	[tilespmem:s22+$0x840] =	vst v0  }
0x7a: {  	[tilespmem:s22+$0x850] =	vst v0  }
0x7b: {  	[tilespmem:s22+$0x860] =	vst v0  }
0x7c: {  	[tilespmem:s22+$0x870] =	vst v0  }
0x7d: {  	[tilespmem:s22+$0xC00] =	vst v0  }
0x7e: {  	[tilespmem:s22+$0xC10] =	vst v0  }
0x7f: {  	[tilespmem:s22+$0xC20] =	vst v0  }
0x80: {  	[tilespmem:s22+$0xC30] =	vst v0  }
0x81: {  	[tilespmem:s22+$0xC40] =	vst v0  }
0x82: {  	[tilespmem:s22+$0xC50] =	vst v0  }
0x83: {  	[tilespmem:s22+$0xC60] =	vst v0  }
0x84: {  	[tilespmem:s22+$0xC70] =	vst v0  }
0x85: {  	[tilespmem:s22+$0x1000] =	vst v0  }
0x86: {  	[tilespmem:s22+$0x1010] =	vst v0  }
0x87: {  	[tilespmem:s22+$0x1020] =	vst v0  }
0x88: {  	[tilespmem:s22+$0x1030] =	vst v0  }
0x89: {  	[tilespmem:s22+$0x1040] =	vst v0  }
0x8a: {  	[tilespmem:s22+$0x1050] =	vst v0  }
0x8b: {  	[tilespmem:s22+$0x1060] =	vst v0  }
.Ltmp2:
0x8c: {  	[tilespmem:s22+$0x1070] =	vst v0;
	(pc) =	sbr.rel @p1 .LBB2_6-.Ltmp2, $4  }
0x8d: {  	[tilespmem:s22+$0x1400] =	vst v0  }
0x8e: {  	[tilespmem:s22+$0x1410] =	vst v0  }
0x8f: {  	[tilespmem:s22+$0x1420] =	vst v0  }
0x90: {  	v1 =	vmov s24;
	s24 =	sadd.s32 $0x1, s24;
	[tilespmem:s22+$0x1430] =	vst v0  }
0x91: {  	[tilespmem:s22+$0x1440] =	vst v0  }
0x92: {  	[tilespmem:s22+$0x1450] =	vst v0  }
0x93: {  	[tilespmem:s22+$0x1460] =	vst v0  }
0x94: {  	[tilespmem:s22+$0x1470] =	vst v0  }
0x95: {  	v0 =	vld.idx.msk [tilespmem:v1+s2+$0x0], $0xffff;
	_ =	sdelay $0x1  }
0x96: {  	s21 =	sadd.s32 $0x80, s21;
	s25 =	sadd.s32 $0x200, s23  }
0x97: {  	s22 =	sand.u32 $0x7000, s25;
	s21 =	sand.u32 $0x380, s21  }
0x98: {  	s22 =	sor.u32 s21, s22  }
0x99: {  	[tilespmem:s22+$0x800] =	vst v0  }
0x9a: {  	[tilespmem:s22+$0x810] =	vst v0  }
0x9b: {  	[tilespmem:s22+$0x820] =	vst v0  }
0x9c: {  	[tilespmem:s22+$0x830] =	vst v0  }
0x9d: {  	[tilespmem:s22+$0x840] =	vst v0  }
0x9e: {  	[tilespmem:s22+$0x850] =	vst v0  }
0x9f: {  	[tilespmem:s22+$0x860] =	vst v0  }
0xa0: {  	[tilespmem:s22+$0x870] =	vst v0  }
0xa1: {  	[tilespmem:s22+$0xC00] =	vst v0  }
0xa2: {  	[tilespmem:s22+$0xC10] =	vst v0  }
0xa3: {  	[tilespmem:s22+$0xC20] =	vst v0  }
0xa4: {  	[tilespmem:s22+$0xC30] =	vst v0  }
0xa5: {  	[tilespmem:s22+$0xC40] =	vst v0  }
0xa6: {  	[tilespmem:s22+$0xC50] =	vst v0  }
0xa7: {  	[tilespmem:s22+$0xC60] =	vst v0  }
0xa8: {  	[tilespmem:s22+$0xC70] =	vst v0  }
0xa9: {  	[tilespmem:s22+$0x1000] =	vst v0  }
0xaa: {  	[tilespmem:s22+$0x1010] =	vst v0  }
0xab: {  	[tilespmem:s22+$0x1020] =	vst v0  }
0xac: {  	[tilespmem:s22+$0x1030] =	vst v0  }
0xad: {  	[tilespmem:s22+$0x1040] =	vst v0  }
0xae: {  	[tilespmem:s22+$0x1050] =	vst v0  }
0xaf: {  	[tilespmem:s22+$0x1060] =	vst v0  }
0xb0: {  	[tilespmem:s22+$0x1070] =	vst v0  }
0xb1: {  	[tilespmem:s22+$0x1400] =	vst v0  }
0xb2: {  	[tilespmem:s22+$0x1410] =	vst v0  }
0xb3: {  	[tilespmem:s22+$0x1420] =	vst v0  }
0xb4: {  	[tilespmem:s22+$0x1430] =	vst v0  }
0xb5: {  	[tilespmem:s22+$0x1440] =	vst v0  }
0xb6: {  	s21 =	simm.s32 $0x0;
	[tilespmem:s22+$0x1450] =	vst v0  }
0xb7: {  	v1 =	vmov s21;
	[tilespmem:s22+$0x1460] =	vst v0  }
0xb8: {  	[tilespmem:s22+$0x1470] =	vst v0;
	v0 =	vand.u32 $0x7F, v1  }
0xb9: {  	[hbm4b:s6+s13] =	stream.strided.scatter [tilespmem:s14], [sflag:$0x1], $0x8000, s12, s13, $0x38;
	v0 =	vor.u32 $0x80, v0;
	[tilespmem:$0x1A800] =	vst v63  }
0xba: {  	s23 =	rddreg [dreg:$0x6];
	v0 =	vbroadcast v0, $0x0  }
0xbb: {  	[hbm4b:s23+s13] =	stream.strided.scatter [tilespmem:s14], [sflag:$0x1], $0x8000, s12, s13, $0x38;
	[tilespmem:$0x1A800] =	vst v63  }
0xbc: {  	s24 =	rddreg [dreg:$0x7]  }
0xbd: {  	[hbm4b:s24+s13] =	stream.strided.scatter [tilespmem:s14], [sflag:$0x1], $0x8000, s12, s13, $0x38;
	[tilespmem:$0x1A800] =	vst v63  }
0xbe: {  	s25 =	rddreg [dreg:$0x8]  }
0xbf: {  	[hbm4b:s25+s13] =	stream.strided.scatter [tilespmem:s14], [sflag:$0x1], $0x8000, s12, s13, $0x38;
	[tilespmem:$0x1A800] =	vst v63  }
0xc0: {  	v0 =	vld.idx.msk [tilespmem:v0+s2+$0x0], $0xffff;
	_ =	sdelay $0x2  }
0xc1: {  	s23 =	sand.u32 $0x7000, s21;
	s24 =	sand.u32 $0x380, s21  }
0xc2: {  	s22 =	sor.u32 s24, s23  }
0xc3: {  	[tilespmem:s22+$0x8800] =	vst v0  }
0xc4: {  	[tilespmem:s22+$0x8810] =	vst v0  }
0xc5: {  	[tilespmem:s22+$0x8820] =	vst v0  }
0xc6: {  	[tilespmem:s22+$0x8830] =	vst v0  }
0xc7: {  	[tilespmem:s22+$0x8840] =	vst v0  }
0xc8: {  	[tilespmem:s22+$0x8850] =	vst v0  }
0xc9: {  	[tilespmem:s22+$0x8860] =	vst v0  }
0xca: {  	[tilespmem:s22+$0x8870] =	vst v0  }
0xcb: {  	[tilespmem:s22+$0x8C00] =	vst v0  }
0xcc: {  	[tilespmem:s22+$0x8C10] =	vst v0  }
0xcd: {  	[tilespmem:s22+$0x8C20] =	vst v0  }
0xce: {  	[tilespmem:s22+$0x8C30] =	vst v0  }
0xcf: {  	[tilespmem:s22+$0x8C40] =	vst v0  }
0xd0: {  	[tilespmem:s22+$0x8C50] =	vst v0  }
0xd1: {  	[tilespmem:s22+$0x8C60] =	vst v0  }
0xd2: {  	[tilespmem:s22+$0x8C70] =	vst v0  }
0xd3: {  	[tilespmem:s22+$0x9000] =	vst v0  }
0xd4: {  	[tilespmem:s22+$0x9010] =	vst v0  }
0xd5: {  	[tilespmem:s22+$0x9020] =	vst v0  }
0xd6: {  	[tilespmem:s22+$0x9030] =	vst v0  }
0xd7: {  	[tilespmem:s22+$0x9040] =	vst v0  }
0xd8: {  	[tilespmem:s22+$0x9050] =	vst v0  }
0xd9: {  	s25 =	simm.s32 $0x1;
	[tilespmem:s22+$0x9060] =	vst v0  }
0xda: {  	s24 =	simm.s32 $0x2;
	s23 =	simm.s32 $0x0;
	v1 =	vmov s25;
	[tilespmem:s22+$0x9070] =	vst v0  }
.LBB2_8:
0xdb: {  	p1 =	sne.s32 s24, $0x3F;
	v1 =	vand.u32 $0x7F, v1;
	[tilespmem:s22+$0x9400] =	vst v0  }
0xdc: {  	v1 =	vor.u32 $0x80, v1;
	[tilespmem:s22+$0x9410] =	vst v0  }
0xdd: {  	v1 =	vbroadcast v1, $0x0;
	[tilespmem:s22+$0x9420] =	vst v0  }
0xde: {  	[tilespmem:s22+$0x9430] =	vst v0  }
0xdf: {  	[tilespmem:s22+$0x9440] =	vst v0  }
0xe0: {  	[tilespmem:s22+$0x9450] =	vst v0  }
0xe1: {  	[tilespmem:s22+$0x9460] =	vst v0  }
0xe2: {  	[tilespmem:s22+$0x9470] =	vst v0  }
0xe3: {  	v0 =	vld.idx.msk [tilespmem:v1+s2+$0x0], $0xffff;
	_ =	sdelay $0x2  }
0xe4: {  	s21 =	sadd.s32 $0x80, s21;
	s23 =	sadd.s32 $0x200, s23  }
0xe5: {  	s25 =	sand.u32 $0x380, s21;
	s22 =	sand.u32 $0x7000, s23  }
0xe6: {  	s22 =	sor.u32 s25, s22  }
0xe7: {  	[tilespmem:s22+$0x8800] =	vst v0  }
0xe8: {  	[tilespmem:s22+$0x8810] =	vst v0  }
0xe9: {  	[tilespmem:s22+$0x8820] =	vst v0  }
0xea: {  	[tilespmem:s22+$0x8830] =	vst v0  }
0xeb: {  	[tilespmem:s22+$0x8840] =	vst v0  }
0xec: {  	[tilespmem:s22+$0x8850] =	vst v0  }
0xed: {  	[tilespmem:s22+$0x8860] =	vst v0  }
0xee: {  	[tilespmem:s22+$0x8870] =	vst v0  }
0xef: {  	[tilespmem:s22+$0x8C00] =	vst v0  }
0xf0: {  	[tilespmem:s22+$0x8C10] =	vst v0  }
0xf1: {  	[tilespmem:s22+$0x8C20] =	vst v0  }
0xf2: {  	[tilespmem:s22+$0x8C30] =	vst v0  }
0xf3: {  	[tilespmem:s22+$0x8C40] =	vst v0  }
0xf4: {  	[tilespmem:s22+$0x8C50] =	vst v0  }
0xf5: {  	[tilespmem:s22+$0x8C60] =	vst v0  }
0xf6: {  	[tilespmem:s22+$0x8C70] =	vst v0  }
0xf7: {  	[tilespmem:s22+$0x9000] =	vst v0  }
0xf8: {  	[tilespmem:s22+$0x9010] =	vst v0  }
0xf9: {  	[tilespmem:s22+$0x9020] =	vst v0  }
.Ltmp3:
0xfa: {  	[tilespmem:s22+$0x9030] =	vst v0;
	(pc) =	sbr.rel @p1 .LBB2_8-.Ltmp3, $4  }
0xfb: {  	[tilespmem:s22+$0x9040] =	vst v0  }
0xfc: {  	[tilespmem:s22+$0x9050] =	vst v0  }
0xfd: {  	[tilespmem:s22+$0x9060] =	vst v0  }
0xfe: {  	v1 =	vmov s24;
	s24 =	sadd.s32 $0x1, s24;
	[tilespmem:s22+$0x9070] =	vst v0  }
0xff: {  	v1 =	vand.u32 $0x7F, v1;
	[tilespmem:s22+$0x9400] =	vst v0  }
0x100: {  	[tilespmem:s22+$0x9410] =	vst v0;
	v1 =	vor.u32 $0x80, v1  }
0x101: {  	[tilespmem:s22+$0x9420] =	vst v0;
	v1 =	vbroadcast v1, $0x0  }
0x102: {  	[tilespmem:s22+$0x9430] =	vst v0  }
0x103: {  	[tilespmem:s22+$0x9440] =	vst v0  }
0x104: {  	[tilespmem:s22+$0x9450] =	vst v0  }
0x105: {  	[tilespmem:s22+$0x9460] =	vst v0  }
0x106: {  	[tilespmem:s22+$0x9470] =	vst v0  }
0x107: {  	v0 =	vld.idx.msk [tilespmem:v1+s2+$0x0], $0xffff;
	_ =	sdelay $0x1  }
0x108: {  	s21 =	sadd.s32 $0x80, s21;
	s24 =	sadd.s32 $0x200, s23  }
0x109: {  	s22 =	sand.u32 $0x7000, s24;
	s21 =	sand.u32 $0x380, s21  }
0x10a: {  	s22 =	sor.u32 s21, s22  }
0x10b: {  	[tilespmem:s22+$0x8800] =	vst v0  }
0x10c: {  	[tilespmem:s22+$0x8810] =	vst v0  }
0x10d: {  	[tilespmem:s22+$0x8820] =	vst v0  }
0x10e: {  	[tilespmem:s22+$0x8830] =	vst v0  }
0x10f: {  	[tilespmem:s22+$0x8840] =	vst v0  }
0x110: {  	[tilespmem:s22+$0x8850] =	vst v0  }
0x111: {  	[tilespmem:s22+$0x8860] =	vst v0  }
0x112: {  	[tilespmem:s22+$0x8870] =	vst v0  }
0x113: {  	[tilespmem:s22+$0x8C00] =	vst v0  }
0x114: {  	[tilespmem:s22+$0x8C10] =	vst v0  }
0x115: {  	[tilespmem:s22+$0x8C20] =	vst v0  }
0x116: {  	[tilespmem:s22+$0x8C30] =	vst v0  }
0x117: {  	[tilespmem:s22+$0x8C40] =	vst v0  }
0x118: {  	[tilespmem:s22+$0x8C50] =	vst v0  }
0x119: {  	[tilespmem:s22+$0x8C60] =	vst v0  }
0x11a: {  	[tilespmem:s22+$0x8C70] =	vst v0  }
0x11b: {  	[tilespmem:s22+$0x9000] =	vst v0  }
0x11c: {  	[tilespmem:s22+$0x9010] =	vst v0  }
0x11d: {  	[tilespmem:s22+$0x9020] =	vst v0  }
0x11e: {  	[tilespmem:s22+$0x9030] =	vst v0  }
0x11f: {  	[tilespmem:s22+$0x9040] =	vst v0  }
0x120: {  	[tilespmem:s22+$0x9050] =	vst v0  }
0x121: {  	[tilespmem:s22+$0x9060] =	vst v0  }
0x122: {  	[tilespmem:s22+$0x9070] =	vst v0  }
0x123: {  	[tilespmem:s22+$0x9400] =	vst v0  }
0x124: {  	[tilespmem:s22+$0x9410] =	vst v0  }
0x125: {  	[tilespmem:s22+$0x9420] =	vst v0  }
0x126: {  	[tilespmem:s22+$0x9430] =	vst v0  }
0x127: {  	[tilespmem:s22+$0x9440] =	vst v0  }
0x128: {  	s21 =	simm.s32 $0x0;
	[tilespmem:s22+$0x9450] =	vst v0  }
0x129: {  	v1 =	vmov s21;
	[tilespmem:s22+$0x9460] =	vst v0  }
0x12a: {  	s25 =	rddreg [dreg:$0x9];
	[tilespmem:s22+$0x9470] =	vst v0;
	v0 =	vand.u32 $0x7F, v1  }
0x12b: {  	[hbm4b:s25+s13] =	stream.strided.scatter [tilespmem:s15], [sflag:$0x2], $0x8000, s12, s13, $0x38;
	v0 =	vor.u32 $0x100, v0;
	[tilespmem:$0x1A800] =	vst v63  }
0x12c: {  	s23 =	rddreg [dreg:$0xa];
	v0 =	vbroadcast v0, $0x0  }
0x12d: {  	[hbm4b:s23+s13] =	stream.strided.scatter [tilespmem:s15], [sflag:$0x2], $0x8000, s12, s13, $0x38;
	[tilespmem:$0x1A800] =	vst v63  }
0x12e: {  	s24 =	rddreg [dreg:$0xb]  }
0x12f: {  	[hbm4b:s24+s13] =	stream.strided.scatter [tilespmem:s15], [sflag:$0x2], $0x8000, s12, s13, $0x38;
	[tilespmem:$0x1A800] =	vst v63  }
0x130: {  	s25 =	rddreg [dreg:$0xc]  }
0x131: {  	[hbm4b:s25+s13] =	stream.strided.scatter [tilespmem:s15], [sflag:$0x2], $0x8000, s12, s13, $0x38;
	[tilespmem:$0x1A800] =	vst v63  }
0x132: {  	v0 =	vld.idx.msk [tilespmem:v0+s2+$0x0], $0xffff;
	_ =	sdelay $0x2  }
0x133: {  	s23 =	sand.u32 $0x7000, s21;
	s24 =	sand.u32 $0x380, s21  }
0x134: {  	s22 =	sor.u32 s24, s23  }
0x135: {  	[tilespmem:s22+$0x10800] =	vst v0  }
0x136: {  	[tilespmem:s22+$0x10810] =	vst v0  }
0x137: {  	[tilespmem:s22+$0x10820] =	vst v0  }
0x138: {  	[tilespmem:s22+$0x10830] =	vst v0  }
0x139: {  	[tilespmem:s22+$0x10840] =	vst v0  }
0x13a: {  	[tilespmem:s22+$0x10850] =	vst v0  }
0x13b: {  	[tilespmem:s22+$0x10860] =	vst v0  }
0x13c: {  	[tilespmem:s22+$0x10870] =	vst v0  }
0x13d: {  	[tilespmem:s22+$0x10C00] =	vst v0  }
0x13e: {  	[tilespmem:s22+$0x10C10] =	vst v0  }
0x13f: {  	[tilespmem:s22+$0x10C20] =	vst v0  }
0x140: {  	[tilespmem:s22+$0x10C30] =	vst v0  }
0x141: {  	[tilespmem:s22+$0x10C40] =	vst v0  }
0x142: {  	[tilespmem:s22+$0x10C50] =	vst v0  }
0x143: {  	[tilespmem:s22+$0x10C60] =	vst v0  }
0x144: {  	[tilespmem:s22+$0x10C70] =	vst v0  }
0x145: {  	[tilespmem:s22+$0x11000] =	vst v0  }
0x146: {  	[tilespmem:s22+$0x11010] =	vst v0  }
0x147: {  	[tilespmem:s22+$0x11020] =	vst v0  }
0x148: {  	[tilespmem:s22+$0x11030] =	vst v0  }
0x149: {  	[tilespmem:s22+$0x11040] =	vst v0  }
0x14a: {  	[tilespmem:s22+$0x11050] =	vst v0  }
0x14b: {  	s25 =	simm.s32 $0x1;
	[tilespmem:s22+$0x11060] =	vst v0  }
0x14c: {  	s24 =	simm.s32 $0x2;
	s23 =	simm.s32 $0x0;
	v1 =	vmov s25;
	[tilespmem:s22+$0x11070] =	vst v0  }
.LBB2_10:
0x14d: {  	p1 =	sne.s32 s24, $0x3F;
	v1 =	vand.u32 $0x7F, v1;
	[tilespmem:s22+$0x11400] =	vst v0  }
0x14e: {  	v1 =	vor.u32 $0x100, v1;
	[tilespmem:s22+$0x11410] =	vst v0  }
0x14f: {  	v1 =	vbroadcast v1, $0x0;
	[tilespmem:s22+$0x11420] =	vst v0  }
0x150: {  	[tilespmem:s22+$0x11430] =	vst v0  }
0x151: {  	[tilespmem:s22+$0x11440] =	vst v0  }
0x152: {  	[tilespmem:s22+$0x11450] =	vst v0  }
0x153: {  	[tilespmem:s22+$0x11460] =	vst v0  }
0x154: {  	[tilespmem:s22+$0x11470] =	vst v0  }
0x155: {  	v0 =	vld.idx.msk [tilespmem:v1+s2+$0x0], $0xffff;
	_ =	sdelay $0x2  }
0x156: {  	s21 =	sadd.s32 $0x80, s21;
	s23 =	sadd.s32 $0x200, s23  }
0x157: {  	s25 =	sand.u32 $0x380, s21;
	s22 =	sand.u32 $0x7000, s23  }
0x158: {  	s22 =	sor.u32 s25, s22  }
0x159: {  	[tilespmem:s22+$0x10800] =	vst v0  }
0x15a: {  	[tilespmem:s22+$0x10810] =	vst v0  }
0x15b: {  	[tilespmem:s22+$0x10820] =	vst v0  }
0x15c: {  	[tilespmem:s22+$0x10830] =	vst v0  }
0x15d: {  	[tilespmem:s22+$0x10840] =	vst v0  }
0x15e: {  	[tilespmem:s22+$0x10850] =	vst v0  }
0x15f: {  	[tilespmem:s22+$0x10860] =	vst v0  }
0x160: {  	[tilespmem:s22+$0x10870] =	vst v0  }
0x161: {  	[tilespmem:s22+$0x10C00] =	vst v0  }
0x162: {  	[tilespmem:s22+$0x10C10] =	vst v0  }
0x163: {  	[tilespmem:s22+$0x10C20] =	vst v0  }
0x164: {  	[tilespmem:s22+$0x10C30] =	vst v0  }
0x165: {  	[tilespmem:s22+$0x10C40] =	vst v0  }
0x166: {  	[tilespmem:s22+$0x10C50] =	vst v0  }
0x167: {  	[tilespmem:s22+$0x10C60] =	vst v0  }
0x168: {  	[tilespmem:s22+$0x10C70] =	vst v0  }
0x169: {  	[tilespmem:s22+$0x11000] =	vst v0  }
0x16a: {  	[tilespmem:s22+$0x11010] =	vst v0  }
0x16b: {  	[tilespmem:s22+$0x11020] =	vst v0  }
.Ltmp4:
0x16c: {  	[tilespmem:s22+$0x11030] =	vst v0;
	(pc) =	sbr.rel @p1 .LBB2_10-.Ltmp4, $4  }
0x16d: {  	[tilespmem:s22+$0x11040] =	vst v0  }
0x16e: {  	[tilespmem:s22+$0x11050] =	vst v0  }
0x16f: {  	[tilespmem:s22+$0x11060] =	vst v0  }
0x170: {  	v1 =	vmov s24;
	s24 =	sadd.s32 $0x1, s24;
	[tilespmem:s22+$0x11070] =	vst v0  }
0x171: {  	v1 =	vand.u32 $0x7F, v1;
	[tilespmem:s22+$0x11400] =	vst v0  }
0x172: {  	[tilespmem:s22+$0x11410] =	vst v0;
	v1 =	vor.u32 $0x100, v1  }
0x173: {  	[tilespmem:s22+$0x11420] =	vst v0;
	v1 =	vbroadcast v1, $0x0  }
0x174: {  	[tilespmem:s22+$0x11430] =	vst v0  }
0x175: {  	[tilespmem:s22+$0x11440] =	vst v0  }
0x176: {  	[tilespmem:s22+$0x11450] =	vst v0  }
0x177: {  	[tilespmem:s22+$0x11460] =	vst v0  }
0x178: {  	[tilespmem:s22+$0x11470] =	vst v0  }
0x179: {  	v0 =	vld.idx.msk [tilespmem:v1+s2+$0x0], $0xffff;
	_ =	sdelay $0x1  }
0x17a: {  	s21 =	sadd.s32 $0x80, s21;
	s25 =	sadd.s32 $0x200, s23  }
0x17b: {  	s22 =	sand.u32 $0x7000, s25;
	s21 =	sand.u32 $0x380, s21  }
0x17c: {  	s21 =	sor.u32 s21, s22  }
0x17d: {  	[tilespmem:s21+$0x10800] =	vst v0  }
0x17e: {  	[tilespmem:s21+$0x10810] =	vst v0  }
0x17f: {  	[tilespmem:s21+$0x10820] =	vst v0  }
0x180: {  	[tilespmem:s21+$0x10830] =	vst v0  }
0x181: {  	[tilespmem:s21+$0x10840] =	vst v0  }
0x182: {  	[tilespmem:s21+$0x10850] =	vst v0  }
0x183: {  	[tilespmem:s21+$0x10860] =	vst v0  }
0x184: {  	[tilespmem:s21+$0x10870] =	vst v0  }
0x185: {  	[tilespmem:s21+$0x10C00] =	vst v0  }
0x186: {  	[tilespmem:s21+$0x10C10] =	vst v0  }
0x187: {  	[tilespmem:s21+$0x10C20] =	vst v0  }
0x188: {  	[tilespmem:s21+$0x10C30] =	vst v0  }
0x189: {  	[tilespmem:s21+$0x10C40] =	vst v0  }
0x18a: {  	[tilespmem:s21+$0x10C50] =	vst v0  }
0x18b: {  	[tilespmem:s21+$0x10C60] =	vst v0  }
0x18c: {  	[tilespmem:s21+$0x10C70] =	vst v0  }
0x18d: {  	[tilespmem:s21+$0x11000] =	vst v0  }
0x18e: {  	[tilespmem:s21+$0x11010] =	vst v0  }
0x18f: {  	[tilespmem:s21+$0x11020] =	vst v0  }
0x190: {  	[tilespmem:s21+$0x11030] =	vst v0  }
0x191: {  	[tilespmem:s21+$0x11040] =	vst v0  }
0x192: {  	[tilespmem:s21+$0x11050] =	vst v0  }
0x193: {  	[tilespmem:s21+$0x11060] =	vst v0  }
0x194: {  	[tilespmem:s21+$0x11070] =	vst v0  }
0x195: {  	[tilespmem:s21+$0x11400] =	vst v0  }
0x196: {  	[tilespmem:s21+$0x11410] =	vst v0  }
0x197: {  	[tilespmem:s21+$0x11420] =	vst v0  }
0x198: {  	[tilespmem:s21+$0x11430] =	vst v0  }
0x199: {  	[tilespmem:s21+$0x11440] =	vst v0  }
0x19a: {  	[tilespmem:s21+$0x11450] =	vst v0  }
0x19b: {  	[tilespmem:s21+$0x11460] =	vst v0  }
0x19c: {  	s23 =	rddreg [dreg:$0xd];
	[tilespmem:s21+$0x11470] =	vst v0  }
0x19d: {  	[hbm4b:s23+s13] =	stream.strided.scatter [tilespmem:s16], [sflag:$0x3], $0x8000, s12, s13, $0x38;
	[tilespmem:$0x1A800] =	vst v63  }
0x19e: {  	s24 =	rddreg [dreg:$0xe]  }
0x19f: {  	[hbm4b:s24+s13] =	stream.strided.scatter [tilespmem:s16], [sflag:$0x3], $0x8000, s12, s13, $0x38;
	[tilespmem:$0x1A800] =	vst v63  }
0x1a0: {  	s25 =	rddreg [dreg:$0xf]  }
0x1a1: {  	[hbm4b:s25+s13] =	stream.strided.scatter [tilespmem:s16], [sflag:$0x3], $0x8000, s12, s13, $0x38;
	[tilespmem:$0x1A800] =	vst v63  }
0x1a2: {  	s22 =	rddreg [dreg:$0x10]  }
0x1a3: {  	[hbm4b:s22+s13] =	stream.strided.scatter [tilespmem:s16], [sflag:$0x3], $0x8000, s12, s13, $0x38;
	[tilespmem:$0x1A800] =	vst v63  }
0x1a4: {  	_ =	swait.ge [sflag:s17], $0x8000  }
0x1a5: {  	[sflag:s17] =	ssyncset.done $0x0  }
0x1a6: {  	s21 =	simm.s32 $0x0;
	[sflag:s17] =	ssyncadd.s32 $0xFFFF8000  }
0x1a7: {  	v0 =	vmov s21;
	_ =	swait.ge [sflag:s17], $0x8000  }
0x1a8: {  	v0 =	vand.u32 $0x7F, v0;
	[sflag:s17] =	ssyncset.done $0x0  }
0x1a9: {  	v0 =	vor.u32 $0x180, v0;
	[sflag:s17] =	ssyncadd.s32 $0xFFFF8000  }
0x1aa: {  	v0 =	vbroadcast v0, $0x0;
	_ =	swait.ge [sflag:s17], $0x8000  }
0x1ab: {  	[sflag:s17] =	ssyncset.done $0x0  }
0x1ac: {  	[sflag:s17] =	ssyncadd.s32 $0xFFFF8000  }
0x1ad: {  	_ =	swait.ge [sflag:s17], $0x8000  }
0x1ae: {  	[sflag:s17] =	ssyncset.done $0x0  }
0x1af: {  	[sflag:s17] =	ssyncadd.s32 $0xFFFF8000  }
0x1b0: {  	v0 =	vld.idx.msk [tilespmem:v0+s2+$0x0], $0xffff;
	_ =	sdelay $0x2  }
0x1b1: {  	s23 =	sand.u32 $0x7000, s21;
	s24 =	sand.u32 $0x380, s21  }
0x1b2: {  	s22 =	sor.u32 s24, s23  }
0x1b3: {  	[tilespmem:s22+$0x800] =	vst v0  }
0x1b4: {  	[tilespmem:s22+$0x810] =	vst v0  }
0x1b5: {  	[tilespmem:s22+$0x820] =	vst v0  }
0x1b6: {  	[tilespmem:s22+$0x830] =	vst v0  }
0x1b7: {  	[tilespmem:s22+$0x840] =	vst v0  }
0x1b8: {  	[tilespmem:s22+$0x850] =	vst v0  }
0x1b9: {  	[tilespmem:s22+$0x860] =	vst v0  }
0x1ba: {  	[tilespmem:s22+$0x870] =	vst v0  }
0x1bb: {  	[tilespmem:s22+$0xC00] =	vst v0  }
0x1bc: {  	[tilespmem:s22+$0xC10] =	vst v0  }
0x1bd: {  	[tilespmem:s22+$0xC20] =	vst v0  }
0x1be: {  	[tilespmem:s22+$0xC30] =	vst v0  }
0x1bf: {  	[tilespmem:s22+$0xC40] =	vst v0  }
0x1c0: {  	[tilespmem:s22+$0xC50] =	vst v0  }
0x1c1: {  	[tilespmem:s22+$0xC60] =	vst v0  }
0x1c2: {  	[tilespmem:s22+$0xC70] =	vst v0  }
0x1c3: {  	[tilespmem:s22+$0x1000] =	vst v0  }
0x1c4: {  	[tilespmem:s22+$0x1010] =	vst v0  }
0x1c5: {  	[tilespmem:s22+$0x1020] =	vst v0  }
0x1c6: {  	[tilespmem:s22+$0x1030] =	vst v0  }
0x1c7: {  	[tilespmem:s22+$0x1040] =	vst v0  }
0x1c8: {  	[tilespmem:s22+$0x1050] =	vst v0  }
0x1c9: {  	s25 =	simm.s32 $0x1;
	[tilespmem:s22+$0x1060] =	vst v0  }
0x1ca: {  	v1 =	vmov s25;
	s24 =	simm.s32 $0x2;
	s23 =	simm.s32 $0x0;
	[tilespmem:s22+$0x1070] =	vst v0  }
.LBB2_12:
0x1cb: {  	p1 =	sne.s32 s24, $0x3F;
	v1 =	vand.u32 $0x7F, v1;
	[tilespmem:s22+$0x1400] =	vst v0  }
0x1cc: {  	v1 =	vor.u32 $0x180, v1;
	[tilespmem:s22+$0x1410] =	vst v0  }
0x1cd: {  	v1 =	vbroadcast v1, $0x0;
	[tilespmem:s22+$0x1420] =	vst v0  }
0x1ce: {  	[tilespmem:s22+$0x1430] =	vst v0  }
0x1cf: {  	[tilespmem:s22+$0x1440] =	vst v0  }
0x1d0: {  	[tilespmem:s22+$0x1450] =	vst v0  }
0x1d1: {  	[tilespmem:s22+$0x1460] =	vst v0  }
0x1d2: {  	[tilespmem:s22+$0x1470] =	vst v0  }
0x1d3: {  	v0 =	vld.idx.msk [tilespmem:v1+s2+$0x0], $0xffff;
	_ =	sdelay $0x2  }
0x1d4: {  	s21 =	sadd.s32 $0x80, s21;
	s23 =	sadd.s32 $0x200, s23  }
0x1d5: {  	s25 =	sand.u32 $0x380, s21;
	s22 =	sand.u32 $0x7000, s23  }
0x1d6: {  	s22 =	sor.u32 s25, s22  }
0x1d7: {  	[tilespmem:s22+$0x800] =	vst v0  }
0x1d8: {  	[tilespmem:s22+$0x810] =	vst v0  }
0x1d9: {  	[tilespmem:s22+$0x820] =	vst v0  }
0x1da: {  	[tilespmem:s22+$0x830] =	vst v0  }
0x1db: {  	[tilespmem:s22+$0x840] =	vst v0  }
0x1dc: {  	[tilespmem:s22+$0x850] =	vst v0  }
0x1dd: {  	[tilespmem:s22+$0x860] =	vst v0  }
0x1de: {  	[tilespmem:s22+$0x870] =	vst v0  }
0x1df: {  	[tilespmem:s22+$0xC00] =	vst v0  }
0x1e0: {  	[tilespmem:s22+$0xC10] =	vst v0  }
0x1e1: {  	[tilespmem:s22+$0xC20] =	vst v0  }
0x1e2: {  	[tilespmem:s22+$0xC30] =	vst v0  }
0x1e3: {  	[tilespmem:s22+$0xC40] =	vst v0  }
0x1e4: {  	[tilespmem:s22+$0xC50] =	vst v0  }
0x1e5: {  	[tilespmem:s22+$0xC60] =	vst v0  }
0x1e6: {  	[tilespmem:s22+$0xC70] =	vst v0  }
0x1e7: {  	[tilespmem:s22+$0x1000] =	vst v0  }
0x1e8: {  	[tilespmem:s22+$0x1010] =	vst v0  }
0x1e9: {  	[tilespmem:s22+$0x1020] =	vst v0  }
.Ltmp5:
0x1ea: {  	[tilespmem:s22+$0x1030] =	vst v0;
	(pc) =	sbr.rel @p1 .LBB2_12-.Ltmp5, $4  }
0x1eb: {  	[tilespmem:s22+$0x1040] =	vst v0  }
0x1ec: {  	[tilespmem:s22+$0x1050] =	vst v0  }
0x1ed: {  	[tilespmem:s22+$0x1060] =	vst v0  }
0x1ee: {  	v1 =	vmov s24;
	s24 =	sadd.s32 $0x1, s24;
	[tilespmem:s22+$0x1070] =	vst v0  }
0x1ef: {  	v1 =	vand.u32 $0x7F, v1;
	[tilespmem:s22+$0x1400] =	vst v0  }
0x1f0: {  	[tilespmem:s22+$0x1410] =	vst v0;
	v1 =	vor.u32 $0x180, v1  }
0x1f1: {  	[tilespmem:s22+$0x1420] =	vst v0;
	v1 =	vbroadcast v1, $0x0  }
0x1f2: {  	[tilespmem:s22+$0x1430] =	vst v0  }
0x1f3: {  	[tilespmem:s22+$0x1440] =	vst v0  }
0x1f4: {  	[tilespmem:s22+$0x1450] =	vst v0  }
0x1f5: {  	[tilespmem:s22+$0x1460] =	vst v0  }
0x1f6: {  	[tilespmem:s22+$0x1470] =	vst v0  }
0x1f7: {  	v0 =	vld.idx.msk [tilespmem:v1+s2+$0x0], $0xffff;
	_ =	sdelay $0x1  }
0x1f8: {  	s21 =	sadd.s32 $0x80, s21;
	s25 =	sadd.s32 $0x200, s23  }
0x1f9: {  	s22 =	sand.u32 $0x7000, s25;
	s21 =	sand.u32 $0x380, s21  }
0x1fa: {  	s21 =	sor.u32 s21, s22  }
0x1fb: {  	[tilespmem:s21+$0x800] =	vst v0  }
0x1fc: {  	[tilespmem:s21+$0x810] =	vst v0  }
0x1fd: {  	[tilespmem:s21+$0x820] =	vst v0  }
0x1fe: {  	[tilespmem:s21+$0x830] =	vst v0  }
0x1ff: {  	[tilespmem:s21+$0x840] =	vst v0  }
0x200: {  	[tilespmem:s21+$0x850] =	vst v0  }
0x201: {  	[tilespmem:s21+$0x860] =	vst v0  }
0x202: {  	[tilespmem:s21+$0x870] =	vst v0  }
0x203: {  	[tilespmem:s21+$0xC00] =	vst v0  }
0x204: {  	[tilespmem:s21+$0xC10] =	vst v0  }
0x205: {  	[tilespmem:s21+$0xC20] =	vst v0  }
0x206: {  	[tilespmem:s21+$0xC30] =	vst v0  }
0x207: {  	[tilespmem:s21+$0xC40] =	vst v0  }
0x208: {  	[tilespmem:s21+$0xC50] =	vst v0  }
0x209: {  	[tilespmem:s21+$0xC60] =	vst v0  }
0x20a: {  	[tilespmem:s21+$0xC70] =	vst v0  }
0x20b: {  	[tilespmem:s21+$0x1000] =	vst v0  }
0x20c: {  	[tilespmem:s21+$0x1010] =	vst v0  }
0x20d: {  	[tilespmem:s21+$0x1020] =	vst v0  }
0x20e: {  	[tilespmem:s21+$0x1030] =	vst v0  }
0x20f: {  	[tilespmem:s21+$0x1040] =	vst v0  }
0x210: {  	[tilespmem:s21+$0x1050] =	vst v0  }
0x211: {  	[tilespmem:s21+$0x1060] =	vst v0  }
0x212: {  	[tilespmem:s21+$0x1070] =	vst v0  }
0x213: {  	[tilespmem:s21+$0x1400] =	vst v0  }
0x214: {  	[tilespmem:s21+$0x1410] =	vst v0  }
0x215: {  	[tilespmem:s21+$0x1420] =	vst v0  }
0x216: {  	[tilespmem:s21+$0x1430] =	vst v0  }
0x217: {  	[tilespmem:s21+$0x1440] =	vst v0  }
0x218: {  	[tilespmem:s21+$0x1450] =	vst v0  }
0x219: {  	[tilespmem:s21+$0x1460] =	vst v0  }
0x21a: {  	s23 =	rddreg [dreg:$0x11];
	[tilespmem:s21+$0x1470] =	vst v0  }
0x21b: {  	[hbm4b:s23+s13] =	stream.strided.scatter [tilespmem:s14], [sflag:$0x1], $0x8000, s12, s13, $0x38;
	[tilespmem:$0x1A800] =	vst v63  }
0x21c: {  	s24 =	rddreg [dreg:$0x12]  }
0x21d: {  	[hbm4b:s24+s13] =	stream.strided.scatter [tilespmem:s14], [sflag:$0x1], $0x8000, s12, s13, $0x38;
	[tilespmem:$0x1A800] =	vst v63  }
0x21e: {  	s25 =	rddreg [dreg:$0x13]  }
0x21f: {  	[hbm4b:s25+s13] =	stream.strided.scatter [tilespmem:s14], [sflag:$0x1], $0x8000, s12, s13, $0x38;
	[tilespmem:$0x1A800] =	vst v63  }
0x220: {  	s22 =	rddreg [dreg:$0x14]  }
0x221: {  	[hbm4b:s22+s13] =	stream.strided.scatter [tilespmem:s14], [sflag:$0x1], $0x8000, s12, s13, $0x38;
	[tilespmem:$0x1A800] =	vst v63  }
0x222: {  	_ =	swait.ge [sflag:s18], $0x8000  }
0x223: {  	[sflag:s18] =	ssyncset.done $0x0  }
0x224: {  	s21 =	simm.s32 $0x0;
	[sflag:s18] =	ssyncadd.s32 $0xFFFF8000  }
0x225: {  	v0 =	vmov s21;
	_ =	swait.ge [sflag:s18], $0x8000  }
0x226: {  	v0 =	vand.u32 $0x7F, v0;
	[sflag:s18] =	ssyncset.done $0x0  }
0x227: {  	v0 =	vor.u32 $0x200, v0;
	[sflag:s18] =	ssyncadd.s32 $0xFFFF8000  }
0x228: {  	v0 =	vbroadcast v0, $0x0;
	_ =	swait.ge [sflag:s18], $0x8000  }
0x229: {  	[sflag:s18] =	ssyncset.done $0x0  }
0x22a: {  	[sflag:s18] =	ssyncadd.s32 $0xFFFF8000  }
0x22b: {  	_ =	swait.ge [sflag:s18], $0x8000  }
0x22c: {  	[sflag:s18] =	ssyncset.done $0x0  }
0x22d: {  	[sflag:s18] =	ssyncadd.s32 $0xFFFF8000  }
0x22e: {  	v0 =	vld.idx.msk [tilespmem:v0+s2+$0x0], $0xffff;
	_ =	sdelay $0x2  }
0x22f: {  	s23 =	sand.u32 $0x7000, s21;
	s24 =	sand.u32 $0x380, s21  }
0x230: {  	s22 =	sor.u32 s24, s23  }
0x231: {  	[tilespmem:s22+$0x8800] =	vst v0  }
0x232: {  	[tilespmem:s22+$0x8810] =	vst v0  }
0x233: {  	[tilespmem:s22+$0x8820] =	vst v0  }
0x234: {  	[tilespmem:s22+$0x8830] =	vst v0  }
0x235: {  	[tilespmem:s22+$0x8840] =	vst v0  }
0x236: {  	[tilespmem:s22+$0x8850] =	vst v0  }
0x237: {  	[tilespmem:s22+$0x8860] =	vst v0  }
0x238: {  	[tilespmem:s22+$0x8870] =	vst v0  }
0x239: {  	[tilespmem:s22+$0x8C00] =	vst v0  }
0x23a: {  	[tilespmem:s22+$0x8C10] =	vst v0  }
0x23b: {  	[tilespmem:s22+$0x8C20] =	vst v0  }
0x23c: {  	[tilespmem:s22+$0x8C30] =	vst v0  }
0x23d: {  	[tilespmem:s22+$0x8C40] =	vst v0  }
0x23e: {  	[tilespmem:s22+$0x8C50] =	vst v0  }
0x23f: {  	[tilespmem:s22+$0x8C60] =	vst v0  }
0x240: {  	[tilespmem:s22+$0x8C70] =	vst v0  }
0x241: {  	[tilespmem:s22+$0x9000] =	vst v0  }
0x242: {  	[tilespmem:s22+$0x9010] =	vst v0  }
0x243: {  	[tilespmem:s22+$0x9020] =	vst v0  }
0x244: {  	[tilespmem:s22+$0x9030] =	vst v0  }
0x245: {  	[tilespmem:s22+$0x9040] =	vst v0  }
0x246: {  	[tilespmem:s22+$0x9050] =	vst v0  }
0x247: {  	s25 =	simm.s32 $0x1;
	[tilespmem:s22+$0x9060] =	vst v0  }
0x248: {  	v1 =	vmov s25;
	s24 =	simm.s32 $0x2;
	s23 =	simm.s32 $0x0;
	[tilespmem:s22+$0x9070] =	vst v0  }
.LBB2_14:
0x249: {  	p1 =	sne.s32 s24, $0x3F;
	v1 =	vand.u32 $0x7F, v1;
	[tilespmem:s22+$0x9400] =	vst v0  }
0x24a: {  	v1 =	vor.u32 $0x200, v1;
	[tilespmem:s22+$0x9410] =	vst v0  }
0x24b: {  	v1 =	vbroadcast v1, $0x0;
	[tilespmem:s22+$0x9420] =	vst v0  }
0x24c: {  	[tilespmem:s22+$0x9430] =	vst v0  }
0x24d: {  	[tilespmem:s22+$0x9440] =	vst v0  }
0x24e: {  	[tilespmem:s22+$0x9450] =	vst v0  }
0x24f: {  	[tilespmem:s22+$0x9460] =	vst v0  }
0x250: {  	[tilespmem:s22+$0x9470] =	vst v0  }
0x251: {  	v0 =	vld.idx.msk [tilespmem:v1+s2+$0x0], $0xffff;
	_ =	sdelay $0x2  }
0x252: {  	s21 =	sadd.s32 $0x80, s21;
	s23 =	sadd.s32 $0x200, s23  }
0x253: {  	s25 =	sand.u32 $0x380, s21;
	s22 =	sand.u32 $0x7000, s23  }
0x254: {  	s22 =	sor.u32 s25, s22  }
0x255: {  	[tilespmem:s22+$0x8800] =	vst v0  }
0x256: {  	[tilespmem:s22+$0x8810] =	vst v0  }
0x257: {  	[tilespmem:s22+$0x8820] =	vst v0  }
0x258: {  	[tilespmem:s22+$0x8830] =	vst v0  }
0x259: {  	[tilespmem:s22+$0x8840] =	vst v0  }
0x25a: {  	[tilespmem:s22+$0x8850] =	vst v0  }
0x25b: {  	[tilespmem:s22+$0x8860] =	vst v0  }
0x25c: {  	[tilespmem:s22+$0x8870] =	vst v0  }
0x25d: {  	[tilespmem:s22+$0x8C00] =	vst v0  }
0x25e: {  	[tilespmem:s22+$0x8C10] =	vst v0  }
0x25f: {  	[tilespmem:s22+$0x8C20] =	vst v0  }
0x260: {  	[tilespmem:s22+$0x8C30] =	vst v0  }
0x261: {  	[tilespmem:s22+$0x8C40] =	vst v0  }
0x262: {  	[tilespmem:s22+$0x8C50] =	vst v0  }
0x263: {  	[tilespmem:s22+$0x8C60] =	vst v0  }
0x264: {  	[tilespmem:s22+$0x8C70] =	vst v0  }
0x265: {  	[tilespmem:s22+$0x9000] =	vst v0  }
0x266: {  	[tilespmem:s22+$0x9010] =	vst v0  }
0x267: {  	[tilespmem:s22+$0x9020] =	vst v0  }
.Ltmp6:
0x268: {  	[tilespmem:s22+$0x9030] =	vst v0;
	(pc) =	sbr.rel @p1 .LBB2_14-.Ltmp6, $4  }
0x269: {  	[tilespmem:s22+$0x9040] =	vst v0  }
0x26a: {  	[tilespmem:s22+$0x9050] =	vst v0  }
0x26b: {  	[tilespmem:s22+$0x9060] =	vst v0  }
0x26c: {  	v1 =	vmov s24;
	s24 =	sadd.s32 $0x1, s24;
	[tilespmem:s22+$0x9070] =	vst v0  }
0x26d: {  	v1 =	vand.u32 $0x7F, v1;
	[tilespmem:s22+$0x9400] =	vst v0  }
0x26e: {  	[tilespmem:s22+$0x9410] =	vst v0;
	v1 =	vor.u32 $0x200, v1  }
0x26f: {  	[tilespmem:s22+$0x9420] =	vst v0;
	v1 =	vbroadcast v1, $0x0  }
0x270: {  	[tilespmem:s22+$0x9430] =	vst v0  }
0x271: {  	[tilespmem:s22+$0x9440] =	vst v0  }
0x272: {  	[tilespmem:s22+$0x9450] =	vst v0  }
0x273: {  	[tilespmem:s22+$0x9460] =	vst v0  }
0x274: {  	[tilespmem:s22+$0x9470] =	vst v0  }
0x275: {  	v0 =	vld.idx.msk [tilespmem:v1+s2+$0x0], $0xffff;
	_ =	sdelay $0x1  }
0x276: {  	s21 =	sadd.s32 $0x80, s21;
	s23 =	sadd.s32 $0x200, s23  }
0x277: {  	s22 =	sand.u32 $0x7000, s23;
	s21 =	sand.u32 $0x380, s21  }
0x278: {  	s21 =	sor.u32 s21, s22  }
0x279: {  	[tilespmem:s21+$0x8800] =	vst v0  }
0x27a: {  	[tilespmem:s21+$0x8810] =	vst v0  }
0x27b: {  	[tilespmem:s21+$0x8820] =	vst v0  }
0x27c: {  	[tilespmem:s21+$0x8830] =	vst v0  }
0x27d: {  	[tilespmem:s21+$0x8840] =	vst v0  }
0x27e: {  	[tilespmem:s21+$0x8850] =	vst v0  }
0x27f: {  	[tilespmem:s21+$0x8860] =	vst v0  }
0x280: {  	[tilespmem:s21+$0x8870] =	vst v0  }
0x281: {  	[tilespmem:s21+$0x8C00] =	vst v0  }
0x282: {  	[tilespmem:s21+$0x8C10] =	vst v0  }
0x283: {  	[tilespmem:s21+$0x8C20] =	vst v0  }
0x284: {  	[tilespmem:s21+$0x8C30] =	vst v0  }
0x285: {  	[tilespmem:s21+$0x8C40] =	vst v0  }
0x286: {  	[tilespmem:s21+$0x8C50] =	vst v0  }
0x287: {  	[tilespmem:s21+$0x8C60] =	vst v0  }
0x288: {  	[tilespmem:s21+$0x8C70] =	vst v0  }
0x289: {  	[tilespmem:s21+$0x9000] =	vst v0  }
0x28a: {  	[tilespmem:s21+$0x9010] =	vst v0  }
0x28b: {  	[tilespmem:s21+$0x9020] =	vst v0  }
0x28c: {  	[tilespmem:s21+$0x9030] =	vst v0  }
0x28d: {  	[tilespmem:s21+$0x9040] =	vst v0  }
0x28e: {  	[tilespmem:s21+$0x9050] =	vst v0  }
0x28f: {  	[tilespmem:s21+$0x9060] =	vst v0  }
0x290: {  	[tilespmem:s21+$0x9070] =	vst v0  }
0x291: {  	[tilespmem:s21+$0x9400] =	vst v0  }
0x292: {  	[tilespmem:s21+$0x9410] =	vst v0  }
0x293: {  	[tilespmem:s21+$0x9420] =	vst v0  }
0x294: {  	[tilespmem:s21+$0x9430] =	vst v0  }
0x295: {  	[tilespmem:s21+$0x9440] =	vst v0  }
0x296: {  	[tilespmem:s21+$0x9450] =	vst v0  }
0x297: {  	[tilespmem:s21+$0x9460] =	vst v0  }
0x298: {  	s24 =	rddreg [dreg:$0x15];
	[tilespmem:s21+$0x9470] =	vst v0  }
0x299: {  	[hbm4b:s24+s13] =	stream.strided.scatter [tilespmem:s15], [sflag:$0x2], $0x8000, s12, s13, $0x38;
	[tilespmem:$0x1A800] =	vst v63  }
0x29a: {  	s25 =	rddreg [dreg:$0x16]  }
0x29b: {  	[hbm4b:s25+s13] =	stream.strided.scatter [tilespmem:s15], [sflag:$0x2], $0x8000, s12, s13, $0x38;
	[tilespmem:$0x1A800] =	vst v63  }
0x29c: {  	s22 =	rddreg [dreg:$0x17]  }
0x29d: {  	[hbm4b:s22+s13] =	stream.strided.scatter [tilespmem:s15], [sflag:$0x2], $0x8000, s12, s13, $0x38;
	[tilespmem:$0x1A800] =	vst v63  }
0x29e: {  	_ = 	snop  }
0x29f: {  	[hbm4b:s26+s13] =	stream.strided.scatter [tilespmem:s15], [sflag:$0x2], $0x8000, s12, s13, $0x38;
	[tilespmem:$0x1A800] =	vst v63  }
0x2a0: {  	_ =	swait.ge [sflag:s19], $0x8000  }
0x2a1: {  	[sflag:s19] =	ssyncset.done $0x0  }
0x2a2: {  	s21 =	simm.s32 $0x0;
	[sflag:s19] =	ssyncadd.s32 $0xFFFF8000  }
0x2a3: {  	v0 =	vmov s21;
	_ =	swait.ge [sflag:s19], $0x8000  }
0x2a4: {  	v0 =	vand.u32 $0x7F, v0;
	[sflag:s19] =	ssyncset.done $0x0  }
0x2a5: {  	v0 =	vor.u32 $0x280, v0;
	[sflag:s19] =	ssyncadd.s32 $0xFFFF8000  }
0x2a6: {  	v0 =	vbroadcast v0, $0x0;
	_ =	swait.ge [sflag:s19], $0x8000  }
0x2a7: {  	[sflag:s19] =	ssyncset.done $0x0  }
0x2a8: {  	[sflag:s19] =	ssyncadd.s32 $0xFFFF8000  }
0x2a9: {  	_ =	swait.ge [sflag:s19], $0x8000  }
0x2aa: {  	[sflag:s19] =	ssyncset.done $0x0  }
0x2ab: {  	[sflag:s19] =	ssyncadd.s32 $0xFFFF8000  }
0x2ac: {  	v0 =	vld.idx.msk [tilespmem:v0+s2+$0x0], $0xffff;
	_ =	sdelay $0x2  }
0x2ad: {  	s23 =	sand.u32 $0x7000, s21;
	s24 =	sand.u32 $0x380, s21  }
0x2ae: {  	s22 =	sor.u32 s24, s23  }
0x2af: {  	[tilespmem:s22+$0x10800] =	vst v0  }
0x2b0: {  	[tilespmem:s22+$0x10810] =	vst v0  }
0x2b1: {  	[tilespmem:s22+$0x10820] =	vst v0  }
0x2b2: {  	[tilespmem:s22+$0x10830] =	vst v0  }
0x2b3: {  	[tilespmem:s22+$0x10840] =	vst v0  }
0x2b4: {  	[tilespmem:s22+$0x10850] =	vst v0  }
0x2b5: {  	[tilespmem:s22+$0x10860] =	vst v0  }
0x2b6: {  	[tilespmem:s22+$0x10870] =	vst v0  }
0x2b7: {  	[tilespmem:s22+$0x10C00] =	vst v0  }
0x2b8: {  	[tilespmem:s22+$0x10C10] =	vst v0  }
0x2b9: {  	[tilespmem:s22+$0x10C20] =	vst v0  }
0x2ba: {  	[tilespmem:s22+$0x10C30] =	vst v0  }
0x2bb: {  	[tilespmem:s22+$0x10C40] =	vst v0  }
0x2bc: {  	[tilespmem:s22+$0x10C50] =	vst v0  }
0x2bd: {  	[tilespmem:s22+$0x10C60] =	vst v0  }
0x2be: {  	[tilespmem:s22+$0x10C70] =	vst v0  }
0x2bf: {  	[tilespmem:s22+$0x11000] =	vst v0  }
0x2c0: {  	[tilespmem:s22+$0x11010] =	vst v0  }
0x2c1: {  	[tilespmem:s22+$0x11020] =	vst v0  }
0x2c2: {  	[tilespmem:s22+$0x11030] =	vst v0  }
0x2c3: {  	[tilespmem:s22+$0x11040] =	vst v0  }
0x2c4: {  	[tilespmem:s22+$0x11050] =	vst v0  }
0x2c5: {  	s25 =	simm.s32 $0x1;
	[tilespmem:s22+$0x11060] =	vst v0  }
0x2c6: {  	v1 =	vmov s25;
	s24 =	simm.s32 $0x2;
	s23 =	simm.s32 $0x0;
	[tilespmem:s22+$0x11070] =	vst v0  }
.LBB2_16:
0x2c7: {  	p1 =	sne.s32 s24, $0x3F;
	v1 =	vand.u32 $0x7F, v1;
	[tilespmem:s22+$0x11400] =	vst v0  }
0x2c8: {  	v1 =	vor.u32 $0x280, v1;
	[tilespmem:s22+$0x11410] =	vst v0  }
0x2c9: {  	v1 =	vbroadcast v1, $0x0;
	[tilespmem:s22+$0x11420] =	vst v0  }
0x2ca: {  	[tilespmem:s22+$0x11430] =	vst v0  }
0x2cb: {  	[tilespmem:s22+$0x11440] =	vst v0  }
0x2cc: {  	[tilespmem:s22+$0x11450] =	vst v0  }
0x2cd: {  	[tilespmem:s22+$0x11460] =	vst v0  }
0x2ce: {  	[tilespmem:s22+$0x11470] =	vst v0  }
0x2cf: {  	v0 =	vld.idx.msk [tilespmem:v1+s2+$0x0], $0xffff;
	_ =	sdelay $0x2  }
0x2d0: {  	s21 =	sadd.s32 $0x80, s21;
	s23 =	sadd.s32 $0x200, s23  }
0x2d1: {  	s25 =	sand.u32 $0x380, s21;
	s22 =	sand.u32 $0x7000, s23  }
0x2d2: {  	s22 =	sor.u32 s25, s22  }
0x2d3: {  	[tilespmem:s22+$0x10800] =	vst v0  }
0x2d4: {  	[tilespmem:s22+$0x10810] =	vst v0  }
0x2d5: {  	[tilespmem:s22+$0x10820] =	vst v0  }
0x2d6: {  	[tilespmem:s22+$0x10830] =	vst v0  }
0x2d7: {  	[tilespmem:s22+$0x10840] =	vst v0  }
0x2d8: {  	[tilespmem:s22+$0x10850] =	vst v0  }
0x2d9: {  	[tilespmem:s22+$0x10860] =	vst v0  }
0x2da: {  	[tilespmem:s22+$0x10870] =	vst v0  }
0x2db: {  	[tilespmem:s22+$0x10C00] =	vst v0  }
0x2dc: {  	[tilespmem:s22+$0x10C10] =	vst v0  }
0x2dd: {  	[tilespmem:s22+$0x10C20] =	vst v0  }
0x2de: {  	[tilespmem:s22+$0x10C30] =	vst v0  }
0x2df: {  	[tilespmem:s22+$0x10C40] =	vst v0  }
0x2e0: {  	[tilespmem:s22+$0x10C50] =	vst v0  }
0x2e1: {  	[tilespmem:s22+$0x10C60] =	vst v0  }
0x2e2: {  	[tilespmem:s22+$0x10C70] =	vst v0  }
0x2e3: {  	[tilespmem:s22+$0x11000] =	vst v0  }
0x2e4: {  	[tilespmem:s22+$0x11010] =	vst v0  }
0x2e5: {  	[tilespmem:s22+$0x11020] =	vst v0  }
.Ltmp7:
0x2e6: {  	[tilespmem:s22+$0x11030] =	vst v0;
	(pc) =	sbr.rel @p1 .LBB2_16-.Ltmp7, $4  }
0x2e7: {  	[tilespmem:s22+$0x11040] =	vst v0  }
0x2e8: {  	[tilespmem:s22+$0x11050] =	vst v0  }
0x2e9: {  	[tilespmem:s22+$0x11060] =	vst v0  }
0x2ea: {  	v1 =	vmov s24;
	s24 =	sadd.s32 $0x1, s24;
	[tilespmem:s22+$0x11070] =	vst v0  }
0x2eb: {  	v1 =	vand.u32 $0x7F, v1;
	[tilespmem:s22+$0x11400] =	vst v0  }
0x2ec: {  	[tilespmem:s22+$0x11410] =	vst v0;
	v1 =	vor.u32 $0x280, v1  }
0x2ed: {  	[tilespmem:s22+$0x11420] =	vst v0;
	v1 =	vbroadcast v1, $0x0  }
0x2ee: {  	[tilespmem:s22+$0x11430] =	vst v0  }
0x2ef: {  	[tilespmem:s22+$0x11440] =	vst v0  }
0x2f0: {  	[tilespmem:s22+$0x11450] =	vst v0  }
0x2f1: {  	[tilespmem:s22+$0x11460] =	vst v0  }
0x2f2: {  	[tilespmem:s22+$0x11470] =	vst v0  }
0x2f3: {  	v0 =	vld.idx.msk [tilespmem:v1+s2+$0x0], $0xffff;
	_ =	sdelay $0x1  }
0x2f4: {  	s21 =	sadd.s32 $0x80, s21;
	s25 =	sadd.s32 $0x200, s23  }
0x2f5: {  	s22 =	sand.u32 $0x7000, s25;
	s21 =	sand.u32 $0x380, s21  }
0x2f6: {  	s21 =	sor.u32 s21, s22  }
0x2f7: {  	[tilespmem:s21+$0x10800] =	vst v0  }
0x2f8: {  	[tilespmem:s21+$0x10810] =	vst v0  }
0x2f9: {  	[tilespmem:s21+$0x10820] =	vst v0  }
0x2fa: {  	[tilespmem:s21+$0x10830] =	vst v0  }
0x2fb: {  	[tilespmem:s21+$0x10840] =	vst v0  }
0x2fc: {  	[tilespmem:s21+$0x10850] =	vst v0  }
0x2fd: {  	[tilespmem:s21+$0x10860] =	vst v0  }
0x2fe: {  	[tilespmem:s21+$0x10870] =	vst v0  }
0x2ff: {  	[tilespmem:s21+$0x10C00] =	vst v0  }
0x300: {  	[tilespmem:s21+$0x10C10] =	vst v0  }
0x301: {  	[tilespmem:s21+$0x10C20] =	vst v0  }
0x302: {  	[tilespmem:s21+$0x10C30] =	vst v0  }
0x303: {  	[tilespmem:s21+$0x10C40] =	vst v0  }
0x304: {  	[tilespmem:s21+$0x10C50] =	vst v0  }
0x305: {  	[tilespmem:s21+$0x10C60] =	vst v0  }
0x306: {  	[tilespmem:s21+$0x10C70] =	vst v0  }
0x307: {  	[tilespmem:s21+$0x11000] =	vst v0  }
0x308: {  	[tilespmem:s21+$0x11010] =	vst v0  }
0x309: {  	[tilespmem:s21+$0x11020] =	vst v0  }
0x30a: {  	[tilespmem:s21+$0x11030] =	vst v0  }
0x30b: {  	[tilespmem:s21+$0x11040] =	vst v0  }
0x30c: {  	[tilespmem:s21+$0x11050] =	vst v0  }
0x30d: {  	[tilespmem:s21+$0x11060] =	vst v0  }
0x30e: {  	[tilespmem:s21+$0x11070] =	vst v0  }
0x30f: {  	[tilespmem:s21+$0x11400] =	vst v0  }
0x310: {  	[tilespmem:s21+$0x11410] =	vst v0  }
0x311: {  	[tilespmem:s21+$0x11420] =	vst v0  }
0x312: {  	[tilespmem:s21+$0x11430] =	vst v0  }
0x313: {  	[tilespmem:s21+$0x11440] =	vst v0  }
0x314: {  	[tilespmem:s21+$0x11450] =	vst v0  }
0x315: {  	[tilespmem:s21+$0x11460] =	vst v0  }
0x316: {  	[tilespmem:s21+$0x11470] =	vst v0  }
0x317: {  	[hbm4b:s28+s13] =	stream.strided.scatter [tilespmem:s16], [sflag:$0x3], $0x8000, s12, s13, $0x38;
	[tilespmem:$0x1A800] =	vst v63  }
0x318: {  	_ = 	snop  }
0x319: {  	[hbm4b:s29+s13] =	stream.strided.scatter [tilespmem:s16], [sflag:$0x3], $0x8000, s12, s13, $0x38;
	[tilespmem:$0x1A800] =	vst v63  }
0x31a: {  	_ = 	snop  }
0x31b: {  	[hbm4b:s30+s13] =	stream.strided.scatter [tilespmem:s16], [sflag:$0x3], $0x8000, s12, s13, $0x38;
	[tilespmem:$0x1A800] =	vst v63  }
0x31c: {  	_ = 	snop  }
0x31d: {  	[hbm4b:s31+s13] =	stream.strided.scatter [tilespmem:s16], [sflag:$0x3], $0x8000, s12, s13, $0x38;
	[tilespmem:$0x1A800] =	vst v63  }
0x31e: {  	_ =	swait.ge [sflag:s17], $0x8000  }
0x31f: {  	[sflag:s17] =	ssyncset.done $0x0  }
0x320: {  	s21 =	simm.s32 $0x0;
	[sflag:s17] =	ssyncadd.s32 $0xFFFF8000  }
0x321: {  	v0 =	vmov s21;
	_ =	swait.ge [sflag:s17], $0x8000  }
0x322: {  	v0 =	vand.u32 $0x7F, v0;
	[sflag:s17] =	ssyncset.done $0x0  }
0x323: {  	v0 =	vor.u32 $0x300, v0;
	[sflag:s17] =	ssyncadd.s32 $0xFFFF8000  }
0x324: {  	v0 =	vbroadcast v0, $0x0;
	_ =	swait.ge [sflag:s17], $0x8000  }
0x325: {  	[sflag:s17] =	ssyncset.done $0x0  }
0x326: {  	[sflag:s17] =	ssyncadd.s32 $0xFFFF8000  }
0x327: {  	_ =	swait.ge [sflag:s17], $0x8000  }
0x328: {  	[sflag:s17] =	ssyncset.done $0x0  }
0x329: {  	[sflag:s17] =	ssyncadd.s32 $0xFFFF8000  }
0x32a: {  	v0 =	vld.idx.msk [tilespmem:v0+s2+$0x0], $0xffff;
	_ =	sdelay $0x2  }
0x32b: {  	s23 =	sand.u32 $0x7000, s21;
	s24 =	sand.u32 $0x380, s21  }
0x32c: {  	s22 =	sor.u32 s24, s23  }
0x32d: {  	[tilespmem:s22+$0x800] =	vst v0  }
0x32e: {  	[tilespmem:s22+$0x810] =	vst v0  }
0x32f: {  	[tilespmem:s22+$0x820] =	vst v0  }
0x330: {  	[tilespmem:s22+$0x830] =	vst v0  }
0x331: {  	[tilespmem:s22+$0x840] =	vst v0  }
0x332: {  	[tilespmem:s22+$0x850] =	vst v0  }
0x333: {  	[tilespmem:s22+$0x860] =	vst v0  }
0x334: {  	[tilespmem:s22+$0x870] =	vst v0  }
0x335: {  	[tilespmem:s22+$0xC00] =	vst v0  }
0x336: {  	[tilespmem:s22+$0xC10] =	vst v0  }
0x337: {  	[tilespmem:s22+$0xC20] =	vst v0  }
0x338: {  	[tilespmem:s22+$0xC30] =	vst v0  }
0x339: {  	[tilespmem:s22+$0xC40] =	vst v0  }
0x33a: {  	[tilespmem:s22+$0xC50] =	vst v0  }
0x33b: {  	[tilespmem:s22+$0xC60] =	vst v0  }
0x33c: {  	[tilespmem:s22+$0xC70] =	vst v0  }
0x33d: {  	[tilespmem:s22+$0x1000] =	vst v0  }
0x33e: {  	[tilespmem:s22+$0x1010] =	vst v0  }
0x33f: {  	[tilespmem:s22+$0x1020] =	vst v0  }
0x340: {  	[tilespmem:s22+$0x1030] =	vst v0  }
0x341: {  	[tilespmem:s22+$0x1040] =	vst v0  }
0x342: {  	[tilespmem:s22+$0x1050] =	vst v0  }
0x343: {  	s25 =	simm.s32 $0x1;
	[tilespmem:s22+$0x1060] =	vst v0  }
0x344: {  	v1 =	vmov s25;
	s24 =	simm.s32 $0x2;
	s23 =	simm.s32 $0x0;
	[tilespmem:s22+$0x1070] =	vst v0  }
.LBB2_18:
0x345: {  	p1 =	sne.s32 s24, $0x3F;
	v1 =	vand.u32 $0x7F, v1;
	[tilespmem:s22+$0x1400] =	vst v0  }
0x346: {  	v1 =	vor.u32 $0x300, v1;
	[tilespmem:s22+$0x1410] =	vst v0  }
0x347: {  	v1 =	vbroadcast v1, $0x0;
	[tilespmem:s22+$0x1420] =	vst v0  }
0x348: {  	[tilespmem:s22+$0x1430] =	vst v0  }
0x349: {  	[tilespmem:s22+$0x1440] =	vst v0  }
0x34a: {  	[tilespmem:s22+$0x1450] =	vst v0  }
0x34b: {  	[tilespmem:s22+$0x1460] =	vst v0  }
0x34c: {  	[tilespmem:s22+$0x1470] =	vst v0  }
0x34d: {  	v0 =	vld.idx.msk [tilespmem:v1+s2+$0x0], $0xffff;
	_ =	sdelay $0x2  }
0x34e: {  	s21 =	sadd.s32 $0x80, s21;
	s23 =	sadd.s32 $0x200, s23  }
0x34f: {  	s25 =	sand.u32 $0x380, s21;
	s22 =	sand.u32 $0x7000, s23  }
0x350: {  	s22 =	sor.u32 s25, s22  }
0x351: {  	[tilespmem:s22+$0x800] =	vst v0  }
0x352: {  	[tilespmem:s22+$0x810] =	vst v0  }
0x353: {  	[tilespmem:s22+$0x820] =	vst v0  }
0x354: {  	[tilespmem:s22+$0x830] =	vst v0  }
0x355: {  	[tilespmem:s22+$0x840] =	vst v0  }
0x356: {  	[tilespmem:s22+$0x850] =	vst v0  }
0x357: {  	[tilespmem:s22+$0x860] =	vst v0  }
0x358: {  	[tilespmem:s22+$0x870] =	vst v0  }
0x359: {  	[tilespmem:s22+$0xC00] =	vst v0  }
0x35a: {  	[tilespmem:s22+$0xC10] =	vst v0  }
0x35b: {  	[tilespmem:s22+$0xC20] =	vst v0  }
0x35c: {  	[tilespmem:s22+$0xC30] =	vst v0  }
0x35d: {  	[tilespmem:s22+$0xC40] =	vst v0  }
0x35e: {  	[tilespmem:s22+$0xC50] =	vst v0  }
0x35f: {  	[tilespmem:s22+$0xC60] =	vst v0  }
0x360: {  	[tilespmem:s22+$0xC70] =	vst v0  }
0x361: {  	[tilespmem:s22+$0x1000] =	vst v0  }
0x362: {  	[tilespmem:s22+$0x1010] =	vst v0  }
0x363: {  	[tilespmem:s22+$0x1020] =	vst v0  }
.Ltmp8:
0x364: {  	[tilespmem:s22+$0x1030] =	vst v0;
	(pc) =	sbr.rel @p1 .LBB2_18-.Ltmp8, $4  }
0x365: {  	[tilespmem:s22+$0x1040] =	vst v0  }
0x366: {  	[tilespmem:s22+$0x1050] =	vst v0  }
0x367: {  	[tilespmem:s22+$0x1060] =	vst v0  }
0x368: {  	v1 =	vmov s24;
	s24 =	sadd.s32 $0x1, s24;
	[tilespmem:s22+$0x1070] =	vst v0  }
0x369: {  	v1 =	vand.u32 $0x7F, v1;
	[tilespmem:s22+$0x1400] =	vst v0  }
0x36a: {  	[tilespmem:s22+$0x1410] =	vst v0;
	v1 =	vor.u32 $0x300, v1  }
0x36b: {  	[tilespmem:s22+$0x1420] =	vst v0;
	v1 =	vbroadcast v1, $0x0  }
0x36c: {  	[tilespmem:s22+$0x1430] =	vst v0  }
0x36d: {  	[tilespmem:s22+$0x1440] =	vst v0  }
0x36e: {  	[tilespmem:s22+$0x1450] =	vst v0  }
0x36f: {  	[tilespmem:s22+$0x1460] =	vst v0  }
0x370: {  	[tilespmem:s22+$0x1470] =	vst v0  }
0x371: {  	v0 =	vld.idx.msk [tilespmem:v1+s2+$0x0], $0xffff;
	_ =	sdelay $0x1  }
0x372: {  	s21 =	sadd.s32 $0x80, s21;
	s25 =	sadd.s32 $0x200, s23  }
0x373: {  	s22 =	sand.u32 $0x7000, s25;
	s21 =	sand.u32 $0x380, s21  }
0x374: {  	s21 =	sor.u32 s21, s22  }
0x375: {  	[tilespmem:s21+$0x800] =	vst v0  }
0x376: {  	[tilespmem:s21+$0x810] =	vst v0  }
0x377: {  	[tilespmem:s21+$0x820] =	vst v0  }
0x378: {  	[tilespmem:s21+$0x830] =	vst v0  }
0x379: {  	[tilespmem:s21+$0x840] =	vst v0  }
0x37a: {  	[tilespmem:s21+$0x850] =	vst v0  }
0x37b: {  	[tilespmem:s21+$0x860] =	vst v0  }
0x37c: {  	[tilespmem:s21+$0x870] =	vst v0  }
0x37d: {  	[tilespmem:s21+$0xC00] =	vst v0  }
0x37e: {  	[tilespmem:s21+$0xC10] =	vst v0  }
0x37f: {  	[tilespmem:s21+$0xC20] =	vst v0  }
0x380: {  	[tilespmem:s21+$0xC30] =	vst v0  }
0x381: {  	[tilespmem:s21+$0xC40] =	vst v0  }
0x382: {  	[tilespmem:s21+$0xC50] =	vst v0  }
0x383: {  	[tilespmem:s21+$0xC60] =	vst v0  }
0x384: {  	[tilespmem:s21+$0xC70] =	vst v0  }
0x385: {  	[tilespmem:s21+$0x1000] =	vst v0  }
0x386: {  	[tilespmem:s21+$0x1010] =	vst v0  }
0x387: {  	[tilespmem:s21+$0x1020] =	vst v0  }
0x388: {  	[tilespmem:s21+$0x1030] =	vst v0  }
0x389: {  	[tilespmem:s21+$0x1040] =	vst v0  }
0x38a: {  	[tilespmem:s21+$0x1050] =	vst v0  }
0x38b: {  	[tilespmem:s21+$0x1060] =	vst v0  }
0x38c: {  	[tilespmem:s21+$0x1070] =	vst v0  }
0x38d: {  	[tilespmem:s21+$0x1400] =	vst v0  }
0x38e: {  	[tilespmem:s21+$0x1410] =	vst v0  }
0x38f: {  	[tilespmem:s21+$0x1420] =	vst v0  }
0x390: {  	[tilespmem:s21+$0x1430] =	vst v0  }
0x391: {  	[tilespmem:s21+$0x1440] =	vst v0  }
0x392: {  	[tilespmem:s21+$0x1450] =	vst v0  }
0x393: {  	[tilespmem:s21+$0x1460] =	vst v0  }
0x394: {  	[tilespmem:s21+$0x1470] =	vst v0  }
0x395: {  	[hbm4b:s0+s13] =	stream.strided.scatter [tilespmem:s14], [sflag:$0x1], $0x8000, s12, s13, $0x38;
	[tilespmem:$0x1A800] =	vst v63  }
0x396: {  	_ = 	snop  }
0x397: {  	[hbm4b:s1+s13] =	stream.strided.scatter [tilespmem:s14], [sflag:$0x1], $0x8000, s12, s13, $0x38;
	[tilespmem:$0x1A800] =	vst v63  }
0x398: {  	_ = 	snop  }
0x399: {  	[hbm4b:s4+s13] =	stream.strided.scatter [tilespmem:s14], [sflag:$0x1], $0x8000, s12, s13, $0x38;
	[tilespmem:$0x1A800] =	vst v63  }
0x39a: {  	_ = 	snop  }
0x39b: {  	[hbm4b:s5+s13] =	stream.strided.scatter [tilespmem:s14], [sflag:$0x1], $0x8000, s12, s13, $0x38;
	[tilespmem:$0x1A800] =	vst v63  }
0x39c: {  	_ =	swait.ge [sflag:s18], $0x8000  }
0x39d: {  	[sflag:s18] =	ssyncset.done $0x0  }
0x39e: {  	s21 =	simm.s32 $0x0;
	[sflag:s18] =	ssyncadd.s32 $0xFFFF8000  }
0x39f: {  	v0 =	vmov s21;
	_ =	swait.ge [sflag:s18], $0x8000  }
0x3a0: {  	v0 =	vand.u32 $0x7F, v0;
	[sflag:s18] =	ssyncset.done $0x0  }
0x3a1: {  	v0 =	vor.u32 $0x380, v0;
	[sflag:s18] =	ssyncadd.s32 $0xFFFF8000  }
0x3a2: {  	v0 =	vbroadcast v0, $0x0;
	_ =	swait.ge [sflag:s18], $0x8000  }
0x3a3: {  	[sflag:s18] =	ssyncset.done $0x0  }
0x3a4: {  	[sflag:s18] =	ssyncadd.s32 $0xFFFF8000  }
0x3a5: {  	_ =	swait.ge [sflag:s18], $0x8000  }
0x3a6: {  	[sflag:s18] =	ssyncset.done $0x0  }
0x3a7: {  	[sflag:s18] =	ssyncadd.s32 $0xFFFF8000  }
0x3a8: {  	v0 =	vld.idx.msk [tilespmem:v0+s2+$0x0], $0xffff;
	_ =	sdelay $0x2  }
0x3a9: {  	s23 =	sand.u32 $0x7000, s21;
	s24 =	sand.u32 $0x380, s21  }
0x3aa: {  	s22 =	sor.u32 s24, s23  }
0x3ab: {  	[tilespmem:s22+$0x8800] =	vst v0  }
0x3ac: {  	[tilespmem:s22+$0x8810] =	vst v0  }
0x3ad: {  	[tilespmem:s22+$0x8820] =	vst v0  }
0x3ae: {  	[tilespmem:s22+$0x8830] =	vst v0  }
0x3af: {  	[tilespmem:s22+$0x8840] =	vst v0  }
0x3b0: {  	[tilespmem:s22+$0x8850] =	vst v0  }
0x3b1: {  	[tilespmem:s22+$0x8860] =	vst v0  }
0x3b2: {  	[tilespmem:s22+$0x8870] =	vst v0  }
0x3b3: {  	[tilespmem:s22+$0x8C00] =	vst v0  }
0x3b4: {  	[tilespmem:s22+$0x8C10] =	vst v0  }
0x3b5: {  	[tilespmem:s22+$0x8C20] =	vst v0  }
0x3b6: {  	[tilespmem:s22+$0x8C30] =	vst v0  }
0x3b7: {  	[tilespmem:s22+$0x8C40] =	vst v0  }
0x3b8: {  	[tilespmem:s22+$0x8C50] =	vst v0  }
0x3b9: {  	[tilespmem:s22+$0x8C60] =	vst v0  }
0x3ba: {  	[tilespmem:s22+$0x8C70] =	vst v0  }
0x3bb: {  	[tilespmem:s22+$0x9000] =	vst v0  }
0x3bc: {  	[tilespmem:s22+$0x9010] =	vst v0  }
0x3bd: {  	[tilespmem:s22+$0x9020] =	vst v0  }
0x3be: {  	[tilespmem:s22+$0x9030] =	vst v0  }
0x3bf: {  	[tilespmem:s22+$0x9040] =	vst v0  }
0x3c0: {  	[tilespmem:s22+$0x9050] =	vst v0  }
0x3c1: {  	s25 =	simm.s32 $0x1;
	[tilespmem:s22+$0x9060] =	vst v0  }
0x3c2: {  	v1 =	vmov s25;
	s24 =	simm.s32 $0x2;
	s23 =	simm.s32 $0x0;
	[tilespmem:s22+$0x9070] =	vst v0  }
.LBB2_20:
0x3c3: {  	p1 =	sne.s32 s24, $0x3F;
	v1 =	vand.u32 $0x7F, v1;
	[tilespmem:s22+$0x9400] =	vst v0  }
0x3c4: {  	v1 =	vor.u32 $0x380, v1;
	[tilespmem:s22+$0x9410] =	vst v0  }
0x3c5: {  	v1 =	vbroadcast v1, $0x0;
	[tilespmem:s22+$0x9420] =	vst v0  }
0x3c6: {  	[tilespmem:s22+$0x9430] =	vst v0  }
0x3c7: {  	[tilespmem:s22+$0x9440] =	vst v0  }
0x3c8: {  	[tilespmem:s22+$0x9450] =	vst v0  }
0x3c9: {  	[tilespmem:s22+$0x9460] =	vst v0  }
0x3ca: {  	[tilespmem:s22+$0x9470] =	vst v0  }
0x3cb: {  	v0 =	vld.idx.msk [tilespmem:v1+s2+$0x0], $0xffff;
	_ =	sdelay $0x2  }
0x3cc: {  	s21 =	sadd.s32 $0x80, s21;
	s23 =	sadd.s32 $0x200, s23  }
0x3cd: {  	s25 =	sand.u32 $0x380, s21;
	s22 =	sand.u32 $0x7000, s23  }
0x3ce: {  	s22 =	sor.u32 s25, s22  }
0x3cf: {  	[tilespmem:s22+$0x8800] =	vst v0  }
0x3d0: {  	[tilespmem:s22+$0x8810] =	vst v0  }
0x3d1: {  	[tilespmem:s22+$0x8820] =	vst v0  }
0x3d2: {  	[tilespmem:s22+$0x8830] =	vst v0  }
0x3d3: {  	[tilespmem:s22+$0x8840] =	vst v0  }
0x3d4: {  	[tilespmem:s22+$0x8850] =	vst v0  }
0x3d5: {  	[tilespmem:s22+$0x8860] =	vst v0  }
0x3d6: {  	[tilespmem:s22+$0x8870] =	vst v0  }
0x3d7: {  	[tilespmem:s22+$0x8C00] =	vst v0  }
0x3d8: {  	[tilespmem:s22+$0x8C10] =	vst v0  }
0x3d9: {  	[tilespmem:s22+$0x8C20] =	vst v0  }
0x3da: {  	[tilespmem:s22+$0x8C30] =	vst v0  }
0x3db: {  	[tilespmem:s22+$0x8C40] =	vst v0  }
0x3dc: {  	[tilespmem:s22+$0x8C50] =	vst v0  }
0x3dd: {  	[tilespmem:s22+$0x8C60] =	vst v0  }
0x3de: {  	[tilespmem:s22+$0x8C70] =	vst v0  }
0x3df: {  	[tilespmem:s22+$0x9000] =	vst v0  }
0x3e0: {  	[tilespmem:s22+$0x9010] =	vst v0  }
0x3e1: {  	[tilespmem:s22+$0x9020] =	vst v0  }
.Ltmp9:
0x3e2: {  	[tilespmem:s22+$0x9030] =	vst v0;
	(pc) =	sbr.rel @p1 .LBB2_20-.Ltmp9, $4  }
0x3e3: {  	[tilespmem:s22+$0x9040] =	vst v0  }
0x3e4: {  	[tilespmem:s22+$0x9050] =	vst v0  }
0x3e5: {  	[tilespmem:s22+$0x9060] =	vst v0  }
0x3e6: {  	v1 =	vmov s24;
	s24 =	sadd.s32 $0x1, s24;
	[tilespmem:s22+$0x9070] =	vst v0  }
0x3e7: {  	v1 =	vand.u32 $0x7F, v1;
	[tilespmem:s22+$0x9400] =	vst v0  }
0x3e8: {  	[tilespmem:s22+$0x9410] =	vst v0;
	v1 =	vor.u32 $0x380, v1  }
0x3e9: {  	[tilespmem:s22+$0x9420] =	vst v0;
	v1 =	vbroadcast v1, $0x0  }
0x3ea: {  	[tilespmem:s22+$0x9430] =	vst v0  }
0x3eb: {  	[tilespmem:s22+$0x9440] =	vst v0  }
0x3ec: {  	[tilespmem:s22+$0x9450] =	vst v0  }
0x3ed: {  	[tilespmem:s22+$0x9460] =	vst v0  }
0x3ee: {  	[tilespmem:s22+$0x9470] =	vst v0  }
0x3ef: {  	v0 =	vld.idx.msk [tilespmem:v1+s2+$0x0], $0xffff;
	_ =	sdelay $0x1  }
0x3f0: {  	s21 =	sadd.s32 $0x80, s21;
	s24 =	sadd.s32 $0x200, s23  }
0x3f1: {  	s22 =	sand.u32 $0x7000, s24;
	s21 =	sand.u32 $0x380, s21  }
0x3f2: {  	s21 =	sor.u32 s21, s22  }
0x3f3: {  	[tilespmem:s21+$0x8800] =	vst v0  }
0x3f4: {  	[tilespmem:s21+$0x8810] =	vst v0  }
0x3f5: {  	[tilespmem:s21+$0x8820] =	vst v0  }
0x3f6: {  	[tilespmem:s21+$0x8830] =	vst v0  }
0x3f7: {  	[tilespmem:s21+$0x8840] =	vst v0  }
0x3f8: {  	[tilespmem:s21+$0x8850] =	vst v0  }
0x3f9: {  	[tilespmem:s21+$0x8860] =	vst v0  }
0x3fa: {  	[tilespmem:s21+$0x8870] =	vst v0  }
0x3fb: {  	[tilespmem:s21+$0x8C00] =	vst v0  }
0x3fc: {  	[tilespmem:s21+$0x8C10] =	vst v0  }
0x3fd: {  	[tilespmem:s21+$0x8C20] =	vst v0  }
0x3fe: {  	[tilespmem:s21+$0x8C30] =	vst v0  }
0x3ff: {  	[tilespmem:s21+$0x8C40] =	vst v0  }
0x400: {  	[tilespmem:s21+$0x8C50] =	vst v0  }
0x401: {  	[tilespmem:s21+$0x8C60] =	vst v0  }
0x402: {  	[tilespmem:s21+$0x8C70] =	vst v0  }
0x403: {  	[tilespmem:s21+$0x9000] =	vst v0  }
0x404: {  	[tilespmem:s21+$0x9010] =	vst v0  }
0x405: {  	[tilespmem:s21+$0x9020] =	vst v0  }
0x406: {  	[tilespmem:s21+$0x9030] =	vst v0  }
0x407: {  	[tilespmem:s21+$0x9040] =	vst v0  }
0x408: {  	[tilespmem:s21+$0x9050] =	vst v0  }
0x409: {  	[tilespmem:s21+$0x9060] =	vst v0  }
0x40a: {  	[tilespmem:s21+$0x9070] =	vst v0  }
0x40b: {  	[tilespmem:s21+$0x9400] =	vst v0  }
0x40c: {  	[tilespmem:s21+$0x9410] =	vst v0  }
0x40d: {  	[tilespmem:s21+$0x9420] =	vst v0  }
0x40e: {  	[tilespmem:s21+$0x9430] =	vst v0  }
0x40f: {  	[tilespmem:s21+$0x9440] =	vst v0  }
0x410: {  	[tilespmem:s21+$0x9450] =	vst v0  }
0x411: {  	[tilespmem:s21+$0x9460] =	vst v0  }
0x412: {  	[tilespmem:s21+$0x9470] =	vst v0  }
0x413: {  	[hbm4b:s3+s13] =	stream.strided.scatter [tilespmem:s15], [sflag:$0x2], $0x8000, s12, s13, $0x38;
	[tilespmem:$0x1A800] =	vst v63  }
0x414: {  	_ = 	snop  }
0x415: {  	[hbm4b:s7+s13] =	stream.strided.scatter [tilespmem:s15], [sflag:$0x2], $0x8000, s12, s13, $0x38;
	[tilespmem:$0x1A800] =	vst v63  }
0x416: {  	_ = 	snop  }
0x417: {  	[hbm4b:s8+s13] =	stream.strided.scatter [tilespmem:s15], [sflag:$0x2], $0x8000, s12, s13, $0x38;
	[tilespmem:$0x1A800] =	vst v63  }
0x418: {  	_ = 	snop  }
0x419: {  	[hbm4b:s9+s13] =	stream.strided.scatter [tilespmem:s15], [sflag:$0x2], $0x8000, s12, s13, $0x38;
	[tilespmem:$0x1A800] =	vst v63  }
0x41a: {  	_ =	swait.ge [sflag:s17], $0x8000  }
0x41b: {  	[sflag:s17] =	ssyncset.done $0x0  }
0x41c: {  	[sflag:s17] =	ssyncadd.s32 $0xFFFF8000  }
0x41d: {  	_ =	swait.ge [sflag:s17], $0x8000  }
0x41e: {  	[sflag:s17] =	ssyncset.done $0x0  }
0x41f: {  	[sflag:s17] =	ssyncadd.s32 $0xFFFF8000  }
0x420: {  	_ =	swait.ge [sflag:s17], $0x8000  }
0x421: {  	[sflag:s17] =	ssyncset.done $0x0  }
0x422: {  	[sflag:s17] =	ssyncadd.s32 $0xFFFF8000  }
0x423: {  	_ =	swait.ge [sflag:s17], $0x8000  }
0x424: {  	[sflag:s17] =	ssyncset.done $0x0  }
0x425: {  	[sflag:s17] =	ssyncadd.s32 $0xFFFF8000  }
0x426: {  	_ =	swait.ge [sflag:s18], $0x8000  }
0x427: {  	[sflag:s18] =	ssyncset.done $0x0  }
0x428: {  	[sflag:s18] =	ssyncadd.s32 $0xFFFF8000  }
0x429: {  	_ =	swait.ge [sflag:s18], $0x8000  }
0x42a: {  	[sflag:s18] =	ssyncset.done $0x0  }
0x42b: {  	[sflag:s18] =	ssyncadd.s32 $0xFFFF8000  }
0x42c: {  	_ =	swait.ge [sflag:s18], $0x8000  }
0x42d: {  	[sflag:s18] =	ssyncset.done $0x0  }
0x42e: {  	[sflag:s18] =	ssyncadd.s32 $0xFFFF8000  }
0x42f: {  	_ =	swait.ge [sflag:s18], $0x8000  }
0x430: {  	[sflag:s18] =	ssyncset.done $0x0  }
0x431: {  	[sflag:s18] =	ssyncadd.s32 $0xFFFF8000  }
0x432: {  	_ =	swait.ge [sflag:s19], $0x8000  }
0x433: {  	[sflag:s19] =	ssyncset.done $0x0  }
0x434: {  	[sflag:s19] =	ssyncadd.s32 $0xFFFF8000  }
0x435: {  	_ =	swait.ge [sflag:s19], $0x8000  }
0x436: {  	[sflag:s19] =	ssyncset.done $0x0  }
0x437: {  	[sflag:s19] =	ssyncadd.s32 $0xFFFF8000  }
0x438: {  	_ =	swait.ge [sflag:s19], $0x8000  }
0x439: {  	[sflag:s19] =	ssyncset.done $0x0  }
0x43a: {  	[sflag:s19] =	ssyncadd.s32 $0xFFFF8000  }
0x43b: {  	_ =	swait.ge [sflag:s19], $0x8000  }
0x43c: {  	[sflag:s19] =	ssyncset.done $0x0  }
0x43d: {  	s21 =	simm.s32 @!p0 $0x4;
	[sflag:s19] =	ssyncadd.s32 $0xFFFF8000  }
0x43e: {  	_ =	swait.ge @!p0 [sflag:s21], $0x2000  }
0x43f: {  	s20 =	sadd.s32 $0x1, s20;
	s25 =	rddreg [dreg:$0x18]  }
0x440: {  	p1 =	sne.s32 s20, s25  }
.Ltmp10:
0x441: {  	_ = 	snop;
	(pc) =	sbr.rel @p1 .LBB2_1-.Ltmp10, $3  }
0x442: {  	_ =	sdelay $0x1  }
0x443: {  	[sflag:s21] =	ssyncset.done @!p0 $0x0  }
0x444: {  	[sflag:s21] =	ssyncadd.s32 @!p0 $0xFFFFE000  }
0x445: {  	_ =	sfence.sel $0x180000  }
0x446: {  	[bflag:$0x0] =	sbarrier.arrive $0xFFFF  }
0x447: {  	_ =	strace $0x90000047  }
0x448: {  	s0 =	stileid.u32;
	[bflag:$0x2] =	sbarrier.arrive $0xFFFF  }
0x449: {  	p0 =	sne.s32 s0, $0x0;
	s0 =	rddreg [dreg:$0x2]  }
0x44a: {  	s0 =	sadd.s32 @!p0 $0x100000, s0  }
0x44b: {  	[sflag:s0] =	ssyncadd.tile.s32 @!p0 $0x1;
	_ =	shalt  }
.Lfunc_end2:
_tile_overlayer_lowered:
.L_overlay_start_2:
0x44c: {  	(tag) =	ssettag $0x2  }
0x44d: {  	s0 =	rddreg [dreg:$0x0];
	s2 =	stileid.u32  }
0x44e: {  	s1 =	rddreg [dreg:$0x1];
	p0 =	sne.s32 s2, $0x0  }
0x44f: {  	s3 =	rddreg [dreg:$0x2];
	[bflag:$0x3] =	sbarrier.arrive $0xFFFF;
	s2 =	simm.s32 @!p0 $0x1C05  }
0x450: {  	[timem:s3], [sflag:s2] =	dma.local @!p0 [hbm:s0], s1  }
0x451: {  	s0 =	simm.s32 @!p0 $0x5  }
0x452: {  	_ =	swait.ge @!p0 [sflag:s0], s1  }
0x453: {  	s1 =	ssub.s32 @!p0 $0x0, s1;
	[sflag:s0] =	ssyncset.done @!p0 $0x0  }
0x454: {  	[sflag:s0] =	ssyncadd.s32 @!p0 s1  }
0x455: {  	[bflag:$0x3] =	sbarrier.arrive $0xFFFF  }
0x456: {  	_ =	shalt  }

</sc_bundles>
